<compile_context>
chip_gen: v7x
topology: tpu7x:2x2x1
jax: 0.10.2.dev20260603
libtpu: 0.0.44.dev20260713+nightly
codegen_flags: <defaults>
</compile_context>

<pallas_src>
import functools

import jax
import jax.numpy as jnp
from jax import lax
from jax.experimental import pallas as pl
from jax.experimental.pallas import tpu as pltpu
from jax.experimental.pallas import tpu_sc as plsc

MAXLEN = 200
EMBED = 64
BATCH = 4096
NC, NS = 2, 16
NW = NC * NS
ROWS_W = BATCH // NW
NBUF = 2
LANES = 16
G1 = 128
G2 = MAXLEN - G1
OROWS = MAXLEN * EMBED // 128


def _body(x_hbm, tok_hbm, pos_hbm, out_hbm,
          idx_v, pos_v, buf, sbuf, g1s, g2s, ssem):
  wid = lax.axis_index("s") * NC + lax.axis_index("c")
  rbase = wid * ROWS_W

  pltpu.sync_copy(x_hbm.at[pl.ds(rbase, ROWS_W)], idx_v)
  pltpu.sync_copy(pos_hbm, pos_v)

  def g_start(r, b):
    pltpu.async_copy(tok_hbm.at[idx_v.at[r, pl.ds(0, G1)]],
                     buf.at[b, pl.ds(0, G1)], g1s.at[b])
    pltpu.async_copy(tok_hbm.at[idx_v.at[r, pl.ds(G1, G2)]],
                     buf.at[b, pl.ds(G1, G2)], g2s.at[b])

  def g_wait(r, b):
    pltpu.make_async_copy(tok_hbm.at[idx_v.at[r, pl.ds(0, G1)]],
                          buf.at[b, pl.ds(0, G1)], g1s.at[b]).wait()
    pltpu.make_async_copy(tok_hbm.at[idx_v.at[r, pl.ds(G1, G2)]],
                          buf.at[b, pl.ds(G1, G2)], g2s.at[b]).wait()

  def _dst(r):
    return out_hbm.at[pl.ds((rbase + r) * OROWS, OROWS)]

  def s_start(r, b):
    pltpu.async_copy(sbuf.at[b], _dst(r), ssem.at[b])

  def s_wait(r, b):
    pltpu.make_async_copy(sbuf.at[b], _dst(r), ssem.at[b]).wait()

  for b in range(NBUF - 1):
    g_start(b, b)

  @pl.loop(0, ROWS_W // NBUF)
  def _(t):
    for b in range(NBUF):
      r = t * NBUF + b
      bn = (b + NBUF - 1) % NBUF
      @pl.when(r + NBUF - 1 < ROWS_W)
      def _():
        @pl.when(r >= 1)
        def _():
          s_wait(r - 1, bn)
        g_start(r + NBUF - 1, bn)

      g_wait(r, b)
      bref = buf.at[b]

      @pl.loop(0, MAXLEN // 8)
      def _(i):
        for rr in range(8):
          for j in range(EMBED // LANES):
            sl = pl.ds(j * LANES, LANES)
            ol = pl.ds((rr % 2) * EMBED + j * LANES, LANES)
            sbuf[b, i * 4 + rr // 2, ol] = (
                bref[i * 8 + rr, sl] + pos_v[i * 8 + rr, sl])

      s_start(r, b)

  for b in range(NBUF):
    s_wait(ROWS_W - NBUF + b, b)


@functools.partial(
    pl.kernel,
    out_type=jax.ShapeDtypeStruct((BATCH * OROWS, 128), jnp.float32),
    mesh=plsc.VectorSubcoreMesh(
        core_axis_name="c", subcore_axis_name="s",
        num_cores=NC, num_subcores=NS),
    scratch_types=[
        pltpu.VMEM((ROWS_W, MAXLEN), jnp.int32),
        pltpu.VMEM((MAXLEN, EMBED), jnp.float32),
        pltpu.VMEM((NBUF, MAXLEN, EMBED), jnp.float32),
        pltpu.VMEM((NBUF, OROWS, 128), jnp.float32),
        pltpu.SemaphoreType.DMA((NBUF,)),
        pltpu.SemaphoreType.DMA((NBUF,)),
        pltpu.SemaphoreType.DMA((NBUF,)),
    ],
    compiler_params=pltpu.CompilerParams(use_tc_tiling_on_sc=False),
)
def _emb(x_hbm, tok_hbm, pos_hbm, out_hbm,
         idx_v, pos_v, buf, sbuf, g1s, g2s, ssem):
  _body(x_hbm, tok_hbm, pos_hbm, out_hbm,
        idx_v, pos_v, buf, sbuf, g1s, g2s, ssem)


@jax.jit
def kernel(x, token_table, pos_table):
  out = _emb(x.astype(jnp.int32), token_table, pos_table)
  return jnp.reshape(out, (BATCH, MAXLEN, EMBED))

# --- scband reference (transcript-rebuilt; emitter-appended) ---
"""Pipeline reference for scband-token-and-position-embedding-35613868819236 (READ-ONLY COPY).

The authoritative reference and input builder live on the scoring server;
editing this copy changes nothing except your own understanding.
"""

import jax, jax.numpy as jnp
import numpy as np

MAXLEN = 200
VOCAB_SIZE = 1000000
EMBED_DIM = 64
BATCH = 4096


def setup_inputs(seed: int = 0) -> dict:
    key = jax.random.key(seed)
    k1, k2, k3 = jax.random.split(key, 3)
    x = jax.random.randint(k1, (BATCH, MAXLEN), 0, VOCAB_SIZE, dtype=jnp.int64 if jax.config.jax_enable_x64 else jnp.int32)
    token_table = jax.random.normal(k2, (VOCAB_SIZE, EMBED_DIM), dtype=jnp.float32) * 0.05
    pos_table = jax.random.normal(k3, (MAXLEN, EMBED_DIM), dtype=jnp.float32) * 0.05
    return {"x": x, "token_table": token_table, "pos_table": pos_table}


def reference(x, token_table, pos_table):
    # TokenAndPositionEmbedding.call
    maxlen = x.shape[-1]
    positions = jnp.arange(0, maxlen)                      # [L]
    pos_emb = jnp.take(pos_table, positions, axis=0)        # [L, D]
    tok_emb = jnp.take(token_table, x, axis=0)              # [B, L, D]
    return tok_emb + pos_emb[None, :, :]

if __name__ == "__main__":
    import jax
    _d = setup_inputs()
    print(jax.jit(kernel)(*tuple(_d.values())))

</pallas_src>

<mosaic_0001>
#map = affine_map<(d0, d1) -> (0, 0)>
module attributes {stable_mosaic.version = 14 : i64} {
  func.func @_emb(%arg0: i32, %arg1: i32, %arg2: memref<4096x200xi32, #tpu.memory_space<hbm>>, %arg3: memref<1000000x64xf32, #tpu.memory_space<hbm>>, %arg4: memref<200x64xf32, #tpu.memory_space<hbm>>, %arg5: memref<409600x128xf32, #tpu.memory_space<hbm>>, %arg6: memref<128x200xi32, #tpu.memory_space<vmem>>, %arg7: memref<200x64xf32, #tpu.memory_space<vmem>>, %arg8: memref<2x200x64xf32, #tpu.memory_space<vmem>>, %arg9: memref<2x100x128xf32, #tpu.memory_space<vmem>>, %arg10: memref<2x!tpu.dma_semaphore, #tpu.memory_space<semaphore_mem>>, %arg11: memref<2x!tpu.dma_semaphore, #tpu.memory_space<semaphore_mem>>, %arg12: memref<2x!tpu.dma_semaphore, #tpu.memory_space<semaphore_mem>>) attributes {dimension_semantics = [#tpu.dimension_semantics<core_parallel>, #tpu.dimension_semantics<subcore_parallel>], iteration_bounds = array<i64: 2, 16>, scalar_prefetch = 0 : i64, scratch_operands = 7 : i64, tpu.core_type = #tpu.core_type<sc_vector_subcore>, window_params = [{transform_indices = #map}, {transform_indices = #map}, {transform_indices = #map}, {transform_indices = #map}]} {
    %mul3A = arith.constant 2 : i32
    %mul3A_0 = arith.muli %arg1, %mul3A : i32
    %add3A = arith.addi %mul3A_0, %arg0 : i32
    %mul3A_1 = arith.constant 128 : i32
    %mul3A_2 = arith.muli %add3A, %mul3A_1 : i32
    "tpu.region"() ({
      %run_scoped3A = tpu.sem_alloc : memref<!tpu.dma_semaphore, #tpu.memory_space<semaphore_mem>>
      %dma_start3A_75 = arith.constant 0 : i32
      %dma_start3A_76 = tpu.memref_slice %arg2[%mul3A_2, %dma_start3A_75] : memref<4096x200xi32, #tpu.memory_space<hbm>> -> memref<128x200xi32, #tpu.memory_space<hbm>>
      %dma_start3A_77 = arith.constant 0 : i32
      %dma_start3A_78 = tpu.memref_slice %arg2[%mul3A_2, %dma_start3A_77] : memref<4096x200xi32, #tpu.memory_space<hbm>> -> memref<128x200xi32, #tpu.memory_space<hbm>>
      tpu.enqueue_dma source(%dma_start3A_78 : memref<128x200xi32, #tpu.memory_space<hbm>>) target(%arg6 : memref<128x200xi32, #tpu.memory_space<vmem>>) target_semaphore(%run_scoped3A : memref<!tpu.dma_semaphore, #tpu.memory_space<semaphore_mem>>)
      %dma_wait3A_79 = arith.constant 0 : i32
      %dma_wait3A_80 = tpu.memref_slice %arg2[%mul3A_2, %dma_wait3A_79] : memref<4096x200xi32, #tpu.memory_space<hbm>> -> memref<128x200xi32, #tpu.memory_space<hbm>>
      %dma_wait3A_81 = arith.constant 0 : i32
      %dma_wait3A_82 = tpu.memref_slice %arg2[%mul3A_2, %dma_wait3A_81] : memref<4096x200xi32, #tpu.memory_space<hbm>> -> memref<128x200xi32, #tpu.memory_space<hbm>>
      tpu.wait_dma2 semaphore(%run_scoped3A : memref<!tpu.dma_semaphore, #tpu.memory_space<semaphore_mem>>) src(%dma_wait3A_82 : memref<128x200xi32, #tpu.memory_space<hbm>>) dst(%arg6 : memref<128x200xi32, #tpu.memory_space<vmem>>)
      tpu.yield
    }) : () -> ()
    "tpu.region"() ({
      %run_scoped3A = tpu.sem_alloc : memref<!tpu.dma_semaphore, #tpu.memory_space<semaphore_mem>>
      tpu.enqueue_dma source(%arg4 : memref<200x64xf32, #tpu.memory_space<hbm>>) target(%arg7 : memref<200x64xf32, #tpu.memory_space<vmem>>) target_semaphore(%run_scoped3A : memref<!tpu.dma_semaphore, #tpu.memory_space<semaphore_mem>>)
      tpu.wait_dma2 semaphore(%run_scoped3A : memref<!tpu.dma_semaphore, #tpu.memory_space<semaphore_mem>>) src(%arg4 : memref<200x64xf32, #tpu.memory_space<hbm>>) dst(%arg7 : memref<200x64xf32, #tpu.memory_space<vmem>>)
      tpu.yield
    }) : () -> ()
    %dma_start3A = arith.constant 0 : i32
    %dma_start3A_3 = arith.constant 0 : i32
    %dma_start3A_4 = arith.constant 0 : i32
    %dma_start3A_5 = arith.constant 0 : i32
    %dma_start3A_6 = arith.constant 0 : i32
    %dma_start3A_7 = tpu.memref_slice %arg8[%dma_start3A_3, %dma_start3A_5, %dma_start3A_6] : memref<2x200x64xf32, #tpu.memory_space<vmem>> -> memref<1x128x64xf32, #tpu.memory_space<vmem>>
    %dma_start3A_8 = tpu.memref_squeeze %dma_start3A_7 : memref<1x128x64xf32, #tpu.memory_space<vmem>> -> memref<128x64xf32, #tpu.memory_space<vmem>>
    %dma_start3A_9 = arith.constant 0 : i32
    %dma_start3A_10 = tpu.memref_slice %arg6[%dma_start3A, %dma_start3A_9] : memref<128x200xi32, #tpu.memory_space<vmem>> -> memref<1x128xi32, #tpu.memory_space<vmem>>
    %dma_start3A_11 = tpu.memref_squeeze %dma_start3A_10 : memref<1x128xi32, #tpu.memory_space<vmem>> -> memref<128xi32, #tpu.memory_space<vmem>>
    %dma_start3A_12 = arith.constant 0 : i32
    %dma_start3A_13 = arith.constant 0 : i32
    %dma_start3A_14 = tpu.memref_slice %arg3[%dma_start3A_12, %dma_start3A_13] : memref<1000000x64xf32, #tpu.memory_space<hbm>> -> memref<1000000x64xf32, #tpu.memory_space<hbm>>
    %dma_start3A_15 = tpu.memref_slice %arg10[%dma_start3A_4] : memref<2x!tpu.dma_semaphore, #tpu.memory_space<semaphore_mem>> -> memref<1x!tpu.dma_semaphore, #tpu.memory_space<semaphore_mem>>
    %dma_start3A_16 = tpu.memref_squeeze %dma_start3A_15 : memref<1x!tpu.dma_semaphore, #tpu.memory_space<semaphore_mem>> -> memref<!tpu.dma_semaphore, #tpu.memory_space<semaphore_mem>>
    tpu.enqueue_indirect_dma source(%dma_start3A_14 : memref<1000000x64xf32, #tpu.memory_space<hbm>>) target(%dma_start3A_8 : memref<128x64xf32, #tpu.memory_space<vmem>>) offsets(%dma_start3A_11 : memref<128xi32, #tpu.memory_space<vmem>>) semaphore(%dma_start3A_16 : memref<!tpu.dma_semaphore, #tpu.memory_space<semaphore_mem>>)
    %dma_start3A_17 = arith.constant 0 : i32
    %dma_start3A_18 = arith.constant 0 : i32
    %dma_start3A_19 = arith.constant 0 : i32
    %dma_start3A_20 = arith.constant 128 : i32
    %dma_start3A_21 = arith.constant 0 : i32
    %dma_start3A_22 = tpu.memref_slice %arg8[%dma_start3A_18, %dma_start3A_20, %dma_start3A_21] : memref<2x200x64xf32, #tpu.memory_space<vmem>> -> memref<1x72x64xf32, #tpu.memory_space<vmem>>
    %dma_start3A_23 = tpu.memref_squeeze %dma_start3A_22 : memref<1x72x64xf32, #tpu.memory_space<vmem>> -> memref<72x64xf32, #tpu.memory_space<vmem>>
    %dma_start3A_24 = arith.constant 128 : i32
    %dma_start3A_25 = tpu.memref_slice %arg6[%dma_start3A_17, %dma_start3A_24] : memref<128x200xi32, #tpu.memory_space<vmem>> -> memref<1x72xi32, #tpu.memory_space<vmem>>
    %dma_start3A_26 = tpu.memref_squeeze %dma_start3A_25 : memref<1x72xi32, #tpu.memory_space<vmem>> -> memref<72xi32, #tpu.memory_space<vmem>>
    %dma_start3A_27 = arith.constant 0 : i32
    %dma_start3A_28 = arith.constant 0 : i32
    %dma_start3A_29 = tpu.memref_slice %arg3[%dma_start3A_27, %dma_start3A_28] : memref<1000000x64xf32, #tpu.memory_space<hbm>> -> memref<1000000x64xf32, #tpu.memory_space<hbm>>
    %dma_start3A_30 = tpu.memref_slice %arg11[%dma_start3A_19] : memref<2x!tpu.dma_semaphore, #tpu.memory_space<semaphore_mem>> -> memref<1x!tpu.dma_semaphore, #tpu.memory_space<semaphore_mem>>
    %dma_start3A_31 = tpu.memref_squeeze %dma_start3A_30 : memref<1x!tpu.dma_semaphore, #tpu.memory_space<semaphore_mem>> -> memref<!tpu.dma_semaphore, #tpu.memory_space<semaphore_mem>>
    tpu.enqueue_indirect_dma source(%dma_start3A_29 : memref<1000000x64xf32, #tpu.memory_space<hbm>>) target(%dma_start3A_23 : memref<72x64xf32, #tpu.memory_space<vmem>>) offsets(%dma_start3A_26 : memref<72xi32, #tpu.memory_space<vmem>>) semaphore(%dma_start3A_31 : memref<!tpu.dma_semaphore, #tpu.memory_space<semaphore_mem>>)
    %scan3A = arith.constant 0 : i32
    %scan3A_32 = arith.constant 64 : i32
    %scan3A_33 = arith.addi %scan3A, %scan3A_32 : i32
    %scan3A_34 = arith.constant 1 : i32
    scf.for %scan3A_75 = %scan3A to %scan3A_33 step %scan3A_34  : i32 {
      %mul3A_76 = arith.constant 1 : i32
      %mul3A_77 = arith.muli %scan3A_75, %mul3A_76 : i32
      %add3A_78 = arith.constant 0 : i32
      %add3A_79 = arith.addi %add3A_78, %mul3A_77 : i32
      %mul3A_80 = arith.constant 2 : i32
      %mul3A_81 = arith.muli %add3A_79, %mul3A_80 : i32
      %add3A_82 = arith.constant 0 : i32
      %add3A_83 = arith.addi %mul3A_81, %add3A_82 : i32
      %add3A_84 = arith.constant 2 : i32
      %add3A_85 = arith.addi %add3A_83, %add3A_84 : i32
      %sub3A = arith.constant 1 : i32
      %sub3A_86 = arith.subi %add3A_85, %sub3A : i32
      %lt3A = arith.constant 128 : i32
      %lt3A_87 = arith.cmpi slt, %sub3A_86, %lt3A : i32
      %convert_element_type3A = arith.extui %lt3A_87 : i1 to i32
      %cond3A = arith.constant 0 : i32
      %cond3A_88 = arith.cmpi ne, %convert_element_type3A, %cond3A : i32
      scf.if %cond3A_88 {
        %ge3A = arith.constant 1 : i32
        %ge3A_208 = arith.cmpi sge, %add3A_83, %ge3A : i32
        %convert_element_type3A_209 = arith.extui %ge3A_208 : i1 to i32
        %cond3A_210 = arith.constant 0 : i32
        %cond3A_211 = arith.cmpi ne, %convert_element_type3A_209, %cond3A_210 : i32
        scf.if %cond3A_211 {
          %sub3A_244 = arith.constant 1 : i32
          %sub3A_245 = arith.subi %add3A_83, %sub3A_244 : i32
          %add3A_246 = arith.addi %mul3A_2, %sub3A_245 : i32
          %mul3A_247 = arith.constant 100 : i32
          %mul3A_248 = arith.muli %add3A_246, %mul3A_247 : i32
          %dma_wait3A_249 = arith.constant 1 : i32
          %dma_wait3A_250 = arith.constant 1 : i32
          %dma_wait3A_251 = arith.constant 0 : i32
          %dma_wait3A_252 = arith.constant 0 : i32
          %dma_wait3A_253 = tpu.memref_slice %arg9[%dma_wait3A_249, %dma_wait3A_251, %dma_wait3A_252] : memref<2x100x128xf32, #tpu.memory_space<vmem>> -> memref<1x100x128xf32, #tpu.memory_space<vmem>>
          %dma_wait3A_254 = tpu.memref_squeeze %dma_wait3A_253 : memref<1x100x128xf32, #tpu.memory_space<vmem>> -> memref<100x128xf32, #tpu.memory_space<vmem>>
          %dma_wait3A_255 = arith.constant 0 : i32
          %dma_wait3A_256 = tpu.memref_slice %arg5[%mul3A_248, %dma_wait3A_255] : memref<409600x128xf32, #tpu.memory_space<hbm>> -> memref<100x128xf32, #tpu.memory_space<hbm>>
          %dma_wait3A_257 = tpu.memref_slice %arg12[%dma_wait3A_250] : memref<2x!tpu.dma_semaphore, #tpu.memory_space<semaphore_mem>> -> memref<1x!tpu.dma_semaphore, #tpu.memory_space<semaphore_mem>>
          %dma_wait3A_258 = tpu.memref_squeeze %dma_wait3A_257 : memref<1x!tpu.dma_semaphore, #tpu.memory_space<semaphore_mem>> -> memref<!tpu.dma_semaphore, #tpu.memory_space<semaphore_mem>>
          %dma_wait3A_259 = arith.constant 0 : i32
          %dma_wait3A_260 = tpu.memref_slice %arg5[%mul3A_248, %dma_wait3A_259] : memref<409600x128xf32, #tpu.memory_space<hbm>> -> memref<100x128xf32, #tpu.memory_space<hbm>>
          %dma_wait3A_261 = arith.constant 0 : i32
          %dma_wait3A_262 = arith.constant 0 : i32
          %dma_wait3A_263 = tpu.memref_slice %arg9[%dma_wait3A_249, %dma_wait3A_261, %dma_wait3A_262] : memref<2x100x128xf32, #tpu.memory_space<vmem>> -> memref<1x100x128xf32, #tpu.memory_space<vmem>>
          %dma_wait3A_264 = tpu.memref_squeeze %dma_wait3A_263 : memref<1x100x128xf32, #tpu.memory_space<vmem>> -> memref<100x128xf32, #tpu.memory_space<vmem>>
          tpu.wait_dma2 semaphore(%dma_wait3A_258 : memref<!tpu.dma_semaphore, #tpu.memory_space<semaphore_mem>>) src(%dma_wait3A_264 : memref<100x128xf32, #tpu.memory_space<vmem>>) dst(%dma_wait3A_260 : memref<100x128xf32, #tpu.memory_space<hbm>>)
        } else {
        }
        %add3A_212 = arith.constant 2 : i32
        %add3A_213 = arith.addi %add3A_83, %add3A_212 : i32
        %sub3A_214 = arith.constant 1 : i32
        %sub3A_215 = arith.subi %add3A_213, %sub3A_214 : i32
        %dma_start3A_216 = arith.constant 1 : i32
        %dma_start3A_217 = arith.constant 1 : i32
        %dma_start3A_218 = arith.constant 0 : i32
        %dma_start3A_219 = arith.constant 0 : i32
        %dma_start3A_220 = tpu.memref_slice %arg8[%dma_start3A_216, %dma_start3A_218, %dma_start3A_219] : memref<2x200x64xf32, #tpu.memory_space<vmem>> -> memref<1x128x64xf32, #tpu.memory_space<vmem>>
        %dma_start3A_221 = tpu.memref_squeeze %dma_start3A_220 : memref<1x128x64xf32, #tpu.memory_space<vmem>> -> memref<128x64xf32, #tpu.memory_space<vmem>>
        %dma_start3A_222 = arith.constant 0 : i32
        %dma_start3A_223 = tpu.memref_slice %arg6[%sub3A_215, %dma_start3A_222] : memref<128x200xi32, #tpu.memory_space<vmem>> -> memref<1x128xi32, #tpu.memory_space<vmem>>
        %dma_start3A_224 = tpu.memref_squeeze %dma_start3A_223 : memref<1x128xi32, #tpu.memory_space<vmem>> -> memref<128xi32, #tpu.memory_space<vmem>>
        %dma_start3A_225 = arith.constant 0 : i32
        %dma_start3A_226 = arith.constant 0 : i32
        %dma_start3A_227 = tpu.memref_slice %arg3[%dma_start3A_225, %dma_start3A_226] : memref<1000000x64xf32, #tpu.memory_space<hbm>> -> memref<1000000x64xf32, #tpu.memory_space<hbm>>
        %dma_start3A_228 = tpu.memref_slice %arg10[%dma_start3A_217] : memref<2x!tpu.dma_semaphore, #tpu.memory_space<semaphore_mem>> -> memref<1x!tpu.dma_semaphore, #tpu.memory_space<semaphore_mem>>
        %dma_start3A_229 = tpu.memref_squeeze %dma_start3A_228 : memref<1x!tpu.dma_semaphore, #tpu.memory_space<semaphore_mem>> -> memref<!tpu.dma_semaphore, #tpu.memory_space<semaphore_mem>>
        tpu.enqueue_indirect_dma source(%dma_start3A_227 : memref<1000000x64xf32, #tpu.memory_space<hbm>>) target(%dma_start3A_221 : memref<128x64xf32, #tpu.memory_space<vmem>>) offsets(%dma_start3A_224 : memref<128xi32, #tpu.memory_space<vmem>>) semaphore(%dma_start3A_229 : memref<!tpu.dma_semaphore, #tpu.memory_space<semaphore_mem>>)
        %dma_start3A_230 = arith.constant 1 : i32
        %dma_start3A_231 = arith.constant 1 : i32
        %dma_start3A_232 = arith.constant 128 : i32
        %dma_start3A_233 = arith.constant 0 : i32
        %dma_start3A_234 = tpu.memref_slice %arg8[%dma_start3A_230, %dma_start3A_232, %dma_start3A_233] : memref<2x200x64xf32, #tpu.memory_space<vmem>> -> memref<1x72x64xf32, #tpu.memory_space<vmem>>
        %dma_start3A_235 = tpu.memref_squeeze %dma_start3A_234 : memref<1x72x64xf32, #tpu.memory_space<vmem>> -> memref<72x64xf32, #tpu.memory_space<vmem>>
        %dma_start3A_236 = arith.constant 128 : i32
        %dma_start3A_237 = tpu.memref_slice %arg6[%sub3A_215, %dma_start3A_236] : memref<128x200xi32, #tpu.memory_space<vmem>> -> memref<1x72xi32, #tpu.memory_space<vmem>>
        %dma_start3A_238 = tpu.memref_squeeze %dma_start3A_237 : memref<1x72xi32, #tpu.memory_space<vmem>> -> memref<72xi32, #tpu.memory_space<vmem>>
        %dma_start3A_239 = arith.constant 0 : i32
        %dma_start3A_240 = arith.constant 0 : i32
        %dma_start3A_241 = tpu.memref_slice %arg3[%dma_start3A_239, %dma_start3A_240] : memref<1000000x64xf32, #tpu.memory_space<hbm>> -> memref<1000000x64xf32, #tpu.memory_space<hbm>>
        %dma_start3A_242 = tpu.memref_slice %arg11[%dma_start3A_231] : memref<2x!tpu.dma_semaphore, #tpu.memory_space<semaphore_mem>> -> memref<1x!tpu.dma_semaphore, #tpu.memory_space<semaphore_mem>>
        %dma_start3A_243 = tpu.memref_squeeze %dma_start3A_242 : memref<1x!tpu.dma_semaphore, #tpu.memory_space<semaphore_mem>> -> memref<!tpu.dma_semaphore, #tpu.memory_space<semaphore_mem>>
        tpu.enqueue_indirect_dma source(%dma_start3A_241 : memref<1000000x64xf32, #tpu.memory_space<hbm>>) target(%dma_start3A_235 : memref<72x64xf32, #tpu.memory_space<vmem>>) offsets(%dma_start3A_238 : memref<72xi32, #tpu.memory_space<vmem>>) semaphore(%dma_start3A_243 : memref<!tpu.dma_semaphore, #tpu.memory_space<semaphore_mem>>)
      } else {
      }
      %dma_wait3A_89 = arith.constant 0 : i32
      %dma_wait3A_90 = arith.constant 0 : i32
      %dma_wait3A_91 = arith.constant 0 : i32
      %dma_wait3A_92 = arith.constant 0 : i32
      %dma_wait3A_93 = tpu.memref_slice %arg8[%dma_wait3A_89, %dma_wait3A_91, %dma_wait3A_92] : memref<2x200x64xf32, #tpu.memory_space<vmem>> -> memref<1x128x64xf32, #tpu.memory_space<vmem>>
      %dma_wait3A_94 = tpu.memref_squeeze %dma_wait3A_93 : memref<1x128x64xf32, #tpu.memory_space<vmem>> -> memref<128x64xf32, #tpu.memory_space<vmem>>
      %dma_wait3A_95 = arith.constant 0 : i32
      %dma_wait3A_96 = tpu.memref_slice %arg6[%add3A_83, %dma_wait3A_95] : memref<128x200xi32, #tpu.memory_space<vmem>> -> memref<1x128xi32, #tpu.memory_space<vmem>>
      %dma_wait3A_97 = tpu.memref_squeeze %dma_wait3A_96 : memref<1x128xi32, #tpu.memory_space<vmem>> -> memref<128xi32, #tpu.memory_space<vmem>>
      %dma_wait3A_98 = arith.constant 0 : i32
      %dma_wait3A_99 = arith.constant 0 : i32
      %dma_wait3A_100 = tpu.memref_slice %arg3[%dma_wait3A_98, %dma_wait3A_99] : memref<1000000x64xf32, #tpu.memory_space<hbm>> -> memref<1000000x64xf32, #tpu.memory_space<hbm>>
      %dma_wait3A_101 = tpu.memref_slice %arg10[%dma_wait3A_90] : memref<2x!tpu.dma_semaphore, #tpu.memory_space<semaphore_mem>> -> memref<1x!tpu.dma_semaphore, #tpu.memory_space<semaphore_mem>>
      %dma_wait3A_102 = tpu.memref_squeeze %dma_wait3A_101 : memref<1x!tpu.dma_semaphore, #tpu.memory_space<semaphore_mem>> -> memref<!tpu.dma_semaphore, #tpu.memory_space<semaphore_mem>>
      tpu.wait_indirect_dma semaphore(%dma_wait3A_102 : memref<!tpu.dma_semaphore, #tpu.memory_space<semaphore_mem>>) src(%dma_wait3A_100 : memref<1000000x64xf32, #tpu.memory_space<hbm>>) dst(%dma_wait3A_94 : memref<128x64xf32, #tpu.memory_space<vmem>>)
      %dma_wait3A_103 = arith.constant 0 : i32
      %dma_wait3A_104 = arith.constant 0 : i32
      %dma_wait3A_105 = arith.constant 128 : i32
      %dma_wait3A_106 = arith.constant 0 : i32
      %dma_wait3A_107 = tpu.memref_slice %arg8[%dma_wait3A_103, %dma_wait3A_105, %dma_wait3A_106] : memref<2x200x64xf32, #tpu.memory_space<vmem>> -> memref<1x72x64xf32, #tpu.memory_space<vmem>>
      %dma_wait3A_108 = tpu.memref_squeeze %dma_wait3A_107 : memref<1x72x64xf32, #tpu.memory_space<vmem>> -> memref<72x64xf32, #tpu.memory_space<vmem>>
      %dma_wait3A_109 = arith.constant 128 : i32
      %dma_wait3A_110 = tpu.memref_slice %arg6[%add3A_83, %dma_wait3A_109] : memref<128x200xi32, #tpu.memory_space<vmem>> -> memref<1x72xi32, #tpu.memory_space<vmem>>
      %dma_wait3A_111 = tpu.memref_squeeze %dma_wait3A_110 : memref<1x72xi32, #tpu.memory_space<vmem>> -> memref<72xi32, #tpu.memory_space<vmem>>
      %dma_wait3A_112 = arith.constant 0 : i32
      %dma_wait3A_113 = arith.constant 0 : i32
      %dma_wait3A_114 = tpu.memref_slice %arg3[%dma_wait3A_112, %dma_wait3A_113] : memref<1000000x64xf32, #tpu.memory_space<hbm>> -> memref<1000000x64xf32, #tpu.memory_space<hbm>>
      %dma_wait3A_115 = tpu.memref_slice %arg11[%dma_wait3A_104] : memref<2x!tpu.dma_semaphore, #tpu.memory_space<semaphore_mem>> -> memref<1x!tpu.dma_semaphore, #tpu.memory_space<semaphore_mem>>
      %dma_wait3A_116 = tpu.memref_squeeze %dma_wait3A_115 : memref<1x!tpu.dma_semaphore, #tpu.memory_space<semaphore_mem>> -> memref<!tpu.dma_semaphore, #tpu.memory_space<semaphore_mem>>
      tpu.wait_indirect_dma semaphore(%dma_wait3A_116 : memref<!tpu.dma_semaphore, #tpu.memory_space<semaphore_mem>>) src(%dma_wait3A_114 : memref<1000000x64xf32, #tpu.memory_space<hbm>>) dst(%dma_wait3A_108 : memref<72x64xf32, #tpu.memory_space<vmem>>)
      %scan3A_117 = arith.constant 0 : i32
      %scan3A_118 = arith.constant 0 : i32
      %scan3A_119 = arith.constant 25 : i32
      %scan3A_120 = arith.addi %scan3A_118, %scan3A_119 : i32
      %scan3A_121 = arith.constant 1 : i32
      scf.for %scan3A_208 = %scan3A_118 to %scan3A_120 step %scan3A_121  : i32 {
        %mul3A_209 = arith.constant 1 : i32
        %mul3A_210 = arith.muli %scan3A_208, %mul3A_209 : i32
        %add3A_211 = arith.constant 0 : i32
        %add3A_212 = arith.addi %add3A_211, %mul3A_210 : i32
        %mul3A_213 = arith.constant 8 : i32
        %mul3A_214 = arith.muli %add3A_212, %mul3A_213 : i32
        %add3A_215 = arith.constant 0 : i32
        %add3A_216 = arith.addi %mul3A_214, %add3A_215 : i32
        %get3A = arith.constant 0 : i32
        %get3A_217 = arith.constant 0 : i32
        %get3A_218 = tpu.memref_slice %arg8[%scan3A_117, %get3A, %get3A_217] : memref<2x200x64xf32, #tpu.memory_space<vmem>> -> memref<1x200x64xf32, #tpu.memory_space<vmem>>
        %get3A_219 = tpu.memref_squeeze %get3A_218 : memref<1x200x64xf32, #tpu.memory_space<vmem>> -> memref<200x64xf32, #tpu.memory_space<vmem>>
        %get3A_220 = arith.index_cast %add3A_216 : i32 to index
        %get3A_221 = arith.constant 0 : index
        %get3A_222 = tpu.vector_load %get3A_219[%get3A_220, %get3A_221] {strides = array<i32>} : memref<200x64xf32, #tpu.memory_space<vmem>>, vector<1x16xf32>,
        %get3A_223 = vector.shape_cast %get3A_222 : vector<1x16xf32> to vector<16xf32>
        %mul3A_224 = arith.constant 8 : i32
        %mul3A_225 = arith.muli %add3A_212, %mul3A_224 : i32
        %add3A_226 = arith.constant 0 : i32
        %add3A_227 = arith.addi %mul3A_225, %add3A_226 : i32
        %get3A_228 = arith.index_cast %add3A_227 : i32 to index
        %get3A_229 = arith.constant 0 : index
        %get3A_230 = tpu.vector_load %arg7[%get3A_228, %get3A_229] {strides = array<i32>} : memref<200x64xf32, #tpu.memory_space<vmem>>, vector<1x16xf32>,
        %get3A_231 = vector.shape_cast %get3A_230 : vector<1x16xf32> to vector<16xf32>
        %add3A_232 = arith.addf %get3A_223, %get3A_231 : vector<16xf32>
        %mul3A_233 = arith.constant 4 : i32
        %mul3A_234 = arith.muli %add3A_212, %mul3A_233 : i32
        %add3A_235 = arith.constant 0 : i32
        %add3A_236 = arith.addi %mul3A_234, %add3A_235 : i32
        %swap3A = arith.constant 0 : i32
        %swap3A_237 = arith.index_cast %swap3A : i32 to index
        %swap3A_238 = arith.index_cast %add3A_236 : i32 to index
        %swap3A_239 = arith.constant 0 : index
        %swap3A_240 = tpu.vector_load %arg9[%swap3A_237, %swap3A_238, %swap3A_239] {strides = array<i32>} : memref<2x100x128xf32, #tpu.memory_space<vmem>>, vector<1x1x16xf32>,
        %swap3A_241 = vector.shape_cast %swap3A_240 : vector<1x1x16xf32> to vector<16xf32>
        %swap3A_242 = vector.shape_cast %add3A_232 : vector<16xf32> to vector<1x1x16xf32>
        tpu.vector_store %arg9[%swap3A_237, %swap3A_238, %swap3A_239], %swap3A_242 {strides = array<i32>} : memref<2x100x128xf32, #tpu.memory_space<vmem>>, vector<1x1x16xf32>,
        %mul3A_243 = arith.constant 8 : i32
        %mul3A_244 = arith.muli %add3A_212, %mul3A_243 : i32
        %add3A_245 = arith.constant 0 : i32
        %add3A_246 = arith.addi %mul3A_244, %add3A_245 : i32
        %get3A_247 = arith.constant 0 : i32
        %get3A_248 = arith.constant 0 : i32
        %get3A_249 = tpu.memref_slice %arg8[%scan3A_117, %get3A_247, %get3A_248] : memref<2x200x64xf32, #tpu.memory_space<vmem>> -> memref<1x200x64xf32, #tpu.memory_space<vmem>>
        %get3A_250 = tpu.memref_squeeze %get3A_249 : memref<1x200x64xf32, #tpu.memory_space<vmem>> -> memref<200x64xf32, #tpu.memory_space<vmem>>
        %get3A_251 = arith.index_cast %add3A_246 : i32 to index
        %get3A_252 = arith.constant 16 : index
        %get3A_253 = tpu.vector_load %get3A_250[%get3A_251, %get3A_252] {strides = array<i32>} : memref<200x64xf32, #tpu.memory_space<vmem>>, vector<1x16xf32>,
        %get3A_254 = vector.shape_cast %get3A_253 : vector<1x16xf32> to vector<16xf32>
        %mul3A_255 = arith.constant 8 : i32
        %mul3A_256 = arith.muli %add3A_212, %mul3A_255 : i32
        %add3A_257 = arith.constant 0 : i32
        %add3A_258 = arith.addi %mul3A_256, %add3A_257 : i32
        %get3A_259 = arith.index_cast %add3A_258 : i32 to index
        %get3A_260 = arith.constant 16 : index
        %get3A_261 = tpu.vector_load %arg7[%get3A_259, %get3A_260] {strides = array<i32>} : memref<200x64xf32, #tpu.memory_space<vmem>>, vector<1x16xf32>,
        %get3A_262 = vector.shape_cast %get3A_261 : vector<1x16xf32> to vector<16xf32>
        %add3A_263 = arith.addf %get3A_254, %get3A_262 : vector<16xf32>
        %mul3A_264 = arith.constant 4 : i32
        %mul3A_265 = arith.muli %add3A_212, %mul3A_264 : i32
        %add3A_266 = arith.constant 0 : i32
        %add3A_267 = arith.addi %mul3A_265, %add3A_266 : i32
        %swap3A_268 = arith.constant 0 : i32
        %swap3A_269 = arith.index_cast %swap3A_268 : i32 to index
        %swap3A_270 = arith.index_cast %add3A_267 : i32 to index
        %swap3A_271 = arith.constant 16 : index
        %swap3A_272 = tpu.vector_load %arg9[%swap3A_269, %swap3A_270, %swap3A_271] {strides = array<i32>} : memref<2x100x128xf32, #tpu.memory_space<vmem>>, vector<1x1x16xf32>,
        %swap3A_273 = vector.shape_cast %swap3A_272 : vector<1x1x16xf32> to vector<16xf32>
        %swap3A_274 = vector.shape_cast %add3A_263 : vector<16xf32> to vector<1x1x16xf32>
        tpu.vector_store %arg9[%swap3A_269, %swap3A_270, %swap3A_271], %swap3A_274 {strides = array<i32>} : memref<2x100x128xf32, #tpu.memory_space<vmem>>, vector<1x1x16xf32>,
        %mul3A_275 = arith.constant 8 : i32
        %mul3A_276 = arith.muli %add3A_212, %mul3A_275 : i32
        %add3A_277 = arith.constant 0 : i32
        %add3A_278 = arith.addi %mul3A_276, %add3A_277 : i32
        %get3A_279 = arith.constant 0 : i32
        %get3A_280 = arith.constant 0 : i32
        %get3A_281 = tpu.memref_slice %arg8[%scan3A_117, %get3A_279, %get3A_280] : memref<2x200x64xf32, #tpu.memory_space<vmem>> -> memref<1x200x64xf32, #tpu.memory_space<vmem>>
        %get3A_282 = tpu.memref_squeeze %get3A_281 : memref<1x200x64xf32, #tpu.memory_space<vmem>> -> memref<200x64xf32, #tpu.memory_space<vmem>>
        %get3A_283 = arith.index_cast %add3A_278 : i32 to index
        %get3A_284 = arith.constant 32 : index
        %get3A_285 = tpu.vector_load %get3A_282[%get3A_283, %get3A_284] {strides = array<i32>} : memref<200x64xf32, #tpu.memory_space<vmem>>, vector<1x16xf32>,
        %get3A_286 = vector.shape_cast %get3A_285 : vector<1x16xf32> to vector<16xf32>
        %mul3A_287 = arith.constant 8 : i32
        %mul3A_288 = arith.muli %add3A_212, %mul3A_287 : i32
        %add3A_289 = arith.constant 0 : i32
        %add3A_290 = arith.addi %mul3A_288, %add3A_289 : i32
        %get3A_291 = arith.index_cast %add3A_290 : i32 to index
        %get3A_292 = arith.constant 32 : index
        %get3A_293 = tpu.vector_load %arg7[%get3A_291, %get3A_292] {strides = array<i32>} : memref<200x64xf32, #tpu.memory_space<vmem>>, vector<1x16xf32>,
        %get3A_294 = vector.shape_cast %get3A_293 : vector<1x16xf32> to vector<16xf32>
        %add3A_295 = arith.addf %get3A_286, %get3A_294 : vector<16xf32>
        %mul3A_296 = arith.constant 4 : i32
        %mul3A_297 = arith.muli %add3A_212, %mul3A_296 : i32
        %add3A_298 = arith.constant 0 : i32
        %add3A_299 = arith.addi %mul3A_297, %add3A_298 : i32
        %swap3A_300 = arith.constant 0 : i32
        %swap3A_301 = arith.index_cast %swap3A_300 : i32 to index
        %swap3A_302 = arith.index_cast %add3A_299 : i32 to index
        %swap3A_303 = arith.constant 32 : index
        %swap3A_304 = tpu.vector_load %arg9[%swap3A_301, %swap3A_302, %swap3A_303] {strides = array<i32>} : memref<2x100x128xf32, #tpu.memory_space<vmem>>, vector<1x1x16xf32>,
        %swap3A_305 = vector.shape_cast %swap3A_304 : vector<1x1x16xf32> to vector<16xf32>
        %swap3A_306 = vector.shape_cast %add3A_295 : vector<16xf32> to vector<1x1x16xf32>
        tpu.vector_store %arg9[%swap3A_301, %swap3A_302, %swap3A_303], %swap3A_306 {strides = array<i32>} : memref<2x100x128xf32, #tpu.memory_space<vmem>>, vector<1x1x16xf32>,
        %mul3A_307 = arith.constant 8 : i32
        %mul3A_308 = arith.muli %add3A_212, %mul3A_307 : i32
        %add3A_309 = arith.constant 0 : i32
        %add3A_310 = arith.addi %mul3A_308, %add3A_309 : i32
        %get3A_311 = arith.constant 0 : i32
        %get3A_312 = arith.constant 0 : i32
        %get3A_313 = tpu.memref_slice %arg8[%scan3A_117, %get3A_311, %get3A_312] : memref<2x200x64xf32, #tpu.memory_space<vmem>> -> memref<1x200x64xf32, #tpu.memory_space<vmem>>
        %get3A_314 = tpu.memref_squeeze %get3A_313 : memref<1x200x64xf32, #tpu.memory_space<vmem>> -> memref<200x64xf32, #tpu.memory_space<vmem>>
        %get3A_315 = arith.index_cast %add3A_310 : i32 to index
        %get3A_316 = arith.constant 48 : index
        %get3A_317 = tpu.vector_load %get3A_314[%get3A_315, %get3A_316] {strides = array<i32>} : memref<200x64xf32, #tpu.memory_space<vmem>>, vector<1x16xf32>,
        %get3A_318 = vector.shape_cast %get3A_317 : vector<1x16xf32> to vector<16xf32>
        %mul3A_319 = arith.constant 8 : i32
        %mul3A_320 = arith.muli %add3A_212, %mul3A_319 : i32
        %add3A_321 = arith.constant 0 : i32
        %add3A_322 = arith.addi %mul3A_320, %add3A_321 : i32
        %get3A_323 = arith.index_cast %add3A_322 : i32 to index
        %get3A_324 = arith.constant 48 : index
        %get3A_325 = tpu.vector_load %arg7[%get3A_323, %get3A_324] {strides = array<i32>} : memref<200x64xf32, #tpu.memory_space<vmem>>, vector<1x16xf32>,
        %get3A_326 = vector.shape_cast %get3A_325 : vector<1x16xf32> to vector<16xf32>
        %add3A_327 = arith.addf %get3A_318, %get3A_326 : vector<16xf32>
        %mul3A_328 = arith.constant 4 : i32
        %mul3A_329 = arith.muli %add3A_212, %mul3A_328 : i32
        %add3A_330 = arith.constant 0 : i32
        %add3A_331 = arith.addi %mul3A_329, %add3A_330 : i32
        %swap3A_332 = arith.constant 0 : i32
        %swap3A_333 = arith.index_cast %swap3A_332 : i32 to index
        %swap3A_334 = arith.index_cast %add3A_331 : i32 to index
        %swap3A_335 = arith.constant 48 : index
        %swap3A_336 = tpu.vector_load %arg9[%swap3A_333, %swap3A_334, %swap3A_335] {strides = array<i32>} : memref<2x100x128xf32, #tpu.memory_space<vmem>>, vector<1x1x16xf32>,
        %swap3A_337 = vector.shape_cast %swap3A_336 : vector<1x1x16xf32> to vector<16xf32>
        %swap3A_338 = vector.shape_cast %add3A_327 : vector<16xf32> to vector<1x1x16xf32>
        tpu.vector_store %arg9[%swap3A_333, %swap3A_334, %swap3A_335], %swap3A_338 {strides = array<i32>} : memref<2x100x128xf32, #tpu.memory_space<vmem>>, vector<1x1x16xf32>,
        %mul3A_339 = arith.constant 8 : i32
        %mul3A_340 = arith.muli %add3A_212, %mul3A_339 : i32
        %add3A_341 = arith.constant 1 : i32
        %add3A_342 = arith.addi %mul3A_340, %add3A_341 : i32
        %get3A_343 = arith.constant 0 : i32
        %get3A_344 = arith.constant 0 : i32
        %get3A_345 = tpu.memref_slice %arg8[%scan3A_117, %get3A_343, %get3A_344] : memref<2x200x64xf32, #tpu.memory_space<vmem>> -> memref<1x200x64xf32, #tpu.memory_space<vmem>>
        %get3A_346 = tpu.memref_squeeze %get3A_345 : memref<1x200x64xf32, #tpu.memory_space<vmem>> -> memref<200x64xf32, #tpu.memory_space<vmem>>
        %get3A_347 = arith.index_cast %add3A_342 : i32 to index
        %get3A_348 = arith.constant 0 : index
        %get3A_349 = tpu.vector_load %get3A_346[%get3A_347, %get3A_348] {strides = array<i32>} : memref<200x64xf32, #tpu.memory_space<vmem>>, vector<1x16xf32>,
        %get3A_350 = vector.shape_cast %get3A_349 : vector<1x16xf32> to vector<16xf32>
        %mul3A_351 = arith.constant 8 : i32
        %mul3A_352 = arith.muli %add3A_212, %mul3A_351 : i32
        %add3A_353 = arith.constant 1 : i32
        %add3A_354 = arith.addi %mul3A_352, %add3A_353 : i32
        %get3A_355 = arith.index_cast %add3A_354 : i32 to index
        %get3A_356 = arith.constant 0 : index
        %get3A_357 = tpu.vector_load %arg7[%get3A_355, %get3A_356] {strides = array<i32>} : memref<200x64xf32, #tpu.memory_space<vmem>>, vector<1x16xf32>,
        %get3A_358 = vector.shape_cast %get3A_357 : vector<1x16xf32> to vector<16xf32>
        %add3A_359 = arith.addf %get3A_350, %get3A_358 : vector<16xf32>
        %mul3A_360 = arith.constant 4 : i32
        %mul3A_361 = arith.muli %add3A_212, %mul3A_360 : i32
        %add3A_362 = arith.constant 0 : i32
        %add3A_363 = arith.addi %mul3A_361, %add3A_362 : i32
        %swap3A_364 = arith.constant 0 : i32
        %swap3A_365 = arith.index_cast %swap3A_364 : i32 to index
        %swap3A_366 = arith.index_cast %add3A_363 : i32 to index
        %swap3A_367 = arith.constant 64 : index
        %swap3A_368 = tpu.vector_load %arg9[%swap3A_365, %swap3A_366, %swap3A_367] {strides = array<i32>} : memref<2x100x128xf32, #tpu.memory_space<vmem>>, vector<1x1x16xf32>,
        %swap3A_369 = vector.shape_cast %swap3A_368 : vector<1x1x16xf32> to vector<16xf32>
        %swap3A_370 = vector.shape_cast %add3A_359 : vector<16xf32> to vector<1x1x16xf32>
        tpu.vector_store %arg9[%swap3A_365, %swap3A_366, %swap3A_367], %swap3A_370 {strides = array<i32>} : memref<2x100x128xf32, #tpu.memory_space<vmem>>, vector<1x1x16xf32>,
        %mul3A_371 = arith.constant 8 : i32
        %mul3A_372 = arith.muli %add3A_212, %mul3A_371 : i32
        %add3A_373 = arith.constant 1 : i32
        %add3A_374 = arith.addi %mul3A_372, %add3A_373 : i32
        %get3A_375 = arith.constant 0 : i32
        %get3A_376 = arith.constant 0 : i32
        %get3A_377 = tpu.memref_slice %arg8[%scan3A_117, %get3A_375, %get3A_376] : memref<2x200x64xf32, #tpu.memory_space<vmem>> -> memref<1x200x64xf32, #tpu.memory_space<vmem>>
        %get3A_378 = tpu.memref_squeeze %get3A_377 : memref<1x200x64xf32, #tpu.memory_space<vmem>> -> memref<200x64xf32, #tpu.memory_space<vmem>>
        %get3A_379 = arith.index_cast %add3A_374 : i32 to index
        %get3A_380 = arith.constant 16 : index
        %get3A_381 = tpu.vector_load %get3A_378[%get3A_379, %get3A_380] {strides = array<i32>} : memref<200x64xf32, #tpu.memory_space<vmem>>, vector<1x16xf32>,
        %get3A_382 = vector.shape_cast %get3A_381 : vector<1x16xf32> to vector<16xf32>
        %mul3A_383 = arith.constant 8 : i32
        %mul3A_384 = arith.muli %add3A_212, %mul3A_383 : i32
        %add3A_385 = arith.constant 1 : i32
        %add3A_386 = arith.addi %mul3A_384, %add3A_385 : i32
        %get3A_387 = arith.index_cast %add3A_386 : i32 to index
        %get3A_388 = arith.constant 16 : index
        %get3A_389 = tpu.vector_load %arg7[%get3A_387, %get3A_388] {strides = array<i32>} : memref<200x64xf32, #tpu.memory_space<vmem>>, vector<1x16xf32>,
        %get3A_390 = vector.shape_cast %get3A_389 : vector<1x16xf32> to vector<16xf32>
        %add3A_391 = arith.addf %get3A_382, %get3A_390 : vector<16xf32>
        %mul3A_392 = arith.constant 4 : i32
        %mul3A_393 = arith.muli %add3A_212, %mul3A_392 : i32
        %add3A_394 = arith.constant 0 : i32
        %add3A_395 = arith.addi %mul3A_393, %add3A_394 : i32
        %swap3A_396 = arith.constant 0 : i32
        %swap3A_397 = arith.index_cast %swap3A_396 : i32 to index
        %swap3A_398 = arith.index_cast %add3A_395 : i32 to index
        %swap3A_399 = arith.constant 80 : index
        %swap3A_400 = tpu.vector_load %arg9[%swap3A_397, %swap3A_398, %swap3A_399] {strides = array<i32>} : memref<2x100x128xf32, #tpu.memory_space<vmem>>, vector<1x1x16xf32>,
        %swap3A_401 = vector.shape_cast %swap3A_400 : vector<1x1x16xf32> to vector<16xf32>
        %swap3A_402 = vector.shape_cast %add3A_391 : vector<16xf32> to vector<1x1x16xf32>
        tpu.vector_store %arg9[%swap3A_397, %swap3A_398, %swap3A_399], %swap3A_402 {strides = array<i32>} : memref<2x100x128xf32, #tpu.memory_space<vmem>>, vector<1x1x16xf32>,
        %mul3A_403 = arith.constant 8 : i32
        %mul3A_404 = arith.muli %add3A_212, %mul3A_403 : i32
        %add3A_405 = arith.constant 1 : i32
        %add3A_406 = arith.addi %mul3A_404, %add3A_405 : i32
        %get3A_407 = arith.constant 0 : i32
        %get3A_408 = arith.constant 0 : i32
        %get3A_409 = tpu.memref_slice %arg8[%scan3A_117, %get3A_407, %get3A_408] : memref<2x200x64xf32, #tpu.memory_space<vmem>> -> memref<1x200x64xf32, #tpu.memory_space<vmem>>
        %get3A_410 = tpu.memref_squeeze %get3A_409 : memref<1x200x64xf32, #tpu.memory_space<vmem>> -> memref<200x64xf32, #tpu.memory_space<vmem>>
        %get3A_411 = arith.index_cast %add3A_406 : i32 to index
        %get3A_412 = arith.constant 32 : index
        %get3A_413 = tpu.vector_load %get3A_410[%get3A_411, %get3A_412] {strides = array<i32>} : memref<200x64xf32, #tpu.memory_space<vmem>>, vector<1x16xf32>,
        %get3A_414 = vector.shape_cast %get3A_413 : vector<1x16xf32> to vector<16xf32>
        %mul3A_415 = arith.constant 8 : i32
        %mul3A_416 = arith.muli %add3A_212, %mul3A_415 : i32
        %add3A_417 = arith.constant 1 : i32
        %add3A_418 = arith.addi %mul3A_416, %add3A_417 : i32
        %get3A_419 = arith.index_cast %add3A_418 : i32 to index
        %get3A_420 = arith.constant 32 : index
        %get3A_421 = tpu.vector_load %arg7[%get3A_419, %get3A_420] {strides = array<i32>} : memref<200x64xf32, #tpu.memory_space<vmem>>, vector<1x16xf32>,
        %get3A_422 = vector.shape_cast %get3A_421 : vector<1x16xf32> to vector<16xf32>
        %add3A_423 = arith.addf %get3A_414, %get3A_422 : vector<16xf32>
        %mul3A_424 = arith.constant 4 : i32
        %mul3A_425 = arith.muli %add3A_212, %mul3A_424 : i32
        %add3A_426 = arith.constant 0 : i32
        %add3A_427 = arith.addi %mul3A_425, %add3A_426 : i32
        %swap3A_428 = arith.constant 0 : i32
        %swap3A_429 = arith.index_cast %swap3A_428 : i32 to index
        %swap3A_430 = arith.index_cast %add3A_427 : i32 to index
        %swap3A_431 = arith.constant 96 : index
        %swap3A_432 = tpu.vector_load %arg9[%swap3A_429, %swap3A_430, %swap3A_431] {strides = array<i32>} : memref<2x100x128xf32, #tpu.memory_space<vmem>>, vector<1x1x16xf32>,
        %swap3A_433 = vector.shape_cast %swap3A_432 : vector<1x1x16xf32> to vector<16xf32>
        %swap3A_434 = vector.shape_cast %add3A_423 : vector<16xf32> to vector<1x1x16xf32>
        tpu.vector_store %arg9[%swap3A_429, %swap3A_430, %swap3A_431], %swap3A_434 {strides = array<i32>} : memref<2x100x128xf32, #tpu.memory_space<vmem>>, vector<1x1x16xf32>,
        %mul3A_435 = arith.constant 8 : i32
        %mul3A_436 = arith.muli %add3A_212, %mul3A_435 : i32
        %add3A_437 = arith.constant 1 : i32
        %add3A_438 = arith.addi %mul3A_436, %add3A_437 : i32
        %get3A_439 = arith.constant 0 : i32
        %get3A_440 = arith.constant 0 : i32
        %get3A_441 = tpu.memref_slice %arg8[%scan3A_117, %get3A_439, %get3A_440] : memref<2x200x64xf32, #tpu.memory_space<vmem>> -> memref<1x200x64xf32, #tpu.memory_space<vmem>>
        %get3A_442 = tpu.memref_squeeze %get3A_441 : memref<1x200x64xf32, #tpu.memory_space<vmem>> -> memref<200x64xf32, #tpu.memory_space<vmem>>
        %get3A_443 = arith.index_cast %add3A_438 : i32 to index
        %get3A_444 = arith.constant 48 : index
        %get3A_445 = tpu.vector_load %get3A_442[%get3A_443, %get3A_444] {strides = array<i32>} : memref<200x64xf32, #tpu.memory_space<vmem>>, vector<1x16xf32>,
        %get3A_446 = vector.shape_cast %get3A_445 : vector<1x16xf32> to vector<16xf32>
        %mul3A_447 = arith.constant 8 : i32
        %mul3A_448 = arith.muli %add3A_212, %mul3A_447 : i32
        %add3A_449 = arith.constant 1 : i32
        %add3A_450 = arith.addi %mul3A_448, %add3A_449 : i32
        %get3A_451 = arith.index_cast %add3A_450 : i32 to index
        %get3A_452 = arith.constant 48 : index
        %get3A_453 = tpu.vector_load %arg7[%get3A_451, %get3A_452] {strides = array<i32>} : memref<200x64xf32, #tpu.memory_space<vmem>>, vector<1x16xf32>,
        %get3A_454 = vector.shape_cast %get3A_453 : vector<1x16xf32> to vector<16xf32>
        %add3A_455 = arith.addf %get3A_446, %get3A_454 : vector<16xf32>
        %mul3A_456 = arith.constant 4 : i32
        %mul3A_457 = arith.muli %add3A_212, %mul3A_456 : i32
        %add3A_458 = arith.constant 0 : i32
        %add3A_459 = arith.addi %mul3A_457, %add3A_458 : i32
        %swap3A_460 = arith.constant 0 : i32
        %swap3A_461 = arith.index_cast %swap3A_460 : i32 to index
        %swap3A_462 = arith.index_cast %add3A_459 : i32 to index
        %swap3A_463 = arith.constant 112 : index
        %swap3A_464 = tpu.vector_load %arg9[%swap3A_461, %swap3A_462, %swap3A_463] {strides = array<i32>} : memref<2x100x128xf32, #tpu.memory_space<vmem>>, vector<1x1x16xf32>,
        %swap3A_465 = vector.shape_cast %swap3A_464 : vector<1x1x16xf32> to vector<16xf32>
        %swap3A_466 = vector.shape_cast %add3A_455 : vector<16xf32> to vector<1x1x16xf32>
        tpu.vector_store %arg9[%swap3A_461, %swap3A_462, %swap3A_463], %swap3A_466 {strides = array<i32>} : memref<2x100x128xf32, #tpu.memory_space<vmem>>, vector<1x1x16xf32>,
        %mul3A_467 = arith.constant 8 : i32
        %mul3A_468 = arith.muli %add3A_212, %mul3A_467 : i32
        %add3A_469 = arith.constant 2 : i32
        %add3A_470 = arith.addi %mul3A_468, %add3A_469 : i32
        %get3A_471 = arith.constant 0 : i32
        %get3A_472 = arith.constant 0 : i32
        %get3A_473 = tpu.memref_slice %arg8[%scan3A_117, %get3A_471, %get3A_472] : memref<2x200x64xf32, #tpu.memory_space<vmem>> -> memref<1x200x64xf32, #tpu.memory_space<vmem>>
        %get3A_474 = tpu.memref_squeeze %get3A_473 : memref<1x200x64xf32, #tpu.memory_space<vmem>> -> memref<200x64xf32, #tpu.memory_space<vmem>>
        %get3A_475 = arith.index_cast %add3A_470 : i32 to index
        %get3A_476 = arith.constant 0 : index
        %get3A_477 = tpu.vector_load %get3A_474[%get3A_475, %get3A_476] {strides = array<i32>} : memref<200x64xf32, #tpu.memory_space<vmem>>, vector<1x16xf32>,
        %get3A_478 = vector.shape_cast %get3A_477 : vector<1x16xf32> to vector<16xf32>
        %mul3A_479 = arith.constant 8 : i32
        %mul3A_480 = arith.muli %add3A_212, %mul3A_479 : i32
        %add3A_481 = arith.constant 2 : i32
        %add3A_482 = arith.addi %mul3A_480, %add3A_481 : i32
        %get3A_483 = arith.index_cast %add3A_482 : i32 to index
        %get3A_484 = arith.constant 0 : index
        %get3A_485 = tpu.vector_load %arg7[%get3A_483, %get3A_484] {strides = array<i32>} : memref<200x64xf32, #tpu.memory_space<vmem>>, vector<1x16xf32>,
        %get3A_486 = vector.shape_cast %get3A_485 : vector<1x16xf32> to vector<16xf32>
        %add3A_487 = arith.addf %get3A_478, %get3A_486 : vector<16xf32>
        %mul3A_488 = arith.constant 4 : i32
        %mul3A_489 = arith.muli %add3A_212, %mul3A_488 : i32
        %add3A_490 = arith.constant 1 : i32
        %add3A_491 = arith.addi %mul3A_489, %add3A_490 : i32
        %swap3A_492 = arith.constant 0 : i32
        %swap3A_493 = arith.index_cast %swap3A_492 : i32 to index
        %swap3A_494 = arith.index_cast %add3A_491 : i32 to index
        %swap3A_495 = arith.constant 0 : index
        %swap3A_496 = tpu.vector_load %arg9[%swap3A_493, %swap3A_494, %swap3A_495] {strides = array<i32>} : memref<2x100x128xf32, #tpu.memory_space<vmem>>, vector<1x1x16xf32>,
        %swap3A_497 = vector.shape_cast %swap3A_496 : vector<1x1x16xf32> to vector<16xf32>
        %swap3A_498 = vector.shape_cast %add3A_487 : vector<16xf32> to vector<1x1x16xf32>
        tpu.vector_store %arg9[%swap3A_493, %swap3A_494, %swap3A_495], %swap3A_498 {strides = array<i32>} : memref<2x100x128xf32, #tpu.memory_space<vmem>>, vector<1x1x16xf32>,
        %mul3A_499 = arith.constant 8 : i32
        %mul3A_500 = arith.muli %add3A_212, %mul3A_499 : i32
        %add3A_501 = arith.constant 2 : i32
        %add3A_502 = arith.addi %mul3A_500, %add3A_501 : i32
        %get3A_503 = arith.constant 0 : i32
        %get3A_504 = arith.constant 0 : i32
        %get3A_505 = tpu.memref_slice %arg8[%scan3A_117, %get3A_503, %get3A_504] : memref<2x200x64xf32, #tpu.memory_space<vmem>> -> memref<1x200x64xf32, #tpu.memory_space<vmem>>
        %get3A_506 = tpu.memref_squeeze %get3A_505 : memref<1x200x64xf32, #tpu.memory_space<vmem>> -> memref<200x64xf32, #tpu.memory_space<vmem>>
        %get3A_507 = arith.index_cast %add3A_502 : i32 to index
        %get3A_508 = arith.constant 16 : index
        %get3A_509 = tpu.vector_load %get3A_506[%get3A_507, %get3A_508] {strides = array<i32>} : memref<200x64xf32, #tpu.memory_space<vmem>>, vector<1x16xf32>,
        %get3A_510 = vector.shape_cast %get3A_509 : vector<1x16xf32> to vector<16xf32>
        %mul3A_511 = arith.constant 8 : i32
        %mul3A_512 = arith.muli %add3A_212, %mul3A_511 : i32
        %add3A_513 = arith.constant 2 : i32
        %add3A_514 = arith.addi %mul3A_512, %add3A_513 : i32
        %get3A_515 = arith.index_cast %add3A_514 : i32 to index
        %get3A_516 = arith.constant 16 : index
        %get3A_517 = tpu.vector_load %arg7[%get3A_515, %get3A_516] {strides = array<i32>} : memref<200x64xf32, #tpu.memory_space<vmem>>, vector<1x16xf32>,
        %get3A_518 = vector.shape_cast %get3A_517 : vector<1x16xf32> to vector<16xf32>
        %add3A_519 = arith.addf %get3A_510, %get3A_518 : vector<16xf32>
        %mul3A_520 = arith.constant 4 : i32
        %mul3A_521 = arith.muli %add3A_212, %mul3A_520 : i32
        %add3A_522 = arith.constant 1 : i32
        %add3A_523 = arith.addi %mul3A_521, %add3A_522 : i32
        %swap3A_524 = arith.constant 0 : i32
        %swap3A_525 = arith.index_cast %swap3A_524 : i32 to index
        %swap3A_526 = arith.index_cast %add3A_523 : i32 to index
        %swap3A_527 = arith.constant 16 : index
        %swap3A_528 = tpu.vector_load %arg9[%swap3A_525, %swap3A_526, %swap3A_527] {strides = array<i32>} : memref<2x100x128xf32, #tpu.memory_space<vmem>>, vector<1x1x16xf32>,
        %swap3A_529 = vector.shape_cast %swap3A_528 : vector<1x1x16xf32> to vector<16xf32>
        %swap3A_530 = vector.shape_cast %add3A_519 : vector<16xf32> to vector<1x1x16xf32>
        tpu.vector_store %arg9[%swap3A_525, %swap3A_526, %swap3A_527], %swap3A_530 {strides = array<i32>} : memref<2x100x128xf32, #tpu.memory_space<vmem>>, vector<1x1x16xf32>,
        %mul3A_531 = arith.constant 8 : i32
        %mul3A_532 = arith.muli %add3A_212, %mul3A_531 : i32
        %add3A_533 = arith.constant 2 : i32
        %add3A_534 = arith.addi %mul3A_532, %add3A_533 : i32
        %get3A_535 = arith.constant 0 : i32
        %get3A_536 = arith.constant 0 : i32
        %get3A_537 = tpu.memref_slice %arg8[%scan3A_117, %get3A_535, %get3A_536] : memref<2x200x64xf32, #tpu.memory_space<vmem>> -> memref<1x200x64xf32, #tpu.memory_space<vmem>>
        %get3A_538 = tpu.memref_squeeze %get3A_537 : memref<1x200x64xf32, #tpu.memory_space<vmem>> -> memref<200x64xf32, #tpu.memory_space<vmem>>
        %get3A_539 = arith.index_cast %add3A_534 : i32 to index
        %get3A_540 = arith.constant 32 : index
        %get3A_541 = tpu.vector_load %get3A_538[%get3A_539, %get3A_540] {strides = array<i32>} : memref<200x64xf32, #tpu.memory_space<vmem>>, vector<1x16xf32>,
        %get3A_542 = vector.shape_cast %get3A_541 : vector<1x16xf32> to vector<16xf32>
        %mul3A_543 = arith.constant 8 : i32
        %mul3A_544 = arith.muli %add3A_212, %mul3A_543 : i32
        %add3A_545 = arith.constant 2 : i32
        %add3A_546 = arith.addi %mul3A_544, %add3A_545 : i32
        %get3A_547 = arith.index_cast %add3A_546 : i32 to index
        %get3A_548 = arith.constant 32 : index
        %get3A_549 = tpu.vector_load %arg7[%get3A_547, %get3A_548] {strides = array<i32>} : memref<200x64xf32, #tpu.memory_space<vmem>>, vector<1x16xf32>,
        %get3A_550 = vector.shape_cast %get3A_549 : vector<1x16xf32> to vector<16xf32>
        %add3A_551 = arith.addf %get3A_542, %get3A_550 : vector<16xf32>
        %mul3A_552 = arith.constant 4 : i32
        %mul3A_553 = arith.muli %add3A_212, %mul3A_552 : i32
        %add3A_554 = arith.constant 1 : i32
        %add3A_555 = arith.addi %mul3A_553, %add3A_554 : i32
        %swap3A_556 = arith.constant 0 : i32
        %swap3A_557 = arith.index_cast %swap3A_556 : i32 to index
        %swap3A_558 = arith.index_cast %add3A_555 : i32 to index
        %swap3A_559 = arith.constant 32 : index
        %swap3A_560 = tpu.vector_load %arg9[%swap3A_557, %swap3A_558, %swap3A_559] {strides = array<i32>} : memref<2x100x128xf32, #tpu.memory_space<vmem>>, vector<1x1x16xf32>,
        %swap3A_561 = vector.shape_cast %swap3A_560 : vector<1x1x16xf32> to vector<16xf32>
        %swap3A_562 = vector.shape_cast %add3A_551 : vector<16xf32> to vector<1x1x16xf32>
        tpu.vector_store %arg9[%swap3A_557, %swap3A_558, %swap3A_559], %swap3A_562 {strides = array<i32>} : memref<2x100x128xf32, #tpu.memory_space<vmem>>, vector<1x1x16xf32>,
        %mul3A_563 = arith.constant 8 : i32
        %mul3A_564 = arith.muli %add3A_212, %mul3A_563 : i32
        %add3A_565 = arith.constant 2 : i32
        %add3A_566 = arith.addi %mul3A_564, %add3A_565 : i32
        %get3A_567 = arith.constant 0 : i32
        %get3A_568 = arith.constant 0 : i32
        %get3A_569 = tpu.memref_slice %arg8[%scan3A_117, %get3A_567, %get3A_568] : memref<2x200x64xf32, #tpu.memory_space<vmem>> -> memref<1x200x64xf32, #tpu.memory_space<vmem>>
        %get3A_570 = tpu.memref_squeeze %get3A_569 : memref<1x200x64xf32, #tpu.memory_space<vmem>> -> memref<200x64xf32, #tpu.memory_space<vmem>>
        %get3A_571 = arith.index_cast %add3A_566 : i32 to index
        %get3A_572 = arith.constant 48 : index
        %get3A_573 = tpu.vector_load %get3A_570[%get3A_571, %get3A_572] {strides = array<i32>} : memref<200x64xf32, #tpu.memory_space<vmem>>, vector<1x16xf32>,
        %get3A_574 = vector.shape_cast %get3A_573 : vector<1x16xf32> to vector<16xf32>
        %mul3A_575 = arith.constant 8 : i32
        %mul3A_576 = arith.muli %add3A_212, %mul3A_575 : i32
        %add3A_577 = arith.constant 2 : i32
        %add3A_578 = arith.addi %mul3A_576, %add3A_577 : i32
        %get3A_579 = arith.index_cast %add3A_578 : i32 to index
        %get3A_580 = arith.constant 48 : index
        %get3A_581 = tpu.vector_load %arg7[%get3A_579, %get3A_580] {strides = array<i32>} : memref<200x64xf32, #tpu.memory_space<vmem>>, vector<1x16xf32>,
        %get3A_582 = vector.shape_cast %get3A_581 : vector<1x16xf32> to vector<16xf32>
        %add3A_583 = arith.addf %get3A_574, %get3A_582 : vector<16xf32>
        %mul3A_584 = arith.constant 4 : i32
        %mul3A_585 = arith.muli %add3A_212, %mul3A_584 : i32
        %add3A_586 = arith.constant 1 : i32
        %add3A_587 = arith.addi %mul3A_585, %add3A_586 : i32
        %swap3A_588 = arith.constant 0 : i32
        %swap3A_589 = arith.index_cast %swap3A_588 : i32 to index
        %swap3A_590 = arith.index_cast %add3A_587 : i32 to index
        %swap3A_591 = arith.constant 48 : index
        %swap3A_592 = tpu.vector_load %arg9[%swap3A_589, %swap3A_590, %swap3A_591] {strides = array<i32>} : memref<2x100x128xf32, #tpu.memory_space<vmem>>, vector<1x1x16xf32>,
        %swap3A_593 = vector.shape_cast %swap3A_592 : vector<1x1x16xf32> to vector<16xf32>
        %swap3A_594 = vector.shape_cast %add3A_583 : vector<16xf32> to vector<1x1x16xf32>
        tpu.vector_store %arg9[%swap3A_589, %swap3A_590, %swap3A_591], %swap3A_594 {strides = array<i32>} : memref<2x100x128xf32, #tpu.memory_space<vmem>>, vector<1x1x16xf32>,
        %mul3A_595 = arith.constant 8 : i32
        %mul3A_596 = arith.muli %add3A_212, %mul3A_595 : i32
        %add3A_597 = arith.constant 3 : i32
        %add3A_598 = arith.addi %mul3A_596, %add3A_597 : i32
        %get3A_599 = arith.constant 0 : i32
        %get3A_600 = arith.constant 0 : i32
        %get3A_601 = tpu.memref_slice %arg8[%scan3A_117, %get3A_599, %get3A_600] : memref<2x200x64xf32, #tpu.memory_space<vmem>> -> memref<1x200x64xf32, #tpu.memory_space<vmem>>
        %get3A_602 = tpu.memref_squeeze %get3A_601 : memref<1x200x64xf32, #tpu.memory_space<vmem>> -> memref<200x64xf32, #tpu.memory_space<vmem>>
        %get3A_603 = arith.index_cast %add3A_598 : i32 to index
        %get3A_604 = arith.constant 0 : index
        %get3A_605 = tpu.vector_load %get3A_602[%get3A_603, %get3A_604] {strides = array<i32>} : memref<200x64xf32, #tpu.memory_space<vmem>>, vector<1x16xf32>,
        %get3A_606 = vector.shape_cast %get3A_605 : vector<1x16xf32> to vector<16xf32>
        %mul3A_607 = arith.constant 8 : i32
        %mul3A_608 = arith.muli %add3A_212, %mul3A_607 : i32
        %add3A_609 = arith.constant 3 : i32
        %add3A_610 = arith.addi %mul3A_608, %add3A_609 : i32
        %get3A_611 = arith.index_cast %add3A_610 : i32 to index
        %get3A_612 = arith.constant 0 : index
        %get3A_613 = tpu.vector_load %arg7[%get3A_611, %get3A_612] {strides = array<i32>} : memref<200x64xf32, #tpu.memory_space<vmem>>, vector<1x16xf32>,
        %get3A_614 = vector.shape_cast %get3A_613 : vector<1x16xf32> to vector<16xf32>
        %add3A_615 = arith.addf %get3A_606, %get3A_614 : vector<16xf32>
        %mul3A_616 = arith.constant 4 : i32
        %mul3A_617 = arith.muli %add3A_212, %mul3A_616 : i32
        %add3A_618 = arith.constant 1 : i32
        %add3A_619 = arith.addi %mul3A_617, %add3A_618 : i32
        %swap3A_620 = arith.constant 0 : i32
        %swap3A_621 = arith.index_cast %swap3A_620 : i32 to index
        %swap3A_622 = arith.index_cast %add3A_619 : i32 to index
        %swap3A_623 = arith.constant 64 : index
        %swap3A_624 = tpu.vector_load %arg9[%swap3A_621, %swap3A_622, %swap3A_623] {strides = array<i32>} : memref<2x100x128xf32, #tpu.memory_space<vmem>>, vector<1x1x16xf32>,
        %swap3A_625 = vector.shape_cast %swap3A_624 : vector<1x1x16xf32> to vector<16xf32>
        %swap3A_626 = vector.shape_cast %add3A_615 : vector<16xf32> to vector<1x1x16xf32>
        tpu.vector_store %arg9[%swap3A_621, %swap3A_622, %swap3A_623], %swap3A_626 {strides = array<i32>} : memref<2x100x128xf32, #tpu.memory_space<vmem>>, vector<1x1x16xf32>,
        %mul3A_627 = arith.constant 8 : i32
        %mul3A_628 = arith.muli %add3A_212, %mul3A_627 : i32
        %add3A_629 = arith.constant 3 : i32
        %add3A_630 = arith.addi %mul3A_628, %add3A_629 : i32
        %get3A_631 = arith.constant 0 : i32
        %get3A_632 = arith.constant 0 : i32
        %get3A_633 = tpu.memref_slice %arg8[%scan3A_117, %get3A_631, %get3A_632] : memref<2x200x64xf32, #tpu.memory_space<vmem>> -> memref<1x200x64xf32, #tpu.memory_space<vmem>>
        %get3A_634 = tpu.memref_squeeze %get3A_633 : memref<1x200x64xf32, #tpu.memory_space<vmem>> -> memref<200x64xf32, #tpu.memory_space<vmem>>
        %get3A_635 = arith.index_cast %add3A_630 : i32 to index
        %get3A_636 = arith.constant 16 : index
        %get3A_637 = tpu.vector_load %get3A_634[%get3A_635, %get3A_636] {strides = array<i32>} : memref<200x64xf32, #tpu.memory_space<vmem>>, vector<1x16xf32>,
        %get3A_638 = vector.shape_cast %get3A_637 : vector<1x16xf32> to vector<16xf32>
        %mul3A_639 = arith.constant 8 : i32
        %mul3A_640 = arith.muli %add3A_212, %mul3A_639 : i32
        %add3A_641 = arith.constant 3 : i32
        %add3A_642 = arith.addi %mul3A_640, %add3A_641 : i32
        %get3A_643 = arith.index_cast %add3A_642 : i32 to index
        %get3A_644 = arith.constant 16 : index
        %get3A_645 = tpu.vector_load %arg7[%get3A_643, %get3A_644] {strides = array<i32>} : memref<200x64xf32, #tpu.memory_space<vmem>>, vector<1x16xf32>,
        %get3A_646 = vector.shape_cast %get3A_645 : vector<1x16xf32> to vector<16xf32>
        %add3A_647 = arith.addf %get3A_638, %get3A_646 : vector<16xf32>
        %mul3A_648 = arith.constant 4 : i32
        %mul3A_649 = arith.muli %add3A_212, %mul3A_648 : i32
        %add3A_650 = arith.constant 1 : i32
        %add3A_651 = arith.addi %mul3A_649, %add3A_650 : i32
        %swap3A_652 = arith.constant 0 : i32
        %swap3A_653 = arith.index_cast %swap3A_652 : i32 to index
        %swap3A_654 = arith.index_cast %add3A_651 : i32 to index
        %swap3A_655 = arith.constant 80 : index
        %swap3A_656 = tpu.vector_load %arg9[%swap3A_653, %swap3A_654, %swap3A_655] {strides = array<i32>} : memref<2x100x128xf32, #tpu.memory_space<vmem>>, vector<1x1x16xf32>,
        %swap3A_657 = vector.shape_cast %swap3A_656 : vector<1x1x16xf32> to vector<16xf32>
        %swap3A_658 = vector.shape_cast %add3A_647 : vector<16xf32> to vector<1x1x16xf32>
        tpu.vector_store %arg9[%swap3A_653, %swap3A_654, %swap3A_655], %swap3A_658 {strides = array<i32>} : memref<2x100x128xf32, #tpu.memory_space<vmem>>, vector<1x1x16xf32>,
        %mul3A_659 = arith.constant 8 : i32
        %mul3A_660 = arith.muli %add3A_212, %mul3A_659 : i32
        %add3A_661 = arith.constant 3 : i32
        %add3A_662 = arith.addi %mul3A_660, %add3A_661 : i32
        %get3A_663 = arith.constant 0 : i32
        %get3A_664 = arith.constant 0 : i32
        %get3A_665 = tpu.memref_slice %arg8[%scan3A_117, %get3A_663, %get3A_664] : memref<2x200x64xf32, #tpu.memory_space<vmem>> -> memref<1x200x64xf32, #tpu.memory_space<vmem>>
        %get3A_666 = tpu.memref_squeeze %get3A_665 : memref<1x200x64xf32, #tpu.memory_space<vmem>> -> memref<200x64xf32, #tpu.memory_space<vmem>>
        %get3A_667 = arith.index_cast %add3A_662 : i32 to index
        %get3A_668 = arith.constant 32 : index
        %get3A_669 = tpu.vector_load %get3A_666[%get3A_667, %get3A_668] {strides = array<i32>} : memref<200x64xf32, #tpu.memory_space<vmem>>, vector<1x16xf32>,
        %get3A_670 = vector.shape_cast %get3A_669 : vector<1x16xf32> to vector<16xf32>
        %mul3A_671 = arith.constant 8 : i32
        %mul3A_672 = arith.muli %add3A_212, %mul3A_671 : i32
        %add3A_673 = arith.constant 3 : i32
        %add3A_674 = arith.addi %mul3A_672, %add3A_673 : i32
        %get3A_675 = arith.index_cast %add3A_674 : i32 to index
        %get3A_676 = arith.constant 32 : index
        %get3A_677 = tpu.vector_load %arg7[%get3A_675, %get3A_676] {strides = array<i32>} : memref<200x64xf32, #tpu.memory_space<vmem>>, vector<1x16xf32>,
        %get3A_678 = vector.shape_cast %get3A_677 : vector<1x16xf32> to vector<16xf32>
        %add3A_679 = arith.addf %get3A_670, %get3A_678 : vector<16xf32>
        %mul3A_680 = arith.constant 4 : i32
        %mul3A_681 = arith.muli %add3A_212, %mul3A_680 : i32
        %add3A_682 = arith.constant 1 : i32
        %add3A_683 = arith.addi %mul3A_681, %add3A_682 : i32
        %swap3A_684 = arith.constant 0 : i32
        %swap3A_685 = arith.index_cast %swap3A_684 : i32 to index
        %swap3A_686 = arith.index_cast %add3A_683 : i32 to index
        %swap3A_687 = arith.constant 96 : index
        %swap3A_688 = tpu.vector_load %arg9[%swap3A_685, %swap3A_686, %swap3A_687] {strides = array<i32>} : memref<2x100x128xf32, #tpu.memory_space<vmem>>, vector<1x1x16xf32>,
        %swap3A_689 = vector.shape_cast %swap3A_688 : vector<1x1x16xf32> to vector<16xf32>
        %swap3A_690 = vector.shape_cast %add3A_679 : vector<16xf32> to vector<1x1x16xf32>
        tpu.vector_store %arg9[%swap3A_685, %swap3A_686, %swap3A_687], %swap3A_690 {strides = array<i32>} : memref<2x100x128xf32, #tpu.memory_space<vmem>>, vector<1x1x16xf32>,
        %mul3A_691 = arith.constant 8 : i32
        %mul3A_692 = arith.muli %add3A_212, %mul3A_691 : i32
        %add3A_693 = arith.constant 3 : i32
        %add3A_694 = arith.addi %mul3A_692, %add3A_693 : i32
        %get3A_695 = arith.constant 0 : i32
        %get3A_696 = arith.constant 0 : i32
        %get3A_697 = tpu.memref_slice %arg8[%scan3A_117, %get3A_695, %get3A_696] : memref<2x200x64xf32, #tpu.memory_space<vmem>> -> memref<1x200x64xf32, #tpu.memory_space<vmem>>
        %get3A_698 = tpu.memref_squeeze %get3A_697 : memref<1x200x64xf32, #tpu.memory_space<vmem>> -> memref<200x64xf32, #tpu.memory_space<vmem>>
        %get3A_699 = arith.index_cast %add3A_694 : i32 to index
        %get3A_700 = arith.constant 48 : index
        %get3A_701 = tpu.vector_load %get3A_698[%get3A_699, %get3A_700] {strides = array<i32>} : memref<200x64xf32, #tpu.memory_space<vmem>>, vector<1x16xf32>,
        %get3A_702 = vector.shape_cast %get3A_701 : vector<1x16xf32> to vector<16xf32>
        %mul3A_703 = arith.constant 8 : i32
        %mul3A_704 = arith.muli %add3A_212, %mul3A_703 : i32
        %add3A_705 = arith.constant 3 : i32
        %add3A_706 = arith.addi %mul3A_704, %add3A_705 : i32
        %get3A_707 = arith.index_cast %add3A_706 : i32 to index
        %get3A_708 = arith.constant 48 : index
        %get3A_709 = tpu.vector_load %arg7[%get3A_707, %get3A_708] {strides = array<i32>} : memref<200x64xf32, #tpu.memory_space<vmem>>, vector<1x16xf32>,
        %get3A_710 = vector.shape_cast %get3A_709 : vector<1x16xf32> to vector<16xf32>
        %add3A_711 = arith.addf %get3A_702, %get3A_710 : vector<16xf32>
        %mul3A_712 = arith.constant 4 : i32
        %mul3A_713 = arith.muli %add3A_212, %mul3A_712 : i32
        %add3A_714 = arith.constant 1 : i32
        %add3A_715 = arith.addi %mul3A_713, %add3A_714 : i32
        %swap3A_716 = arith.constant 0 : i32
        %swap3A_717 = arith.index_cast %swap3A_716 : i32 to index
        %swap3A_718 = arith.index_cast %add3A_715 : i32 to index
        %swap3A_719 = arith.constant 112 : index
        %swap3A_720 = tpu.vector_load %arg9[%swap3A_717, %swap3A_718, %swap3A_719] {strides = array<i32>} : memref<2x100x128xf32, #tpu.memory_space<vmem>>, vector<1x1x16xf32>,
        %swap3A_721 = vector.shape_cast %swap3A_720 : vector<1x1x16xf32> to vector<16xf32>
        %swap3A_722 = vector.shape_cast %add3A_711 : vector<16xf32> to vector<1x1x16xf32>
        tpu.vector_store %arg9[%swap3A_717, %swap3A_718, %swap3A_719], %swap3A_722 {strides = array<i32>} : memref<2x100x128xf32, #tpu.memory_space<vmem>>, vector<1x1x16xf32>,
        %mul3A_723 = arith.constant 8 : i32
        %mul3A_724 = arith.muli %add3A_212, %mul3A_723 : i32
        %add3A_725 = arith.constant 4 : i32
        %add3A_726 = arith.addi %mul3A_724, %add3A_725 : i32
        %get3A_727 = arith.constant 0 : i32
        %get3A_728 = arith.constant 0 : i32
        %get3A_729 = tpu.memref_slice %arg8[%scan3A_117, %get3A_727, %get3A_728] : memref<2x200x64xf32, #tpu.memory_space<vmem>> -> memref<1x200x64xf32, #tpu.memory_space<vmem>>
        %get3A_730 = tpu.memref_squeeze %get3A_729 : memref<1x200x64xf32, #tpu.memory_space<vmem>> -> memref<200x64xf32, #tpu.memory_space<vmem>>
        %get3A_731 = arith.index_cast %add3A_726 : i32 to index
        %get3A_732 = arith.constant 0 : index
        %get3A_733 = tpu.vector_load %get3A_730[%get3A_731, %get3A_732] {strides = array<i32>} : memref<200x64xf32, #tpu.memory_space<vmem>>, vector<1x16xf32>,
        %get3A_734 = vector.shape_cast %get3A_733 : vector<1x16xf32> to vector<16xf32>
        %mul3A_735 = arith.constant 8 : i32
        %mul3A_736 = arith.muli %add3A_212, %mul3A_735 : i32
        %add3A_737 = arith.constant 4 : i32
        %add3A_738 = arith.addi %mul3A_736, %add3A_737 : i32
        %get3A_739 = arith.index_cast %add3A_738 : i32 to index
        %get3A_740 = arith.constant 0 : index
        %get3A_741 = tpu.vector_load %arg7[%get3A_739, %get3A_740] {strides = array<i32>} : memref<200x64xf32, #tpu.memory_space<vmem>>, vector<1x16xf32>,
        %get3A_742 = vector.shape_cast %get3A_741 : vector<1x16xf32> to vector<16xf32>
        %add3A_743 = arith.addf %get3A_734, %get3A_742 : vector<16xf32>
        %mul3A_744 = arith.constant 4 : i32
        %mul3A_745 = arith.muli %add3A_212, %mul3A_744 : i32
        %add3A_746 = arith.constant 2 : i32
        %add3A_747 = arith.addi %mul3A_745, %add3A_746 : i32
        %swap3A_748 = arith.constant 0 : i32
        %swap3A_749 = arith.index_cast %swap3A_748 : i32 to index
        %swap3A_750 = arith.index_cast %add3A_747 : i32 to index
        %swap3A_751 = arith.constant 0 : index
        %swap3A_752 = tpu.vector_load %arg9[%swap3A_749, %swap3A_750, %swap3A_751] {strides = array<i32>} : memref<2x100x128xf32, #tpu.memory_space<vmem>>, vector<1x1x16xf32>,
        %swap3A_753 = vector.shape_cast %swap3A_752 : vector<1x1x16xf32> to vector<16xf32>
        %swap3A_754 = vector.shape_cast %add3A_743 : vector<16xf32> to vector<1x1x16xf32>
        tpu.vector_store %arg9[%swap3A_749, %swap3A_750, %swap3A_751], %swap3A_754 {strides = array<i32>} : memref<2x100x128xf32, #tpu.memory_space<vmem>>, vector<1x1x16xf32>,
        %mul3A_755 = arith.constant 8 : i32
        %mul3A_756 = arith.muli %add3A_212, %mul3A_755 : i32
        %add3A_757 = arith.constant 4 : i32
        %add3A_758 = arith.addi %mul3A_756, %add3A_757 : i32
        %get3A_759 = arith.constant 0 : i32
        %get3A_760 = arith.constant 0 : i32
        %get3A_761 = tpu.memref_slice %arg8[%scan3A_117, %get3A_759, %get3A_760] : memref<2x200x64xf32, #tpu.memory_space<vmem>> -> memref<1x200x64xf32, #tpu.memory_space<vmem>>
        %get3A_762 = tpu.memref_squeeze %get3A_761 : memref<1x200x64xf32, #tpu.memory_space<vmem>> -> memref<200x64xf32, #tpu.memory_space<vmem>>
        %get3A_763 = arith.index_cast %add3A_758 : i32 to index
        %get3A_764 = arith.constant 16 : index
        %get3A_765 = tpu.vector_load %get3A_762[%get3A_763, %get3A_764] {strides = array<i32>} : memref<200x64xf32, #tpu.memory_space<vmem>>, vector<1x16xf32>,
        %get3A_766 = vector.shape_cast %get3A_765 : vector<1x16xf32> to vector<16xf32>
        %mul3A_767 = arith.constant 8 : i32
        %mul3A_768 = arith.muli %add3A_212, %mul3A_767 : i32
        %add3A_769 = arith.constant 4 : i32
        %add3A_770 = arith.addi %mul3A_768, %add3A_769 : i32
        %get3A_771 = arith.index_cast %add3A_770 : i32 to index
        %get3A_772 = arith.constant 16 : index
        %get3A_773 = tpu.vector_load %arg7[%get3A_771, %get3A_772] {strides = array<i32>} : memref<200x64xf32, #tpu.memory_space<vmem>>, vector<1x16xf32>,
        %get3A_774 = vector.shape_cast %get3A_773 : vector<1x16xf32> to vector<16xf32>
        %add3A_775 = arith.addf %get3A_766, %get3A_774 : vector<16xf32>
        %mul3A_776 = arith.constant 4 : i32
        %mul3A_777 = arith.muli %add3A_212, %mul3A_776 : i32
        %add3A_778 = arith.constant 2 : i32
        %add3A_779 = arith.addi %mul3A_777, %add3A_778 : i32
        %swap3A_780 = arith.constant 0 : i32
        %swap3A_781 = arith.index_cast %swap3A_780 : i32 to index
        %swap3A_782 = arith.index_cast %add3A_779 : i32 to index
        %swap3A_783 = arith.constant 16 : index
        %swap3A_784 = tpu.vector_load %arg9[%swap3A_781, %swap3A_782, %swap3A_783] {strides = array<i32>} : memref<2x100x128xf32, #tpu.memory_space<vmem>>, vector<1x1x16xf32>,
        %swap3A_785 = vector.shape_cast %swap3A_784 : vector<1x1x16xf32> to vector<16xf32>
        %swap3A_786 = vector.shape_cast %add3A_775 : vector<16xf32> to vector<1x1x16xf32>
        tpu.vector_store %arg9[%swap3A_781, %swap3A_782, %swap3A_783], %swap3A_786 {strides = array<i32>} : memref<2x100x128xf32, #tpu.memory_space<vmem>>, vector<1x1x16xf32>,
        %mul3A_787 = arith.constant 8 : i32
        %mul3A_788 = arith.muli %add3A_212, %mul3A_787 : i32
        %add3A_789 = arith.constant 4 : i32
        %add3A_790 = arith.addi %mul3A_788, %add3A_789 : i32
        %get3A_791 = arith.constant 0 : i32
        %get3A_792 = arith.constant 0 : i32
        %get3A_793 = tpu.memref_slice %arg8[%scan3A_117, %get3A_791, %get3A_792] : memref<2x200x64xf32, #tpu.memory_space<vmem>> -> memref<1x200x64xf32, #tpu.memory_space<vmem>>
        %get3A_794 = tpu.memref_squeeze %get3A_793 : memref<1x200x64xf32, #tpu.memory_space<vmem>> -> memref<200x64xf32, #tpu.memory_space<vmem>>
        %get3A_795 = arith.index_cast %add3A_790 : i32 to index
        %get3A_796 = arith.constant 32 : index
        %get3A_797 = tpu.vector_load %get3A_794[%get3A_795, %get3A_796] {strides = array<i32>} : memref<200x64xf32, #tpu.memory_space<vmem>>, vector<1x16xf32>,
        %get3A_798 = vector.shape_cast %get3A_797 : vector<1x16xf32> to vector<16xf32>
        %mul3A_799 = arith.constant 8 : i32
        %mul3A_800 = arith.muli %add3A_212, %mul3A_799 : i32
        %add3A_801 = arith.constant 4 : i32
        %add3A_802 = arith.addi %mul3A_800, %add3A_801 : i32
        %get3A_803 = arith.index_cast %add3A_802 : i32 to index
        %get3A_804 = arith.constant 32 : index
        %get3A_805 = tpu.vector_load %arg7[%get3A_803, %get3A_804] {strides = array<i32>} : memref<200x64xf32, #tpu.memory_space<vmem>>, vector<1x16xf32>,
        %get3A_806 = vector.shape_cast %get3A_805 : vector<1x16xf32> to vector<16xf32>
        %add3A_807 = arith.addf %get3A_798, %get3A_806 : vector<16xf32>
        %mul3A_808 = arith.constant 4 : i32
        %mul3A_809 = arith.muli %add3A_212, %mul3A_808 : i32
        %add3A_810 = arith.constant 2 : i32
        %add3A_811 = arith.addi %mul3A_809, %add3A_810 : i32
        %swap3A_812 = arith.constant 0 : i32
        %swap3A_813 = arith.index_cast %swap3A_812 : i32 to index
        %swap3A_814 = arith.index_cast %add3A_811 : i32 to index
        %swap3A_815 = arith.constant 32 : index
        %swap3A_816 = tpu.vector_load %arg9[%swap3A_813, %swap3A_814, %swap3A_815] {strides = array<i32>} : memref<2x100x128xf32, #tpu.memory_space<vmem>>, vector<1x1x16xf32>,
        %swap3A_817 = vector.shape_cast %swap3A_816 : vector<1x1x16xf32> to vector<16xf32>
        %swap3A_818 = vector.shape_cast %add3A_807 : vector<16xf32> to vector<1x1x16xf32>
        tpu.vector_store %arg9[%swap3A_813, %swap3A_814, %swap3A_815], %swap3A_818 {strides = array<i32>} : memref<2x100x128xf32, #tpu.memory_space<vmem>>, vector<1x1x16xf32>,
        %mul3A_819 = arith.constant 8 : i32
        %mul3A_820 = arith.muli %add3A_212, %mul3A_819 : i32
        %add3A_821 = arith.constant 4 : i32
        %add3A_822 = arith.addi %mul3A_820, %add3A_821 : i32
        %get3A_823 = arith.constant 0 : i32
        %get3A_824 = arith.constant 0 : i32
        %get3A_825 = tpu.memref_slice %arg8[%scan3A_117, %get3A_823, %get3A_824] : memref<2x200x64xf32, #tpu.memory_space<vmem>> -> memref<1x200x64xf32, #tpu.memory_space<vmem>>
        %get3A_826 = tpu.memref_squeeze %get3A_825 : memref<1x200x64xf32, #tpu.memory_space<vmem>> -> memref<200x64xf32, #tpu.memory_space<vmem>>
        %get3A_827 = arith.index_cast %add3A_822 : i32 to index
        %get3A_828 = arith.constant 48 : index
        %get3A_829 = tpu.vector_load %get3A_826[%get3A_827, %get3A_828] {strides = array<i32>} : memref<200x64xf32, #tpu.memory_space<vmem>>, vector<1x16xf32>,
        %get3A_830 = vector.shape_cast %get3A_829 : vector<1x16xf32> to vector<16xf32>
        %mul3A_831 = arith.constant 8 : i32
        %mul3A_832 = arith.muli %add3A_212, %mul3A_831 : i32
        %add3A_833 = arith.constant 4 : i32
        %add3A_834 = arith.addi %mul3A_832, %add3A_833 : i32
        %get3A_835 = arith.index_cast %add3A_834 : i32 to index
        %get3A_836 = arith.constant 48 : index
        %get3A_837 = tpu.vector_load %arg7[%get3A_835, %get3A_836] {strides = array<i32>} : memref<200x64xf32, #tpu.memory_space<vmem>>, vector<1x16xf32>,
        %get3A_838 = vector.shape_cast %get3A_837 : vector<1x16xf32> to vector<16xf32>
        %add3A_839 = arith.addf %get3A_830, %get3A_838 : vector<16xf32>
        %mul3A_840 = arith.constant 4 : i32
        %mul3A_841 = arith.muli %add3A_212, %mul3A_840 : i32
        %add3A_842 = arith.constant 2 : i32
        %add3A_843 = arith.addi %mul3A_841, %add3A_842 : i32
        %swap3A_844 = arith.constant 0 : i32
        %swap3A_845 = arith.index_cast %swap3A_844 : i32 to index
        %swap3A_846 = arith.index_cast %add3A_843 : i32 to index
        %swap3A_847 = arith.constant 48 : index
        %swap3A_848 = tpu.vector_load %arg9[%swap3A_845, %swap3A_846, %swap3A_847] {strides = array<i32>} : memref<2x100x128xf32, #tpu.memory_space<vmem>>, vector<1x1x16xf32>,
        %swap3A_849 = vector.shape_cast %swap3A_848 : vector<1x1x16xf32> to vector<16xf32>
        %swap3A_850 = vector.shape_cast %add3A_839 : vector<16xf32> to vector<1x1x16xf32>
        tpu.vector_store %arg9[%swap3A_845, %swap3A_846, %swap3A_847], %swap3A_850 {strides = array<i32>} : memref<2x100x128xf32, #tpu.memory_space<vmem>>, vector<1x1x16xf32>,
        %mul3A_851 = arith.constant 8 : i32
        %mul3A_852 = arith.muli %add3A_212, %mul3A_851 : i32
        %add3A_853 = arith.constant 5 : i32
        %add3A_854 = arith.addi %mul3A_852, %add3A_853 : i32
        %get3A_855 = arith.constant 0 : i32
        %get3A_856 = arith.constant 0 : i32
        %get3A_857 = tpu.memref_slice %arg8[%scan3A_117, %get3A_855, %get3A_856] : memref<2x200x64xf32, #tpu.memory_space<vmem>> -> memref<1x200x64xf32, #tpu.memory_space<vmem>>
        %get3A_858 = tpu.memref_squeeze %get3A_857 : memref<1x200x64xf32, #tpu.memory_space<vmem>> -> memref<200x64xf32, #tpu.memory_space<vmem>>
        %get3A_859 = arith.index_cast %add3A_854 : i32 to index
        %get3A_860 = arith.constant 0 : index
        %get3A_861 = tpu.vector_load %get3A_858[%get3A_859, %get3A_860] {strides = array<i32>} : memref<200x64xf32, #tpu.memory_space<vmem>>, vector<1x16xf32>,
        %get3A_862 = vector.shape_cast %get3A_861 : vector<1x16xf32> to vector<16xf32>
        %mul3A_863 = arith.constant 8 : i32
        %mul3A_864 = arith.muli %add3A_212, %mul3A_863 : i32
        %add3A_865 = arith.constant 5 : i32
        %add3A_866 = arith.addi %mul3A_864, %add3A_865 : i32
        %get3A_867 = arith.index_cast %add3A_866 : i32 to index
        %get3A_868 = arith.constant 0 : index
        %get3A_869 = tpu.vector_load %arg7[%get3A_867, %get3A_868] {strides = array<i32>} : memref<200x64xf32, #tpu.memory_space<vmem>>, vector<1x16xf32>,
        %get3A_870 = vector.shape_cast %get3A_869 : vector<1x16xf32> to vector<16xf32>
        %add3A_871 = arith.addf %get3A_862, %get3A_870 : vector<16xf32>
        %mul3A_872 = arith.constant 4 : i32
        %mul3A_873 = arith.muli %add3A_212, %mul3A_872 : i32
        %add3A_874 = arith.constant 2 : i32
        %add3A_875 = arith.addi %mul3A_873, %add3A_874 : i32
        %swap3A_876 = arith.constant 0 : i32
        %swap3A_877 = arith.index_cast %swap3A_876 : i32 to index
        %swap3A_878 = arith.index_cast %add3A_875 : i32 to index
        %swap3A_879 = arith.constant 64 : index
        %swap3A_880 = tpu.vector_load %arg9[%swap3A_877, %swap3A_878, %swap3A_879] {strides = array<i32>} : memref<2x100x128xf32, #tpu.memory_space<vmem>>, vector<1x1x16xf32>,
        %swap3A_881 = vector.shape_cast %swap3A_880 : vector<1x1x16xf32> to vector<16xf32>
        %swap3A_882 = vector.shape_cast %add3A_871 : vector<16xf32> to vector<1x1x16xf32>
        tpu.vector_store %arg9[%swap3A_877, %swap3A_878, %swap3A_879], %swap3A_882 {strides = array<i32>} : memref<2x100x128xf32, #tpu.memory_space<vmem>>, vector<1x1x16xf32>,
        %mul3A_883 = arith.constant 8 : i32
        %mul3A_884 = arith.muli %add3A_212, %mul3A_883 : i32
        %add3A_885 = arith.constant 5 : i32
        %add3A_886 = arith.addi %mul3A_884, %add3A_885 : i32
        %get3A_887 = arith.constant 0 : i32
        %get3A_888 = arith.constant 0 : i32
        %get3A_889 = tpu.memref_slice %arg8[%scan3A_117, %get3A_887, %get3A_888] : memref<2x200x64xf32, #tpu.memory_space<vmem>> -> memref<1x200x64xf32, #tpu.memory_space<vmem>>
        %get3A_890 = tpu.memref_squeeze %get3A_889 : memref<1x200x64xf32, #tpu.memory_space<vmem>> -> memref<200x64xf32, #tpu.memory_space<vmem>>
        %get3A_891 = arith.index_cast %add3A_886 : i32 to index
        %get3A_892 = arith.constant 16 : index
        %get3A_893 = tpu.vector_load %get3A_890[%get3A_891, %get3A_892] {strides = array<i32>} : memref<200x64xf32, #tpu.memory_space<vmem>>, vector<1x16xf32>,
        %get3A_894 = vector.shape_cast %get3A_893 : vector<1x16xf32> to vector<16xf32>
        %mul3A_895 = arith.constant 8 : i32
        %mul3A_896 = arith.muli %add3A_212, %mul3A_895 : i32
        %add3A_897 = arith.constant 5 : i32
        %add3A_898 = arith.addi %mul3A_896, %add3A_897 : i32
        %get3A_899 = arith.index_cast %add3A_898 : i32 to index
        %get3A_900 = arith.constant 16 : index
        %get3A_901 = tpu.vector_load %arg7[%get3A_899, %get3A_900] {strides = array<i32>} : memref<200x64xf32, #tpu.memory_space<vmem>>, vector<1x16xf32>,
        %get3A_902 = vector.shape_cast %get3A_901 : vector<1x16xf32> to vector<16xf32>
        %add3A_903 = arith.addf %get3A_894, %get3A_902 : vector<16xf32>
        %mul3A_904 = arith.constant 4 : i32
        %mul3A_905 = arith.muli %add3A_212, %mul3A_904 : i32
        %add3A_906 = arith.constant 2 : i32
        %add3A_907 = arith.addi %mul3A_905, %add3A_906 : i32
        %swap3A_908 = arith.constant 0 : i32
        %swap3A_909 = arith.index_cast %swap3A_908 : i32 to index
        %swap3A_910 = arith.index_cast %add3A_907 : i32 to index
        %swap3A_911 = arith.constant 80 : index
        %swap3A_912 = tpu.vector_load %arg9[%swap3A_909, %swap3A_910, %swap3A_911] {strides = array<i32>} : memref<2x100x128xf32, #tpu.memory_space<vmem>>, vector<1x1x16xf32>,
        %swap3A_913 = vector.shape_cast %swap3A_912 : vector<1x1x16xf32> to vector<16xf32>
        %swap3A_914 = vector.shape_cast %add3A_903 : vector<16xf32> to vector<1x1x16xf32>
        tpu.vector_store %arg9[%swap3A_909, %swap3A_910, %swap3A_911], %swap3A_914 {strides = array<i32>} : memref<2x100x128xf32, #tpu.memory_space<vmem>>, vector<1x1x16xf32>,
        %mul3A_915 = arith.constant 8 : i32
        %mul3A_916 = arith.muli %add3A_212, %mul3A_915 : i32
        %add3A_917 = arith.constant 5 : i32
        %add3A_918 = arith.addi %mul3A_916, %add3A_917 : i32
        %get3A_919 = arith.constant 0 : i32
        %get3A_920 = arith.constant 0 : i32
        %get3A_921 = tpu.memref_slice %arg8[%scan3A_117, %get3A_919, %get3A_920] : memref<2x200x64xf32, #tpu.memory_space<vmem>> -> memref<1x200x64xf32, #tpu.memory_space<vmem>>
        %get3A_922 = tpu.memref_squeeze %get3A_921 : memref<1x200x64xf32, #tpu.memory_space<vmem>> -> memref<200x64xf32, #tpu.memory_space<vmem>>
        %get3A_923 = arith.index_cast %add3A_918 : i32 to index
        %get3A_924 = arith.constant 32 : index
        %get3A_925 = tpu.vector_load %get3A_922[%get3A_923, %get3A_924] {strides = array<i32>} : memref<200x64xf32, #tpu.memory_space<vmem>>, vector<1x16xf32>,
        %get3A_926 = vector.shape_cast %get3A_925 : vector<1x16xf32> to vector<16xf32>
        %mul3A_927 = arith.constant 8 : i32
        %mul3A_928 = arith.muli %add3A_212, %mul3A_927 : i32
        %add3A_929 = arith.constant 5 : i32
        %add3A_930 = arith.addi %mul3A_928, %add3A_929 : i32
        %get3A_931 = arith.index_cast %add3A_930 : i32 to index
        %get3A_932 = arith.constant 32 : index
        %get3A_933 = tpu.vector_load %arg7[%get3A_931, %get3A_932] {strides = array<i32>} : memref<200x64xf32, #tpu.memory_space<vmem>>, vector<1x16xf32>,
        %get3A_934 = vector.shape_cast %get3A_933 : vector<1x16xf32> to vector<16xf32>
        %add3A_935 = arith.addf %get3A_926, %get3A_934 : vector<16xf32>
        %mul3A_936 = arith.constant 4 : i32
        %mul3A_937 = arith.muli %add3A_212, %mul3A_936 : i32
        %add3A_938 = arith.constant 2 : i32
        %add3A_939 = arith.addi %mul3A_937, %add3A_938 : i32
        %swap3A_940 = arith.constant 0 : i32
        %swap3A_941 = arith.index_cast %swap3A_940 : i32 to index
        %swap3A_942 = arith.index_cast %add3A_939 : i32 to index
        %swap3A_943 = arith.constant 96 : index
        %swap3A_944 = tpu.vector_load %arg9[%swap3A_941, %swap3A_942, %swap3A_943] {strides = array<i32>} : memref<2x100x128xf32, #tpu.memory_space<vmem>>, vector<1x1x16xf32>,
        %swap3A_945 = vector.shape_cast %swap3A_944 : vector<1x1x16xf32> to vector<16xf32>
        %swap3A_946 = vector.shape_cast %add3A_935 : vector<16xf32> to vector<1x1x16xf32>
        tpu.vector_store %arg9[%swap3A_941, %swap3A_942, %swap3A_943], %swap3A_946 {strides = array<i32>} : memref<2x100x128xf32, #tpu.memory_space<vmem>>, vector<1x1x16xf32>,
        %mul3A_947 = arith.constant 8 : i32
        %mul3A_948 = arith.muli %add3A_212, %mul3A_947 : i32
        %add3A_949 = arith.constant 5 : i32
        %add3A_950 = arith.addi %mul3A_948, %add3A_949 : i32
        %get3A_951 = arith.constant 0 : i32
        %get3A_952 = arith.constant 0 : i32
        %get3A_953 = tpu.memref_slice %arg8[%scan3A_117, %get3A_951, %get3A_952] : memref<2x200x64xf32, #tpu.memory_space<vmem>> -> memref<1x200x64xf32, #tpu.memory_space<vmem>>
        %get3A_954 = tpu.memref_squeeze %get3A_953 : memref<1x200x64xf32, #tpu.memory_space<vmem>> -> memref<200x64xf32, #tpu.memory_space<vmem>>
        %get3A_955 = arith.index_cast %add3A_950 : i32 to index
        %get3A_956 = arith.constant 48 : index
        %get3A_957 = tpu.vector_load %get3A_954[%get3A_955, %get3A_956] {strides = array<i32>} : memref<200x64xf32, #tpu.memory_space<vmem>>, vector<1x16xf32>,
        %get3A_958 = vector.shape_cast %get3A_957 : vector<1x16xf32> to vector<16xf32>
        %mul3A_959 = arith.constant 8 : i32
        %mul3A_960 = arith.muli %add3A_212, %mul3A_959 : i32
        %add3A_961 = arith.constant 5 : i32
        %add3A_962 = arith.addi %mul3A_960, %add3A_961 : i32
        %get3A_963 = arith.index_cast %add3A_962 : i32 to index
        %get3A_964 = arith.constant 48 : index
        %get3A_965 = tpu.vector_load %arg7[%get3A_963, %get3A_964] {strides = array<i32>} : memref<200x64xf32, #tpu.memory_space<vmem>>, vector<1x16xf32>,
        %get3A_966 = vector.shape_cast %get3A_965 : vector<1x16xf32> to vector<16xf32>
        %add3A_967 = arith.addf %get3A_958, %get3A_966 : vector<16xf32>
        %mul3A_968 = arith.constant 4 : i32
        %mul3A_969 = arith.muli %add3A_212, %mul3A_968 : i32
        %add3A_970 = arith.constant 2 : i32
        %add3A_971 = arith.addi %mul3A_969, %add3A_970 : i32
        %swap3A_972 = arith.constant 0 : i32
        %swap3A_973 = arith.index_cast %swap3A_972 : i32 to index
        %swap3A_974 = arith.index_cast %add3A_971 : i32 to index
        %swap3A_975 = arith.constant 112 : index
        %swap3A_976 = tpu.vector_load %arg9[%swap3A_973, %swap3A_974, %swap3A_975] {strides = array<i32>} : memref<2x100x128xf32, #tpu.memory_space<vmem>>, vector<1x1x16xf32>,
        %swap3A_977 = vector.shape_cast %swap3A_976 : vector<1x1x16xf32> to vector<16xf32>
        %swap3A_978 = vector.shape_cast %add3A_967 : vector<16xf32> to vector<1x1x16xf32>
        tpu.vector_store %arg9[%swap3A_973, %swap3A_974, %swap3A_975], %swap3A_978 {strides = array<i32>} : memref<2x100x128xf32, #tpu.memory_space<vmem>>, vector<1x1x16xf32>,
        %mul3A_979 = arith.constant 8 : i32
        %mul3A_980 = arith.muli %add3A_212, %mul3A_979 : i32
        %add3A_981 = arith.constant 6 : i32
        %add3A_982 = arith.addi %mul3A_980, %add3A_981 : i32
        %get3A_983 = arith.constant 0 : i32
        %get3A_984 = arith.constant 0 : i32
        %get3A_985 = tpu.memref_slice %arg8[%scan3A_117, %get3A_983, %get3A_984] : memref<2x200x64xf32, #tpu.memory_space<vmem>> -> memref<1x200x64xf32, #tpu.memory_space<vmem>>
        %get3A_986 = tpu.memref_squeeze %get3A_985 : memref<1x200x64xf32, #tpu.memory_space<vmem>> -> memref<200x64xf32, #tpu.memory_space<vmem>>
        %get3A_987 = arith.index_cast %add3A_982 : i32 to index
        %get3A_988 = arith.constant 0 : index
        %get3A_989 = tpu.vector_load %get3A_986[%get3A_987, %get3A_988] {strides = array<i32>} : memref<200x64xf32, #tpu.memory_space<vmem>>, vector<1x16xf32>,
        %get3A_990 = vector.shape_cast %get3A_989 : vector<1x16xf32> to vector<16xf32>
        %mul3A_991 = arith.constant 8 : i32
        %mul3A_992 = arith.muli %add3A_212, %mul3A_991 : i32
        %add3A_993 = arith.constant 6 : i32
        %add3A_994 = arith.addi %mul3A_992, %add3A_993 : i32
        %get3A_995 = arith.index_cast %add3A_994 : i32 to index
        %get3A_996 = arith.constant 0 : index
        %get3A_997 = tpu.vector_load %arg7[%get3A_995, %get3A_996] {strides = array<i32>} : memref<200x64xf32, #tpu.memory_space<vmem>>, vector<1x16xf32>,
        %get3A_998 = vector.shape_cast %get3A_997 : vector<1x16xf32> to vector<16xf32>
        %add3A_999 = arith.addf %get3A_990, %get3A_998 : vector<16xf32>
        %mul3A_1000 = arith.constant 4 : i32
        %mul3A_1001 = arith.muli %add3A_212, %mul3A_1000 : i32
        %add3A_1002 = arith.constant 3 : i32
        %add3A_1003 = arith.addi %mul3A_1001, %add3A_1002 : i32
        %swap3A_1004 = arith.constant 0 : i32
        %swap3A_1005 = arith.index_cast %swap3A_1004 : i32 to index
        %swap3A_1006 = arith.index_cast %add3A_1003 : i32 to index
        %swap3A_1007 = arith.constant 0 : index
        %swap3A_1008 = tpu.vector_load %arg9[%swap3A_1005, %swap3A_1006, %swap3A_1007] {strides = array<i32>} : memref<2x100x128xf32, #tpu.memory_space<vmem>>, vector<1x1x16xf32>,
        %swap3A_1009 = vector.shape_cast %swap3A_1008 : vector<1x1x16xf32> to vector<16xf32>
        %swap3A_1010 = vector.shape_cast %add3A_999 : vector<16xf32> to vector<1x1x16xf32>
        tpu.vector_store %arg9[%swap3A_1005, %swap3A_1006, %swap3A_1007], %swap3A_1010 {strides = array<i32>} : memref<2x100x128xf32, #tpu.memory_space<vmem>>, vector<1x1x16xf32>,
        %mul3A_1011 = arith.constant 8 : i32
        %mul3A_1012 = arith.muli %add3A_212, %mul3A_1011 : i32
        %add3A_1013 = arith.constant 6 : i32
        %add3A_1014 = arith.addi %mul3A_1012, %add3A_1013 : i32
        %get3A_1015 = arith.constant 0 : i32
        %get3A_1016 = arith.constant 0 : i32
        %get3A_1017 = tpu.memref_slice %arg8[%scan3A_117, %get3A_1015, %get3A_1016] : memref<2x200x64xf32, #tpu.memory_space<vmem>> -> memref<1x200x64xf32, #tpu.memory_space<vmem>>
        %get3A_1018 = tpu.memref_squeeze %get3A_1017 : memref<1x200x64xf32, #tpu.memory_space<vmem>> -> memref<200x64xf32, #tpu.memory_space<vmem>>
        %get3A_1019 = arith.index_cast %add3A_1014 : i32 to index
        %get3A_1020 = arith.constant 16 : index
        %get3A_1021 = tpu.vector_load %get3A_1018[%get3A_1019, %get3A_1020] {strides = array<i32>} : memref<200x64xf32, #tpu.memory_space<vmem>>, vector<1x16xf32>,
        %get3A_1022 = vector.shape_cast %get3A_1021 : vector<1x16xf32> to vector<16xf32>
        %mul3A_1023 = arith.constant 8 : i32
        %mul3A_1024 = arith.muli %add3A_212, %mul3A_1023 : i32
        %add3A_1025 = arith.constant 6 : i32
        %add3A_1026 = arith.addi %mul3A_1024, %add3A_1025 : i32
        %get3A_1027 = arith.index_cast %add3A_1026 : i32 to index
        %get3A_1028 = arith.constant 16 : index
        %get3A_1029 = tpu.vector_load %arg7[%get3A_1027, %get3A_1028] {strides = array<i32>} : memref<200x64xf32, #tpu.memory_space<vmem>>, vector<1x16xf32>,
        %get3A_1030 = vector.shape_cast %get3A_1029 : vector<1x16xf32> to vector<16xf32>
        %add3A_1031 = arith.addf %get3A_1022, %get3A_1030 : vector<16xf32>
        %mul3A_1032 = arith.constant 4 : i32
        %mul3A_1033 = arith.muli %add3A_212, %mul3A_1032 : i32
        %add3A_1034 = arith.constant 3 : i32
        %add3A_1035 = arith.addi %mul3A_1033, %add3A_1034 : i32
        %swap3A_1036 = arith.constant 0 : i32
        %swap3A_1037 = arith.index_cast %swap3A_1036 : i32 to index
        %swap3A_1038 = arith.index_cast %add3A_1035 : i32 to index
        %swap3A_1039 = arith.constant 16 : index
        %swap3A_1040 = tpu.vector_load %arg9[%swap3A_1037, %swap3A_1038, %swap3A_1039] {strides = array<i32>} : memref<2x100x128xf32, #tpu.memory_space<vmem>>, vector<1x1x16xf32>,
        %swap3A_1041 = vector.shape_cast %swap3A_1040 : vector<1x1x16xf32> to vector<16xf32>
        %swap3A_1042 = vector.shape_cast %add3A_1031 : vector<16xf32> to vector<1x1x16xf32>
        tpu.vector_store %arg9[%swap3A_1037, %swap3A_1038, %swap3A_1039], %swap3A_1042 {strides = array<i32>} : memref<2x100x128xf32, #tpu.memory_space<vmem>>, vector<1x1x16xf32>,
        %mul3A_1043 = arith.constant 8 : i32
        %mul3A_1044 = arith.muli %add3A_212, %mul3A_1043 : i32
        %add3A_1045 = arith.constant 6 : i32
        %add3A_1046 = arith.addi %mul3A_1044, %add3A_1045 : i32
        %get3A_1047 = arith.constant 0 : i32
        %get3A_1048 = arith.constant 0 : i32
        %get3A_1049 = tpu.memref_slice %arg8[%scan3A_117, %get3A_1047, %get3A_1048] : memref<2x200x64xf32, #tpu.memory_space<vmem>> -> memref<1x200x64xf32, #tpu.memory_space<vmem>>
        %get3A_1050 = tpu.memref_squeeze %get3A_1049 : memref<1x200x64xf32, #tpu.memory_space<vmem>> -> memref<200x64xf32, #tpu.memory_space<vmem>>
        %get3A_1051 = arith.index_cast %add3A_1046 : i32 to index
        %get3A_1052 = arith.constant 32 : index
        %get3A_1053 = tpu.vector_load %get3A_1050[%get3A_1051, %get3A_1052] {strides = array<i32>} : memref<200x64xf32, #tpu.memory_space<vmem>>, vector<1x16xf32>,
        %get3A_1054 = vector.shape_cast %get3A_1053 : vector<1x16xf32> to vector<16xf32>
        %mul3A_1055 = arith.constant 8 : i32
        %mul3A_1056 = arith.muli %add3A_212, %mul3A_1055 : i32
        %add3A_1057 = arith.constant 6 : i32
        %add3A_1058 = arith.addi %mul3A_1056, %add3A_1057 : i32
        %get3A_1059 = arith.index_cast %add3A_1058 : i32 to index
        %get3A_1060 = arith.constant 32 : index
        %get3A_1061 = tpu.vector_load %arg7[%get3A_1059, %get3A_1060] {strides = array<i32>} : memref<200x64xf32, #tpu.memory_space<vmem>>, vector<1x16xf32>,
        %get3A_1062 = vector.shape_cast %get3A_1061 : vector<1x16xf32> to vector<16xf32>
        %add3A_1063 = arith.addf %get3A_1054, %get3A_1062 : vector<16xf32>
        %mul3A_1064 = arith.constant 4 : i32
        %mul3A_1065 = arith.muli %add3A_212, %mul3A_1064 : i32
        %add3A_1066 = arith.constant 3 : i32
        %add3A_1067 = arith.addi %mul3A_1065, %add3A_1066 : i32
        %swap3A_1068 = arith.constant 0 : i32
        %swap3A_1069 = arith.index_cast %swap3A_1068 : i32 to index
        %swap3A_1070 = arith.index_cast %add3A_1067 : i32 to index
        %swap3A_1071 = arith.constant 32 : index
        %swap3A_1072 = tpu.vector_load %arg9[%swap3A_1069, %swap3A_1070, %swap3A_1071] {strides = array<i32>} : memref<2x100x128xf32, #tpu.memory_space<vmem>>, vector<1x1x16xf32>,
        %swap3A_1073 = vector.shape_cast %swap3A_1072 : vector<1x1x16xf32> to vector<16xf32>
        %swap3A_1074 = vector.shape_cast %add3A_1063 : vector<16xf32> to vector<1x1x16xf32>
        tpu.vector_store %arg9[%swap3A_1069, %swap3A_1070, %swap3A_1071], %swap3A_1074 {strides = array<i32>} : memref<2x100x128xf32, #tpu.memory_space<vmem>>, vector<1x1x16xf32>,
        %mul3A_1075 = arith.constant 8 : i32
        %mul3A_1076 = arith.muli %add3A_212, %mul3A_1075 : i32
        %add3A_1077 = arith.constant 6 : i32
        %add3A_1078 = arith.addi %mul3A_1076, %add3A_1077 : i32
        %get3A_1079 = arith.constant 0 : i32
        %get3A_1080 = arith.constant 0 : i32
        %get3A_1081 = tpu.memref_slice %arg8[%scan3A_117, %get3A_1079, %get3A_1080] : memref<2x200x64xf32, #tpu.memory_space<vmem>> -> memref<1x200x64xf32, #tpu.memory_space<vmem>>
        %get3A_1082 = tpu.memref_squeeze %get3A_1081 : memref<1x200x64xf32, #tpu.memory_space<vmem>> -> memref<200x64xf32, #tpu.memory_space<vmem>>
        %get3A_1083 = arith.index_cast %add3A_1078 : i32 to index
        %get3A_1084 = arith.constant 48 : index
        %get3A_1085 = tpu.vector_load %get3A_1082[%get3A_1083, %get3A_1084] {strides = array<i32>} : memref<200x64xf32, #tpu.memory_space<vmem>>, vector<1x16xf32>,
        %get3A_1086 = vector.shape_cast %get3A_1085 : vector<1x16xf32> to vector<16xf32>
        %mul3A_1087 = arith.constant 8 : i32
        %mul3A_1088 = arith.muli %add3A_212, %mul3A_1087 : i32
        %add3A_1089 = arith.constant 6 : i32
        %add3A_1090 = arith.addi %mul3A_1088, %add3A_1089 : i32
        %get3A_1091 = arith.index_cast %add3A_1090 : i32 to index
        %get3A_1092 = arith.constant 48 : index
        %get3A_1093 = tpu.vector_load %arg7[%get3A_1091, %get3A_1092] {strides = array<i32>} : memref<200x64xf32, #tpu.memory_space<vmem>>, vector<1x16xf32>,
        %get3A_1094 = vector.shape_cast %get3A_1093 : vector<1x16xf32> to vector<16xf32>
        %add3A_1095 = arith.addf %get3A_1086, %get3A_1094 : vector<16xf32>
        %mul3A_1096 = arith.constant 4 : i32
        %mul3A_1097 = arith.muli %add3A_212, %mul3A_1096 : i32
        %add3A_1098 = arith.constant 3 : i32
        %add3A_1099 = arith.addi %mul3A_1097, %add3A_1098 : i32
        %swap3A_1100 = arith.constant 0 : i32
        %swap3A_1101 = arith.index_cast %swap3A_1100 : i32 to index
        %swap3A_1102 = arith.index_cast %add3A_1099 : i32 to index
        %swap3A_1103 = arith.constant 48 : index
        %swap3A_1104 = tpu.vector_load %arg9[%swap3A_1101, %swap3A_1102, %swap3A_1103] {strides = array<i32>} : memref<2x100x128xf32, #tpu.memory_space<vmem>>, vector<1x1x16xf32>,
        %swap3A_1105 = vector.shape_cast %swap3A_1104 : vector<1x1x16xf32> to vector<16xf32>
        %swap3A_1106 = vector.shape_cast %add3A_1095 : vector<16xf32> to vector<1x1x16xf32>
        tpu.vector_store %arg9[%swap3A_1101, %swap3A_1102, %swap3A_1103], %swap3A_1106 {strides = array<i32>} : memref<2x100x128xf32, #tpu.memory_space<vmem>>, vector<1x1x16xf32>,
        %mul3A_1107 = arith.constant 8 : i32
        %mul3A_1108 = arith.muli %add3A_212, %mul3A_1107 : i32
        %add3A_1109 = arith.constant 7 : i32
        %add3A_1110 = arith.addi %mul3A_1108, %add3A_1109 : i32
        %get3A_1111 = arith.constant 0 : i32
        %get3A_1112 = arith.constant 0 : i32
        %get3A_1113 = tpu.memref_slice %arg8[%scan3A_117, %get3A_1111, %get3A_1112] : memref<2x200x64xf32, #tpu.memory_space<vmem>> -> memref<1x200x64xf32, #tpu.memory_space<vmem>>
        %get3A_1114 = tpu.memref_squeeze %get3A_1113 : memref<1x200x64xf32, #tpu.memory_space<vmem>> -> memref<200x64xf32, #tpu.memory_space<vmem>>
        %get3A_1115 = arith.index_cast %add3A_1110 : i32 to index
        %get3A_1116 = arith.constant 0 : index
        %get3A_1117 = tpu.vector_load %get3A_1114[%get3A_1115, %get3A_1116] {strides = array<i32>} : memref<200x64xf32, #tpu.memory_space<vmem>>, vector<1x16xf32>,
        %get3A_1118 = vector.shape_cast %get3A_1117 : vector<1x16xf32> to vector<16xf32>
        %mul3A_1119 = arith.constant 8 : i32
        %mul3A_1120 = arith.muli %add3A_212, %mul3A_1119 : i32
        %add3A_1121 = arith.constant 7 : i32
        %add3A_1122 = arith.addi %mul3A_1120, %add3A_1121 : i32
        %get3A_1123 = arith.index_cast %add3A_1122 : i32 to index
        %get3A_1124 = arith.constant 0 : index
        %get3A_1125 = tpu.vector_load %arg7[%get3A_1123, %get3A_1124] {strides = array<i32>} : memref<200x64xf32, #tpu.memory_space<vmem>>, vector<1x16xf32>,
        %get3A_1126 = vector.shape_cast %get3A_1125 : vector<1x16xf32> to vector<16xf32>
        %add3A_1127 = arith.addf %get3A_1118, %get3A_1126 : vector<16xf32>
        %mul3A_1128 = arith.constant 4 : i32
        %mul3A_1129 = arith.muli %add3A_212, %mul3A_1128 : i32
        %add3A_1130 = arith.constant 3 : i32
        %add3A_1131 = arith.addi %mul3A_1129, %add3A_1130 : i32
        %swap3A_1132 = arith.constant 0 : i32
        %swap3A_1133 = arith.index_cast %swap3A_1132 : i32 to index
        %swap3A_1134 = arith.index_cast %add3A_1131 : i32 to index
        %swap3A_1135 = arith.constant 64 : index
        %swap3A_1136 = tpu.vector_load %arg9[%swap3A_1133, %swap3A_1134, %swap3A_1135] {strides = array<i32>} : memref<2x100x128xf32, #tpu.memory_space<vmem>>, vector<1x1x16xf32>,
        %swap3A_1137 = vector.shape_cast %swap3A_1136 : vector<1x1x16xf32> to vector<16xf32>
        %swap3A_1138 = vector.shape_cast %add3A_1127 : vector<16xf32> to vector<1x1x16xf32>
        tpu.vector_store %arg9[%swap3A_1133, %swap3A_1134, %swap3A_1135], %swap3A_1138 {strides = array<i32>} : memref<2x100x128xf32, #tpu.memory_space<vmem>>, vector<1x1x16xf32>,
        %mul3A_1139 = arith.constant 8 : i32
        %mul3A_1140 = arith.muli %add3A_212, %mul3A_1139 : i32
        %add3A_1141 = arith.constant 7 : i32
        %add3A_1142 = arith.addi %mul3A_1140, %add3A_1141 : i32
        %get3A_1143 = arith.constant 0 : i32
        %get3A_1144 = arith.constant 0 : i32
        %get3A_1145 = tpu.memref_slice %arg8[%scan3A_117, %get3A_1143, %get3A_1144] : memref<2x200x64xf32, #tpu.memory_space<vmem>> -> memref<1x200x64xf32, #tpu.memory_space<vmem>>
        %get3A_1146 = tpu.memref_squeeze %get3A_1145 : memref<1x200x64xf32, #tpu.memory_space<vmem>> -> memref<200x64xf32, #tpu.memory_space<vmem>>
        %get3A_1147 = arith.index_cast %add3A_1142 : i32 to index
        %get3A_1148 = arith.constant 16 : index
        %get3A_1149 = tpu.vector_load %get3A_1146[%get3A_1147, %get3A_1148] {strides = array<i32>} : memref<200x64xf32, #tpu.memory_space<vmem>>, vector<1x16xf32>,
        %get3A_1150 = vector.shape_cast %get3A_1149 : vector<1x16xf32> to vector<16xf32>
        %mul3A_1151 = arith.constant 8 : i32
        %mul3A_1152 = arith.muli %add3A_212, %mul3A_1151 : i32
        %add3A_1153 = arith.constant 7 : i32
        %add3A_1154 = arith.addi %mul3A_1152, %add3A_1153 : i32
        %get3A_1155 = arith.index_cast %add3A_1154 : i32 to index
        %get3A_1156 = arith.constant 16 : index
        %get3A_1157 = tpu.vector_load %arg7[%get3A_1155, %get3A_1156] {strides = array<i32>} : memref<200x64xf32, #tpu.memory_space<vmem>>, vector<1x16xf32>,
        %get3A_1158 = vector.shape_cast %get3A_1157 : vector<1x16xf32> to vector<16xf32>
        %add3A_1159 = arith.addf %get3A_1150, %get3A_1158 : vector<16xf32>
        %mul3A_1160 = arith.constant 4 : i32
        %mul3A_1161 = arith.muli %add3A_212, %mul3A_1160 : i32
        %add3A_1162 = arith.constant 3 : i32
        %add3A_1163 = arith.addi %mul3A_1161, %add3A_1162 : i32
        %swap3A_1164 = arith.constant 0 : i32
        %swap3A_1165 = arith.index_cast %swap3A_1164 : i32 to index
        %swap3A_1166 = arith.index_cast %add3A_1163 : i32 to index
        %swap3A_1167 = arith.constant 80 : index
        %swap3A_1168 = tpu.vector_load %arg9[%swap3A_1165, %swap3A_1166, %swap3A_1167] {strides = array<i32>} : memref<2x100x128xf32, #tpu.memory_space<vmem>>, vector<1x1x16xf32>,
        %swap3A_1169 = vector.shape_cast %swap3A_1168 : vector<1x1x16xf32> to vector<16xf32>
        %swap3A_1170 = vector.shape_cast %add3A_1159 : vector<16xf32> to vector<1x1x16xf32>
        tpu.vector_store %arg9[%swap3A_1165, %swap3A_1166, %swap3A_1167], %swap3A_1170 {strides = array<i32>} : memref<2x100x128xf32, #tpu.memory_space<vmem>>, vector<1x1x16xf32>,
        %mul3A_1171 = arith.constant 8 : i32
        %mul3A_1172 = arith.muli %add3A_212, %mul3A_1171 : i32
        %add3A_1173 = arith.constant 7 : i32
        %add3A_1174 = arith.addi %mul3A_1172, %add3A_1173 : i32
        %get3A_1175 = arith.constant 0 : i32
        %get3A_1176 = arith.constant 0 : i32
        %get3A_1177 = tpu.memref_slice %arg8[%scan3A_117, %get3A_1175, %get3A_1176] : memref<2x200x64xf32, #tpu.memory_space<vmem>> -> memref<1x200x64xf32, #tpu.memory_space<vmem>>
        %get3A_1178 = tpu.memref_squeeze %get3A_1177 : memref<1x200x64xf32, #tpu.memory_space<vmem>> -> memref<200x64xf32, #tpu.memory_space<vmem>>
        %get3A_1179 = arith.index_cast %add3A_1174 : i32 to index
        %get3A_1180 = arith.constant 32 : index
        %get3A_1181 = tpu.vector_load %get3A_1178[%get3A_1179, %get3A_1180] {strides = array<i32>} : memref<200x64xf32, #tpu.memory_space<vmem>>, vector<1x16xf32>,
        %get3A_1182 = vector.shape_cast %get3A_1181 : vector<1x16xf32> to vector<16xf32>
        %mul3A_1183 = arith.constant 8 : i32
        %mul3A_1184 = arith.muli %add3A_212, %mul3A_1183 : i32
        %add3A_1185 = arith.constant 7 : i32
        %add3A_1186 = arith.addi %mul3A_1184, %add3A_1185 : i32
        %get3A_1187 = arith.index_cast %add3A_1186 : i32 to index
        %get3A_1188 = arith.constant 32 : index
        %get3A_1189 = tpu.vector_load %arg7[%get3A_1187, %get3A_1188] {strides = array<i32>} : memref<200x64xf32, #tpu.memory_space<vmem>>, vector<1x16xf32>,
        %get3A_1190 = vector.shape_cast %get3A_1189 : vector<1x16xf32> to vector<16xf32>
        %add3A_1191 = arith.addf %get3A_1182, %get3A_1190 : vector<16xf32>
        %mul3A_1192 = arith.constant 4 : i32
        %mul3A_1193 = arith.muli %add3A_212, %mul3A_1192 : i32
        %add3A_1194 = arith.constant 3 : i32
        %add3A_1195 = arith.addi %mul3A_1193, %add3A_1194 : i32
        %swap3A_1196 = arith.constant 0 : i32
        %swap3A_1197 = arith.index_cast %swap3A_1196 : i32 to index
        %swap3A_1198 = arith.index_cast %add3A_1195 : i32 to index
        %swap3A_1199 = arith.constant 96 : index
        %swap3A_1200 = tpu.vector_load %arg9[%swap3A_1197, %swap3A_1198, %swap3A_1199] {strides = array<i32>} : memref<2x100x128xf32, #tpu.memory_space<vmem>>, vector<1x1x16xf32>,
        %swap3A_1201 = vector.shape_cast %swap3A_1200 : vector<1x1x16xf32> to vector<16xf32>
        %swap3A_1202 = vector.shape_cast %add3A_1191 : vector<16xf32> to vector<1x1x16xf32>
        tpu.vector_store %arg9[%swap3A_1197, %swap3A_1198, %swap3A_1199], %swap3A_1202 {strides = array<i32>} : memref<2x100x128xf32, #tpu.memory_space<vmem>>, vector<1x1x16xf32>,
        %mul3A_1203 = arith.constant 8 : i32
        %mul3A_1204 = arith.muli %add3A_212, %mul3A_1203 : i32
        %add3A_1205 = arith.constant 7 : i32
        %add3A_1206 = arith.addi %mul3A_1204, %add3A_1205 : i32
        %get3A_1207 = arith.constant 0 : i32
        %get3A_1208 = arith.constant 0 : i32
        %get3A_1209 = tpu.memref_slice %arg8[%scan3A_117, %get3A_1207, %get3A_1208] : memref<2x200x64xf32, #tpu.memory_space<vmem>> -> memref<1x200x64xf32, #tpu.memory_space<vmem>>
        %get3A_1210 = tpu.memref_squeeze %get3A_1209 : memref<1x200x64xf32, #tpu.memory_space<vmem>> -> memref<200x64xf32, #tpu.memory_space<vmem>>
        %get3A_1211 = arith.index_cast %add3A_1206 : i32 to index
        %get3A_1212 = arith.constant 48 : index
        %get3A_1213 = tpu.vector_load %get3A_1210[%get3A_1211, %get3A_1212] {strides = array<i32>} : memref<200x64xf32, #tpu.memory_space<vmem>>, vector<1x16xf32>,
        %get3A_1214 = vector.shape_cast %get3A_1213 : vector<1x16xf32> to vector<16xf32>
        %mul3A_1215 = arith.constant 8 : i32
        %mul3A_1216 = arith.muli %add3A_212, %mul3A_1215 : i32
        %add3A_1217 = arith.constant 7 : i32
        %add3A_1218 = arith.addi %mul3A_1216, %add3A_1217 : i32
        %get3A_1219 = arith.index_cast %add3A_1218 : i32 to index
        %get3A_1220 = arith.constant 48 : index
        %get3A_1221 = tpu.vector_load %arg7[%get3A_1219, %get3A_1220] {strides = array<i32>} : memref<200x64xf32, #tpu.memory_space<vmem>>, vector<1x16xf32>,
        %get3A_1222 = vector.shape_cast %get3A_1221 : vector<1x16xf32> to vector<16xf32>
        %add3A_1223 = arith.addf %get3A_1214, %get3A_1222 : vector<16xf32>
        %mul3A_1224 = arith.constant 4 : i32
        %mul3A_1225 = arith.muli %add3A_212, %mul3A_1224 : i32
        %add3A_1226 = arith.constant 3 : i32
        %add3A_1227 = arith.addi %mul3A_1225, %add3A_1226 : i32
        %swap3A_1228 = arith.constant 0 : i32
        %swap3A_1229 = arith.index_cast %swap3A_1228 : i32 to index
        %swap3A_1230 = arith.index_cast %add3A_1227 : i32 to index
        %swap3A_1231 = arith.constant 112 : index
        %swap3A_1232 = tpu.vector_load %arg9[%swap3A_1229, %swap3A_1230, %swap3A_1231] {strides = array<i32>} : memref<2x100x128xf32, #tpu.memory_space<vmem>>, vector<1x1x16xf32>,
        %swap3A_1233 = vector.shape_cast %swap3A_1232 : vector<1x1x16xf32> to vector<16xf32>
        %swap3A_1234 = vector.shape_cast %add3A_1223 : vector<16xf32> to vector<1x1x16xf32>
        tpu.vector_store %arg9[%swap3A_1229, %swap3A_1230, %swap3A_1231], %swap3A_1234 {strides = array<i32>} : memref<2x100x128xf32, #tpu.memory_space<vmem>>, vector<1x1x16xf32>,
      }
      %scan3A_122 = arith.constant 25 : i32
      %add3A_123 = arith.addi %mul3A_2, %add3A_83 : i32
      %mul3A_124 = arith.constant 100 : i32
      %mul3A_125 = arith.muli %add3A_123, %mul3A_124 : i32
      %dma_start3A_126 = arith.constant 0 : i32
      %dma_start3A_127 = arith.constant 0 : i32
      %dma_start3A_128 = arith.constant 0 : i32
      %dma_start3A_129 = arith.constant 0 : i32
      %dma_start3A_130 = tpu.memref_slice %arg9[%dma_start3A_126, %dma_start3A_128, %dma_start3A_129] : memref<2x100x128xf32, #tpu.memory_space<vmem>> -> memref<1x100x128xf32, #tpu.memory_space<vmem>>
      %dma_start3A_131 = tpu.memref_squeeze %dma_start3A_130 : memref<1x100x128xf32, #tpu.memory_space<vmem>> -> memref<100x128xf32, #tpu.memory_space<vmem>>
      %dma_start3A_132 = arith.constant 0 : i32
      %dma_start3A_133 = tpu.memref_slice %arg5[%mul3A_125, %dma_start3A_132] : memref<409600x128xf32, #tpu.memory_space<hbm>> -> memref<100x128xf32, #tpu.memory_space<hbm>>
      %dma_start3A_134 = tpu.memref_slice %arg12[%dma_start3A_127] : memref<2x!tpu.dma_semaphore, #tpu.memory_space<semaphore_mem>> -> memref<1x!tpu.dma_semaphore, #tpu.memory_space<semaphore_mem>>
      %dma_start3A_135 = tpu.memref_squeeze %dma_start3A_134 : memref<1x!tpu.dma_semaphore, #tpu.memory_space<semaphore_mem>> -> memref<!tpu.dma_semaphore, #tpu.memory_space<semaphore_mem>>
      %dma_start3A_136 = arith.constant 0 : i32
      %dma_start3A_137 = tpu.memref_slice %arg5[%mul3A_125, %dma_start3A_136] : memref<409600x128xf32, #tpu.memory_space<hbm>> -> memref<100x128xf32, #tpu.memory_space<hbm>>
      %dma_start3A_138 = arith.constant 0 : i32
      %dma_start3A_139 = arith.constant 0 : i32
      %dma_start3A_140 = tpu.memref_slice %arg9[%dma_start3A_126, %dma_start3A_138, %dma_start3A_139] : memref<2x100x128xf32, #tpu.memory_space<vmem>> -> memref<1x100x128xf32, #tpu.memory_space<vmem>>
      %dma_start3A_141 = tpu.memref_squeeze %dma_start3A_140 : memref<1x100x128xf32, #tpu.memory_space<vmem>> -> memref<100x128xf32, #tpu.memory_space<vmem>>
      tpu.enqueue_dma source(%dma_start3A_141 : memref<100x128xf32, #tpu.memory_space<vmem>>) target(%dma_start3A_137 : memref<100x128xf32, #tpu.memory_space<hbm>>) target_semaphore(%dma_start3A_135 : memref<!tpu.dma_semaphore, #tpu.memory_space<semaphore_mem>>)
      %mul3A_142 = arith.constant 2 : i32
      %mul3A_143 = arith.muli %add3A_79, %mul3A_142 : i32
      %add3A_144 = arith.constant 1 : i32
      %add3A_145 = arith.addi %mul3A_143, %add3A_144 : i32
      %add3A_146 = arith.constant 2 : i32
      %add3A_147 = arith.addi %add3A_145, %add3A_146 : i32
      %sub3A_148 = arith.constant 1 : i32
      %sub3A_149 = arith.subi %add3A_147, %sub3A_148 : i32
      %lt3A_150 = arith.constant 128 : i32
      %lt3A_151 = arith.cmpi slt, %sub3A_149, %lt3A_150 : i32
      %convert_element_type3A_152 = arith.extui %lt3A_151 : i1 to i32
      %cond3A_153 = arith.constant 0 : i32
      %cond3A_154 = arith.cmpi ne, %convert_element_type3A_152, %cond3A_153 : i32
      scf.if %cond3A_154 {
        %ge3A = arith.constant 1 : i32
        %ge3A_208 = arith.cmpi sge, %add3A_145, %ge3A : i32
        %convert_element_type3A_209 = arith.extui %ge3A_208 : i1 to i32
        %cond3A_210 = arith.constant 0 : i32
        %cond3A_211 = arith.cmpi ne, %convert_element_type3A_209, %cond3A_210 : i32
        scf.if %cond3A_211 {
          %sub3A_244 = arith.constant 1 : i32
          %sub3A_245 = arith.subi %add3A_145, %sub3A_244 : i32
          %add3A_246 = arith.addi %mul3A_2, %sub3A_245 : i32
          %mul3A_247 = arith.constant 100 : i32
          %mul3A_248 = arith.muli %add3A_246, %mul3A_247 : i32
          %dma_wait3A_249 = arith.constant 0 : i32
          %dma_wait3A_250 = arith.constant 0 : i32
          %dma_wait3A_251 = arith.constant 0 : i32
          %dma_wait3A_252 = arith.constant 0 : i32
          %dma_wait3A_253 = tpu.memref_slice %arg9[%dma_wait3A_249, %dma_wait3A_251, %dma_wait3A_252] : memref<2x100x128xf32, #tpu.memory_space<vmem>> -> memref<1x100x128xf32, #tpu.memory_space<vmem>>
          %dma_wait3A_254 = tpu.memref_squeeze %dma_wait3A_253 : memref<1x100x128xf32, #tpu.memory_space<vmem>> -> memref<100x128xf32, #tpu.memory_space<vmem>>
          %dma_wait3A_255 = arith.constant 0 : i32
          %dma_wait3A_256 = tpu.memref_slice %arg5[%mul3A_248, %dma_wait3A_255] : memref<409600x128xf32, #tpu.memory_space<hbm>> -> memref<100x128xf32, #tpu.memory_space<hbm>>
          %dma_wait3A_257 = tpu.memref_slice %arg12[%dma_wait3A_250] : memref<2x!tpu.dma_semaphore, #tpu.memory_space<semaphore_mem>> -> memref<1x!tpu.dma_semaphore, #tpu.memory_space<semaphore_mem>>
          %dma_wait3A_258 = tpu.memref_squeeze %dma_wait3A_257 : memref<1x!tpu.dma_semaphore, #tpu.memory_space<semaphore_mem>> -> memref<!tpu.dma_semaphore, #tpu.memory_space<semaphore_mem>>
          %dma_wait3A_259 = arith.constant 0 : i32
          %dma_wait3A_260 = tpu.memref_slice %arg5[%mul3A_248, %dma_wait3A_259] : memref<409600x128xf32, #tpu.memory_space<hbm>> -> memref<100x128xf32, #tpu.memory_space<hbm>>
          %dma_wait3A_261 = arith.constant 0 : i32
          %dma_wait3A_262 = arith.constant 0 : i32
          %dma_wait3A_263 = tpu.memref_slice %arg9[%dma_wait3A_249, %dma_wait3A_261, %dma_wait3A_262] : memref<2x100x128xf32, #tpu.memory_space<vmem>> -> memref<1x100x128xf32, #tpu.memory_space<vmem>>
          %dma_wait3A_264 = tpu.memref_squeeze %dma_wait3A_263 : memref<1x100x128xf32, #tpu.memory_space<vmem>> -> memref<100x128xf32, #tpu.memory_space<vmem>>
          tpu.wait_dma2 semaphore(%dma_wait3A_258 : memref<!tpu.dma_semaphore, #tpu.memory_space<semaphore_mem>>) src(%dma_wait3A_264 : memref<100x128xf32, #tpu.memory_space<vmem>>) dst(%dma_wait3A_260 : memref<100x128xf32, #tpu.memory_space<hbm>>)
        } else {
        }
        %add3A_212 = arith.constant 2 : i32
        %add3A_213 = arith.addi %add3A_145, %add3A_212 : i32
        %sub3A_214 = arith.constant 1 : i32
        %sub3A_215 = arith.subi %add3A_213, %sub3A_214 : i32
        %dma_start3A_216 = arith.constant 0 : i32
        %dma_start3A_217 = arith.constant 0 : i32
        %dma_start3A_218 = arith.constant 0 : i32
        %dma_start3A_219 = arith.constant 0 : i32
        %dma_start3A_220 = tpu.memref_slice %arg8[%dma_start3A_216, %dma_start3A_218, %dma_start3A_219] : memref<2x200x64xf32, #tpu.memory_space<vmem>> -> memref<1x128x64xf32, #tpu.memory_space<vmem>>
        %dma_start3A_221 = tpu.memref_squeeze %dma_start3A_220 : memref<1x128x64xf32, #tpu.memory_space<vmem>> -> memref<128x64xf32, #tpu.memory_space<vmem>>
        %dma_start3A_222 = arith.constant 0 : i32
        %dma_start3A_223 = tpu.memref_slice %arg6[%sub3A_215, %dma_start3A_222] : memref<128x200xi32, #tpu.memory_space<vmem>> -> memref<1x128xi32, #tpu.memory_space<vmem>>
        %dma_start3A_224 = tpu.memref_squeeze %dma_start3A_223 : memref<1x128xi32, #tpu.memory_space<vmem>> -> memref<128xi32, #tpu.memory_space<vmem>>
        %dma_start3A_225 = arith.constant 0 : i32
        %dma_start3A_226 = arith.constant 0 : i32
        %dma_start3A_227 = tpu.memref_slice %arg3[%dma_start3A_225, %dma_start3A_226] : memref<1000000x64xf32, #tpu.memory_space<hbm>> -> memref<1000000x64xf32, #tpu.memory_space<hbm>>
        %dma_start3A_228 = tpu.memref_slice %arg10[%dma_start3A_217] : memref<2x!tpu.dma_semaphore, #tpu.memory_space<semaphore_mem>> -> memref<1x!tpu.dma_semaphore, #tpu.memory_space<semaphore_mem>>
        %dma_start3A_229 = tpu.memref_squeeze %dma_start3A_228 : memref<1x!tpu.dma_semaphore, #tpu.memory_space<semaphore_mem>> -> memref<!tpu.dma_semaphore, #tpu.memory_space<semaphore_mem>>
        tpu.enqueue_indirect_dma source(%dma_start3A_227 : memref<1000000x64xf32, #tpu.memory_space<hbm>>) target(%dma_start3A_221 : memref<128x64xf32, #tpu.memory_space<vmem>>) offsets(%dma_start3A_224 : memref<128xi32, #tpu.memory_space<vmem>>) semaphore(%dma_start3A_229 : memref<!tpu.dma_semaphore, #tpu.memory_space<semaphore_mem>>)
        %dma_start3A_230 = arith.constant 0 : i32
        %dma_start3A_231 = arith.constant 0 : i32
        %dma_start3A_232 = arith.constant 128 : i32
        %dma_start3A_233 = arith.constant 0 : i32
        %dma_start3A_234 = tpu.memref_slice %arg8[%dma_start3A_230, %dma_start3A_232, %dma_start3A_233] : memref<2x200x64xf32, #tpu.memory_space<vmem>> -> memref<1x72x64xf32, #tpu.memory_space<vmem>>
        %dma_start3A_235 = tpu.memref_squeeze %dma_start3A_234 : memref<1x72x64xf32, #tpu.memory_space<vmem>> -> memref<72x64xf32, #tpu.memory_space<vmem>>
        %dma_start3A_236 = arith.constant 128 : i32
        %dma_start3A_237 = tpu.memref_slice %arg6[%sub3A_215, %dma_start3A_236] : memref<128x200xi32, #tpu.memory_space<vmem>> -> memref<1x72xi32, #tpu.memory_space<vmem>>
        %dma_start3A_238 = tpu.memref_squeeze %dma_start3A_237 : memref<1x72xi32, #tpu.memory_space<vmem>> -> memref<72xi32, #tpu.memory_space<vmem>>
        %dma_start3A_239 = arith.constant 0 : i32
        %dma_start3A_240 = arith.constant 0 : i32
        %dma_start3A_241 = tpu.memref_slice %arg3[%dma_start3A_239, %dma_start3A_240] : memref<1000000x64xf32, #tpu.memory_space<hbm>> -> memref<1000000x64xf32, #tpu.memory_space<hbm>>
        %dma_start3A_242 = tpu.memref_slice %arg11[%dma_start3A_231] : memref<2x!tpu.dma_semaphore, #tpu.memory_space<semaphore_mem>> -> memref<1x!tpu.dma_semaphore, #tpu.memory_space<semaphore_mem>>
        %dma_start3A_243 = tpu.memref_squeeze %dma_start3A_242 : memref<1x!tpu.dma_semaphore, #tpu.memory_space<semaphore_mem>> -> memref<!tpu.dma_semaphore, #tpu.memory_space<semaphore_mem>>
        tpu.enqueue_indirect_dma source(%dma_start3A_241 : memref<1000000x64xf32, #tpu.memory_space<hbm>>) target(%dma_start3A_235 : memref<72x64xf32, #tpu.memory_space<vmem>>) offsets(%dma_start3A_238 : memref<72xi32, #tpu.memory_space<vmem>>) semaphore(%dma_start3A_243 : memref<!tpu.dma_semaphore, #tpu.memory_space<semaphore_mem>>)
      } else {
      }
      %dma_wait3A_155 = arith.constant 1 : i32
      %dma_wait3A_156 = arith.constant 1 : i32
      %dma_wait3A_157 = arith.constant 0 : i32
      %dma_wait3A_158 = arith.constant 0 : i32
      %dma_wait3A_159 = tpu.memref_slice %arg8[%dma_wait3A_155, %dma_wait3A_157, %dma_wait3A_158] : memref<2x200x64xf32, #tpu.memory_space<vmem>> -> memref<1x128x64xf32, #tpu.memory_space<vmem>>
      %dma_wait3A_160 = tpu.memref_squeeze %dma_wait3A_159 : memref<1x128x64xf32, #tpu.memory_space<vmem>> -> memref<128x64xf32, #tpu.memory_space<vmem>>
      %dma_wait3A_161 = arith.constant 0 : i32
      %dma_wait3A_162 = tpu.memref_slice %arg6[%add3A_145, %dma_wait3A_161] : memref<128x200xi32, #tpu.memory_space<vmem>> -> memref<1x128xi32, #tpu.memory_space<vmem>>
      %dma_wait3A_163 = tpu.memref_squeeze %dma_wait3A_162 : memref<1x128xi32, #tpu.memory_space<vmem>> -> memref<128xi32, #tpu.memory_space<vmem>>
      %dma_wait3A_164 = arith.constant 0 : i32
      %dma_wait3A_165 = arith.constant 0 : i32
      %dma_wait3A_166 = tpu.memref_slice %arg3[%dma_wait3A_164, %dma_wait3A_165] : memref<1000000x64xf32, #tpu.memory_space<hbm>> -> memref<1000000x64xf32, #tpu.memory_space<hbm>>
      %dma_wait3A_167 = tpu.memref_slice %arg10[%dma_wait3A_156] : memref<2x!tpu.dma_semaphore, #tpu.memory_space<semaphore_mem>> -> memref<1x!tpu.dma_semaphore, #tpu.memory_space<semaphore_mem>>
      %dma_wait3A_168 = tpu.memref_squeeze %dma_wait3A_167 : memref<1x!tpu.dma_semaphore, #tpu.memory_space<semaphore_mem>> -> memref<!tpu.dma_semaphore, #tpu.memory_space<semaphore_mem>>
      tpu.wait_indirect_dma semaphore(%dma_wait3A_168 : memref<!tpu.dma_semaphore, #tpu.memory_space<semaphore_mem>>) src(%dma_wait3A_166 : memref<1000000x64xf32, #tpu.memory_space<hbm>>) dst(%dma_wait3A_160 : memref<128x64xf32, #tpu.memory_space<vmem>>)
      %dma_wait3A_169 = arith.constant 1 : i32
      %dma_wait3A_170 = arith.constant 1 : i32
      %dma_wait3A_171 = arith.constant 128 : i32
      %dma_wait3A_172 = arith.constant 0 : i32
      %dma_wait3A_173 = tpu.memref_slice %arg8[%dma_wait3A_169, %dma_wait3A_171, %dma_wait3A_172] : memref<2x200x64xf32, #tpu.memory_space<vmem>> -> memref<1x72x64xf32, #tpu.memory_space<vmem>>
      %dma_wait3A_174 = tpu.memref_squeeze %dma_wait3A_173 : memref<1x72x64xf32, #tpu.memory_space<vmem>> -> memref<72x64xf32, #tpu.memory_space<vmem>>
      %dma_wait3A_175 = arith.constant 128 : i32
      %dma_wait3A_176 = tpu.memref_slice %arg6[%add3A_145, %dma_wait3A_175] : memref<128x200xi32, #tpu.memory_space<vmem>> -> memref<1x72xi32, #tpu.memory_space<vmem>>
      %dma_wait3A_177 = tpu.memref_squeeze %dma_wait3A_176 : memref<1x72xi32, #tpu.memory_space<vmem>> -> memref<72xi32, #tpu.memory_space<vmem>>
      %dma_wait3A_178 = arith.constant 0 : i32
      %dma_wait3A_179 = arith.constant 0 : i32
      %dma_wait3A_180 = tpu.memref_slice %arg3[%dma_wait3A_178, %dma_wait3A_179] : memref<1000000x64xf32, #tpu.memory_space<hbm>> -> memref<1000000x64xf32, #tpu.memory_space<hbm>>
      %dma_wait3A_181 = tpu.memref_slice %arg11[%dma_wait3A_170] : memref<2x!tpu.dma_semaphore, #tpu.memory_space<semaphore_mem>> -> memref<1x!tpu.dma_semaphore, #tpu.memory_space<semaphore_mem>>
      %dma_wait3A_182 = tpu.memref_squeeze %dma_wait3A_181 : memref<1x!tpu.dma_semaphore, #tpu.memory_space<semaphore_mem>> -> memref<!tpu.dma_semaphore, #tpu.memory_space<semaphore_mem>>
      tpu.wait_indirect_dma semaphore(%dma_wait3A_182 : memref<!tpu.dma_semaphore, #tpu.memory_space<semaphore_mem>>) src(%dma_wait3A_180 : memref<1000000x64xf32, #tpu.memory_space<hbm>>) dst(%dma_wait3A_174 : memref<72x64xf32, #tpu.memory_space<vmem>>)
      %scan3A_183 = arith.constant 1 : i32
      %scan3A_184 = arith.constant 0 : i32
      %scan3A_185 = arith.constant 25 : i32
      %scan3A_186 = arith.addi %scan3A_184, %scan3A_185 : i32
      %scan3A_187 = arith.constant 1 : i32
      scf.for %scan3A_208 = %scan3A_184 to %scan3A_186 step %scan3A_187  : i32 {
        %mul3A_209 = arith.constant 1 : i32
        %mul3A_210 = arith.muli %scan3A_208, %mul3A_209 : i32
        %add3A_211 = arith.constant 0 : i32
        %add3A_212 = arith.addi %add3A_211, %mul3A_210 : i32
        %mul3A_213 = arith.constant 8 : i32
        %mul3A_214 = arith.muli %add3A_212, %mul3A_213 : i32
        %add3A_215 = arith.constant 0 : i32
        %add3A_216 = arith.addi %mul3A_214, %add3A_215 : i32
        %get3A = arith.constant 0 : i32
        %get3A_217 = arith.constant 0 : i32
        %get3A_218 = tpu.memref_slice %arg8[%scan3A_183, %get3A, %get3A_217] : memref<2x200x64xf32, #tpu.memory_space<vmem>> -> memref<1x200x64xf32, #tpu.memory_space<vmem>>
        %get3A_219 = tpu.memref_squeeze %get3A_218 : memref<1x200x64xf32, #tpu.memory_space<vmem>> -> memref<200x64xf32, #tpu.memory_space<vmem>>
        %get3A_220 = arith.index_cast %add3A_216 : i32 to index
        %get3A_221 = arith.constant 0 : index
        %get3A_222 = tpu.vector_load %get3A_219[%get3A_220, %get3A_221] {strides = array<i32>} : memref<200x64xf32, #tpu.memory_space<vmem>>, vector<1x16xf32>,
        %get3A_223 = vector.shape_cast %get3A_222 : vector<1x16xf32> to vector<16xf32>
        %mul3A_224 = arith.constant 8 : i32
        %mul3A_225 = arith.muli %add3A_212, %mul3A_224 : i32
        %add3A_226 = arith.constant 0 : i32
        %add3A_227 = arith.addi %mul3A_225, %add3A_226 : i32
        %get3A_228 = arith.index_cast %add3A_227 : i32 to index
        %get3A_229 = arith.constant 0 : index
        %get3A_230 = tpu.vector_load %arg7[%get3A_228, %get3A_229] {strides = array<i32>} : memref<200x64xf32, #tpu.memory_space<vmem>>, vector<1x16xf32>,
        %get3A_231 = vector.shape_cast %get3A_230 : vector<1x16xf32> to vector<16xf32>
        %add3A_232 = arith.addf %get3A_223, %get3A_231 : vector<16xf32>
        %mul3A_233 = arith.constant 4 : i32
        %mul3A_234 = arith.muli %add3A_212, %mul3A_233 : i32
        %add3A_235 = arith.constant 0 : i32
        %add3A_236 = arith.addi %mul3A_234, %add3A_235 : i32
        %swap3A = arith.constant 1 : i32
        %swap3A_237 = arith.index_cast %swap3A : i32 to index
        %swap3A_238 = arith.index_cast %add3A_236 : i32 to index
        %swap3A_239 = arith.constant 0 : index
        %swap3A_240 = tpu.vector_load %arg9[%swap3A_237, %swap3A_238, %swap3A_239] {strides = array<i32>} : memref<2x100x128xf32, #tpu.memory_space<vmem>>, vector<1x1x16xf32>,
        %swap3A_241 = vector.shape_cast %swap3A_240 : vector<1x1x16xf32> to vector<16xf32>
        %swap3A_242 = vector.shape_cast %add3A_232 : vector<16xf32> to vector<1x1x16xf32>
        tpu.vector_store %arg9[%swap3A_237, %swap3A_238, %swap3A_239], %swap3A_242 {strides = array<i32>} : memref<2x100x128xf32, #tpu.memory_space<vmem>>, vector<1x1x16xf32>,
        %mul3A_243 = arith.constant 8 : i32
        %mul3A_244 = arith.muli %add3A_212, %mul3A_243 : i32
        %add3A_245 = arith.constant 0 : i32
        %add3A_246 = arith.addi %mul3A_244, %add3A_245 : i32
        %get3A_247 = arith.constant 0 : i32
        %get3A_248 = arith.constant 0 : i32
        %get3A_249 = tpu.memref_slice %arg8[%scan3A_183, %get3A_247, %get3A_248] : memref<2x200x64xf32, #tpu.memory_space<vmem>> -> memref<1x200x64xf32, #tpu.memory_space<vmem>>
        %get3A_250 = tpu.memref_squeeze %get3A_249 : memref<1x200x64xf32, #tpu.memory_space<vmem>> -> memref<200x64xf32, #tpu.memory_space<vmem>>
        %get3A_251 = arith.index_cast %add3A_246 : i32 to index
        %get3A_252 = arith.constant 16 : index
        %get3A_253 = tpu.vector_load %get3A_250[%get3A_251, %get3A_252] {strides = array<i32>} : memref<200x64xf32, #tpu.memory_space<vmem>>, vector<1x16xf32>,
        %get3A_254 = vector.shape_cast %get3A_253 : vector<1x16xf32> to vector<16xf32>
        %mul3A_255 = arith.constant 8 : i32
        %mul3A_256 = arith.muli %add3A_212, %mul3A_255 : i32
        %add3A_257 = arith.constant 0 : i32
        %add3A_258 = arith.addi %mul3A_256, %add3A_257 : i32
        %get3A_259 = arith.index_cast %add3A_258 : i32 to index
        %get3A_260 = arith.constant 16 : index
        %get3A_261 = tpu.vector_load %arg7[%get3A_259, %get3A_260] {strides = array<i32>} : memref<200x64xf32, #tpu.memory_space<vmem>>, vector<1x16xf32>,
        %get3A_262 = vector.shape_cast %get3A_261 : vector<1x16xf32> to vector<16xf32>
        %add3A_263 = arith.addf %get3A_254, %get3A_262 : vector<16xf32>
        %mul3A_264 = arith.constant 4 : i32
        %mul3A_265 = arith.muli %add3A_212, %mul3A_264 : i32
        %add3A_266 = arith.constant 0 : i32
        %add3A_267 = arith.addi %mul3A_265, %add3A_266 : i32
        %swap3A_268 = arith.constant 1 : i32
        %swap3A_269 = arith.index_cast %swap3A_268 : i32 to index
        %swap3A_270 = arith.index_cast %add3A_267 : i32 to index
        %swap3A_271 = arith.constant 16 : index
        %swap3A_272 = tpu.vector_load %arg9[%swap3A_269, %swap3A_270, %swap3A_271] {strides = array<i32>} : memref<2x100x128xf32, #tpu.memory_space<vmem>>, vector<1x1x16xf32>,
        %swap3A_273 = vector.shape_cast %swap3A_272 : vector<1x1x16xf32> to vector<16xf32>
        %swap3A_274 = vector.shape_cast %add3A_263 : vector<16xf32> to vector<1x1x16xf32>
        tpu.vector_store %arg9[%swap3A_269, %swap3A_270, %swap3A_271], %swap3A_274 {strides = array<i32>} : memref<2x100x128xf32, #tpu.memory_space<vmem>>, vector<1x1x16xf32>,
        %mul3A_275 = arith.constant 8 : i32
        %mul3A_276 = arith.muli %add3A_212, %mul3A_275 : i32
        %add3A_277 = arith.constant 0 : i32
        %add3A_278 = arith.addi %mul3A_276, %add3A_277 : i32
        %get3A_279 = arith.constant 0 : i32
        %get3A_280 = arith.constant 0 : i32
        %get3A_281 = tpu.memref_slice %arg8[%scan3A_183, %get3A_279, %get3A_280] : memref<2x200x64xf32, #tpu.memory_space<vmem>> -> memref<1x200x64xf32, #tpu.memory_space<vmem>>
        %get3A_282 = tpu.memref_squeeze %get3A_281 : memref<1x200x64xf32, #tpu.memory_space<vmem>> -> memref<200x64xf32, #tpu.memory_space<vmem>>
        %get3A_283 = arith.index_cast %add3A_278 : i32 to index
        %get3A_284 = arith.constant 32 : index
        %get3A_285 = tpu.vector_load %get3A_282[%get3A_283, %get3A_284] {strides = array<i32>} : memref<200x64xf32, #tpu.memory_space<vmem>>, vector<1x16xf32>,
        %get3A_286 = vector.shape_cast %get3A_285 : vector<1x16xf32> to vector<16xf32>
        %mul3A_287 = arith.constant 8 : i32
        %mul3A_288 = arith.muli %add3A_212, %mul3A_287 : i32
        %add3A_289 = arith.constant 0 : i32
        %add3A_290 = arith.addi %mul3A_288, %add3A_289 : i32
        %get3A_291 = arith.index_cast %add3A_290 : i32 to index
        %get3A_292 = arith.constant 32 : index
        %get3A_293 = tpu.vector_load %arg7[%get3A_291, %get3A_292] {strides = array<i32>} : memref<200x64xf32, #tpu.memory_space<vmem>>, vector<1x16xf32>,
        %get3A_294 = vector.shape_cast %get3A_293 : vector<1x16xf32> to vector<16xf32>
        %add3A_295 = arith.addf %get3A_286, %get3A_294 : vector<16xf32>
        %mul3A_296 = arith.constant 4 : i32
        %mul3A_297 = arith.muli %add3A_212, %mul3A_296 : i32
        %add3A_298 = arith.constant 0 : i32
        %add3A_299 = arith.addi %mul3A_297, %add3A_298 : i32
        %swap3A_300 = arith.constant 1 : i32
        %swap3A_301 = arith.index_cast %swap3A_300 : i32 to index
        %swap3A_302 = arith.index_cast %add3A_299 : i32 to index
        %swap3A_303 = arith.constant 32 : index
        %swap3A_304 = tpu.vector_load %arg9[%swap3A_301, %swap3A_302, %swap3A_303] {strides = array<i32>} : memref<2x100x128xf32, #tpu.memory_space<vmem>>, vector<1x1x16xf32>,
        %swap3A_305 = vector.shape_cast %swap3A_304 : vector<1x1x16xf32> to vector<16xf32>
        %swap3A_306 = vector.shape_cast %add3A_295 : vector<16xf32> to vector<1x1x16xf32>
        tpu.vector_store %arg9[%swap3A_301, %swap3A_302, %swap3A_303], %swap3A_306 {strides = array<i32>} : memref<2x100x128xf32, #tpu.memory_space<vmem>>, vector<1x1x16xf32>,
        %mul3A_307 = arith.constant 8 : i32
        %mul3A_308 = arith.muli %add3A_212, %mul3A_307 : i32
        %add3A_309 = arith.constant 0 : i32
        %add3A_310 = arith.addi %mul3A_308, %add3A_309 : i32
        %get3A_311 = arith.constant 0 : i32
        %get3A_312 = arith.constant 0 : i32
        %get3A_313 = tpu.memref_slice %arg8[%scan3A_183, %get3A_311, %get3A_312] : memref<2x200x64xf32, #tpu.memory_space<vmem>> -> memref<1x200x64xf32, #tpu.memory_space<vmem>>
        %get3A_314 = tpu.memref_squeeze %get3A_313 : memref<1x200x64xf32, #tpu.memory_space<vmem>> -> memref<200x64xf32, #tpu.memory_space<vmem>>
        %get3A_315 = arith.index_cast %add3A_310 : i32 to index
        %get3A_316 = arith.constant 48 : index
        %get3A_317 = tpu.vector_load %get3A_314[%get3A_315, %get3A_316] {strides = array<i32>} : memref<200x64xf32, #tpu.memory_space<vmem>>, vector<1x16xf32>,
        %get3A_318 = vector.shape_cast %get3A_317 : vector<1x16xf32> to vector<16xf32>
        %mul3A_319 = arith.constant 8 : i32
        %mul3A_320 = arith.muli %add3A_212, %mul3A_319 : i32
        %add3A_321 = arith.constant 0 : i32
        %add3A_322 = arith.addi %mul3A_320, %add3A_321 : i32
        %get3A_323 = arith.index_cast %add3A_322 : i32 to index
        %get3A_324 = arith.constant 48 : index
        %get3A_325 = tpu.vector_load %arg7[%get3A_323, %get3A_324] {strides = array<i32>} : memref<200x64xf32, #tpu.memory_space<vmem>>, vector<1x16xf32>,
        %get3A_326 = vector.shape_cast %get3A_325 : vector<1x16xf32> to vector<16xf32>
        %add3A_327 = arith.addf %get3A_318, %get3A_326 : vector<16xf32>
        %mul3A_328 = arith.constant 4 : i32
        %mul3A_329 = arith.muli %add3A_212, %mul3A_328 : i32
        %add3A_330 = arith.constant 0 : i32
        %add3A_331 = arith.addi %mul3A_329, %add3A_330 : i32
        %swap3A_332 = arith.constant 1 : i32
        %swap3A_333 = arith.index_cast %swap3A_332 : i32 to index
        %swap3A_334 = arith.index_cast %add3A_331 : i32 to index
        %swap3A_335 = arith.constant 48 : index
        %swap3A_336 = tpu.vector_load %arg9[%swap3A_333, %swap3A_334, %swap3A_335] {strides = array<i32>} : memref<2x100x128xf32, #tpu.memory_space<vmem>>, vector<1x1x16xf32>,
        %swap3A_337 = vector.shape_cast %swap3A_336 : vector<1x1x16xf32> to vector<16xf32>
        %swap3A_338 = vector.shape_cast %add3A_327 : vector<16xf32> to vector<1x1x16xf32>
        tpu.vector_store %arg9[%swap3A_333, %swap3A_334, %swap3A_335], %swap3A_338 {strides = array<i32>} : memref<2x100x128xf32, #tpu.memory_space<vmem>>, vector<1x1x16xf32>,
        %mul3A_339 = arith.constant 8 : i32
        %mul3A_340 = arith.muli %add3A_212, %mul3A_339 : i32
        %add3A_341 = arith.constant 1 : i32
        %add3A_342 = arith.addi %mul3A_340, %add3A_341 : i32
        %get3A_343 = arith.constant 0 : i32
        %get3A_344 = arith.constant 0 : i32
        %get3A_345 = tpu.memref_slice %arg8[%scan3A_183, %get3A_343, %get3A_344] : memref<2x200x64xf32, #tpu.memory_space<vmem>> -> memref<1x200x64xf32, #tpu.memory_space<vmem>>
        %get3A_346 = tpu.memref_squeeze %get3A_345 : memref<1x200x64xf32, #tpu.memory_space<vmem>> -> memref<200x64xf32, #tpu.memory_space<vmem>>
        %get3A_347 = arith.index_cast %add3A_342 : i32 to index
        %get3A_348 = arith.constant 0 : index
        %get3A_349 = tpu.vector_load %get3A_346[%get3A_347, %get3A_348] {strides = array<i32>} : memref<200x64xf32, #tpu.memory_space<vmem>>, vector<1x16xf32>,
        %get3A_350 = vector.shape_cast %get3A_349 : vector<1x16xf32> to vector<16xf32>
        %mul3A_351 = arith.constant 8 : i32
        %mul3A_352 = arith.muli %add3A_212, %mul3A_351 : i32
        %add3A_353 = arith.constant 1 : i32
        %add3A_354 = arith.addi %mul3A_352, %add3A_353 : i32
        %get3A_355 = arith.index_cast %add3A_354 : i32 to index
        %get3A_356 = arith.constant 0 : index
        %get3A_357 = tpu.vector_load %arg7[%get3A_355, %get3A_356] {strides = array<i32>} : memref<200x64xf32, #tpu.memory_space<vmem>>, vector<1x16xf32>,
        %get3A_358 = vector.shape_cast %get3A_357 : vector<1x16xf32> to vector<16xf32>
        %add3A_359 = arith.addf %get3A_350, %get3A_358 : vector<16xf32>
        %mul3A_360 = arith.constant 4 : i32
        %mul3A_361 = arith.muli %add3A_212, %mul3A_360 : i32
        %add3A_362 = arith.constant 0 : i32
        %add3A_363 = arith.addi %mul3A_361, %add3A_362 : i32
        %swap3A_364 = arith.constant 1 : i32
        %swap3A_365 = arith.index_cast %swap3A_364 : i32 to index
        %swap3A_366 = arith.index_cast %add3A_363 : i32 to index
        %swap3A_367 = arith.constant 64 : index
        %swap3A_368 = tpu.vector_load %arg9[%swap3A_365, %swap3A_366, %swap3A_367] {strides = array<i32>} : memref<2x100x128xf32, #tpu.memory_space<vmem>>, vector<1x1x16xf32>,
        %swap3A_369 = vector.shape_cast %swap3A_368 : vector<1x1x16xf32> to vector<16xf32>
        %swap3A_370 = vector.shape_cast %add3A_359 : vector<16xf32> to vector<1x1x16xf32>
        tpu.vector_store %arg9[%swap3A_365, %swap3A_366, %swap3A_367], %swap3A_370 {strides = array<i32>} : memref<2x100x128xf32, #tpu.memory_space<vmem>>, vector<1x1x16xf32>,
        %mul3A_371 = arith.constant 8 : i32
        %mul3A_372 = arith.muli %add3A_212, %mul3A_371 : i32
        %add3A_373 = arith.constant 1 : i32
        %add3A_374 = arith.addi %mul3A_372, %add3A_373 : i32
        %get3A_375 = arith.constant 0 : i32
        %get3A_376 = arith.constant 0 : i32
        %get3A_377 = tpu.memref_slice %arg8[%scan3A_183, %get3A_375, %get3A_376] : memref<2x200x64xf32, #tpu.memory_space<vmem>> -> memref<1x200x64xf32, #tpu.memory_space<vmem>>
        %get3A_378 = tpu.memref_squeeze %get3A_377 : memref<1x200x64xf32, #tpu.memory_space<vmem>> -> memref<200x64xf32, #tpu.memory_space<vmem>>
        %get3A_379 = arith.index_cast %add3A_374 : i32 to index
        %get3A_380 = arith.constant 16 : index
        %get3A_381 = tpu.vector_load %get3A_378[%get3A_379, %get3A_380] {strides = array<i32>} : memref<200x64xf32, #tpu.memory_space<vmem>>, vector<1x16xf32>,
        %get3A_382 = vector.shape_cast %get3A_381 : vector<1x16xf32> to vector<16xf32>
        %mul3A_383 = arith.constant 8 : i32
        %mul3A_384 = arith.muli %add3A_212, %mul3A_383 : i32
        %add3A_385 = arith.constant 1 : i32
        %add3A_386 = arith.addi %mul3A_384, %add3A_385 : i32
        %get3A_387 = arith.index_cast %add3A_386 : i32 to index
        %get3A_388 = arith.constant 16 : index
        %get3A_389 = tpu.vector_load %arg7[%get3A_387, %get3A_388] {strides = array<i32>} : memref<200x64xf32, #tpu.memory_space<vmem>>, vector<1x16xf32>,
        %get3A_390 = vector.shape_cast %get3A_389 : vector<1x16xf32> to vector<16xf32>
        %add3A_391 = arith.addf %get3A_382, %get3A_390 : vector<16xf32>
        %mul3A_392 = arith.constant 4 : i32
        %mul3A_393 = arith.muli %add3A_212, %mul3A_392 : i32
        %add3A_394 = arith.constant 0 : i32
        %add3A_395 = arith.addi %mul3A_393, %add3A_394 : i32
        %swap3A_396 = arith.constant 1 : i32
        %swap3A_397 = arith.index_cast %swap3A_396 : i32 to index
        %swap3A_398 = arith.index_cast %add3A_395 : i32 to index
        %swap3A_399 = arith.constant 80 : index
        %swap3A_400 = tpu.vector_load %arg9[%swap3A_397, %swap3A_398, %swap3A_399] {strides = array<i32>} : memref<2x100x128xf32, #tpu.memory_space<vmem>>, vector<1x1x16xf32>,
        %swap3A_401 = vector.shape_cast %swap3A_400 : vector<1x1x16xf32> to vector<16xf32>
        %swap3A_402 = vector.shape_cast %add3A_391 : vector<16xf32> to vector<1x1x16xf32>
        tpu.vector_store %arg9[%swap3A_397, %swap3A_398, %swap3A_399], %swap3A_402 {strides = array<i32>} : memref<2x100x128xf32, #tpu.memory_space<vmem>>, vector<1x1x16xf32>,
        %mul3A_403 = arith.constant 8 : i32
        %mul3A_404 = arith.muli %add3A_212, %mul3A_403 : i32
        %add3A_405 = arith.constant 1 : i32
        %add3A_406 = arith.addi %mul3A_404, %add3A_405 : i32
        %get3A_407 = arith.constant 0 : i32
        %get3A_408 = arith.constant 0 : i32
        %get3A_409 = tpu.memref_slice %arg8[%scan3A_183, %get3A_407, %get3A_408] : memref<2x200x64xf32, #tpu.memory_space<vmem>> -> memref<1x200x64xf32, #tpu.memory_space<vmem>>
        %get3A_410 = tpu.memref_squeeze %get3A_409 : memref<1x200x64xf32, #tpu.memory_space<vmem>> -> memref<200x64xf32, #tpu.memory_space<vmem>>
        %get3A_411 = arith.index_cast %add3A_406 : i32 to index
        %get3A_412 = arith.constant 32 : index
        %get3A_413 = tpu.vector_load %get3A_410[%get3A_411, %get3A_412] {strides = array<i32>} : memref<200x64xf32, #tpu.memory_space<vmem>>, vector<1x16xf32>,
        %get3A_414 = vector.shape_cast %get3A_413 : vector<1x16xf32> to vector<16xf32>
        %mul3A_415 = arith.constant 8 : i32
        %mul3A_416 = arith.muli %add3A_212, %mul3A_415 : i32
        %add3A_417 = arith.constant 1 : i32
        %add3A_418 = arith.addi %mul3A_416, %add3A_417 : i32
        %get3A_419 = arith.index_cast %add3A_418 : i32 to index
        %get3A_420 = arith.constant 32 : index
        %get3A_421 = tpu.vector_load %arg7[%get3A_419, %get3A_420] {strides = array<i32>} : memref<200x64xf32, #tpu.memory_space<vmem>>, vector<1x16xf32>,
        %get3A_422 = vector.shape_cast %get3A_421 : vector<1x16xf32> to vector<16xf32>
        %add3A_423 = arith.addf %get3A_414, %get3A_422 : vector<16xf32>
        %mul3A_424 = arith.constant 4 : i32
        %mul3A_425 = arith.muli %add3A_212, %mul3A_424 : i32
        %add3A_426 = arith.constant 0 : i32
        %add3A_427 = arith.addi %mul3A_425, %add3A_426 : i32
        %swap3A_428 = arith.constant 1 : i32
        %swap3A_429 = arith.index_cast %swap3A_428 : i32 to index
        %swap3A_430 = arith.index_cast %add3A_427 : i32 to index
        %swap3A_431 = arith.constant 96 : index
        %swap3A_432 = tpu.vector_load %arg9[%swap3A_429, %swap3A_430, %swap3A_431] {strides = array<i32>} : memref<2x100x128xf32, #tpu.memory_space<vmem>>, vector<1x1x16xf32>,
        %swap3A_433 = vector.shape_cast %swap3A_432 : vector<1x1x16xf32> to vector<16xf32>
        %swap3A_434 = vector.shape_cast %add3A_423 : vector<16xf32> to vector<1x1x16xf32>
        tpu.vector_store %arg9[%swap3A_429, %swap3A_430, %swap3A_431], %swap3A_434 {strides = array<i32>} : memref<2x100x128xf32, #tpu.memory_space<vmem>>, vector<1x1x16xf32>,
        %mul3A_435 = arith.constant 8 : i32
        %mul3A_436 = arith.muli %add3A_212, %mul3A_435 : i32
        %add3A_437 = arith.constant 1 : i32
        %add3A_438 = arith.addi %mul3A_436, %add3A_437 : i32
        %get3A_439 = arith.constant 0 : i32
        %get3A_440 = arith.constant 0 : i32
        %get3A_441 = tpu.memref_slice %arg8[%scan3A_183, %get3A_439, %get3A_440] : memref<2x200x64xf32, #tpu.memory_space<vmem>> -> memref<1x200x64xf32, #tpu.memory_space<vmem>>
        %get3A_442 = tpu.memref_squeeze %get3A_441 : memref<1x200x64xf32, #tpu.memory_space<vmem>> -> memref<200x64xf32, #tpu.memory_space<vmem>>
        %get3A_443 = arith.index_cast %add3A_438 : i32 to index
        %get3A_444 = arith.constant 48 : index
        %get3A_445 = tpu.vector_load %get3A_442[%get3A_443, %get3A_444] {strides = array<i32>} : memref<200x64xf32, #tpu.memory_space<vmem>>, vector<1x16xf32>,
        %get3A_446 = vector.shape_cast %get3A_445 : vector<1x16xf32> to vector<16xf32>
        %mul3A_447 = arith.constant 8 : i32
        %mul3A_448 = arith.muli %add3A_212, %mul3A_447 : i32
        %add3A_449 = arith.constant 1 : i32
        %add3A_450 = arith.addi %mul3A_448, %add3A_449 : i32
        %get3A_451 = arith.index_cast %add3A_450 : i32 to index
        %get3A_452 = arith.constant 48 : index
        %get3A_453 = tpu.vector_load %arg7[%get3A_451, %get3A_452] {strides = array<i32>} : memref<200x64xf32, #tpu.memory_space<vmem>>, vector<1x16xf32>,
        %get3A_454 = vector.shape_cast %get3A_453 : vector<1x16xf32> to vector<16xf32>
        %add3A_455 = arith.addf %get3A_446, %get3A_454 : vector<16xf32>
        %mul3A_456 = arith.constant 4 : i32
        %mul3A_457 = arith.muli %add3A_212, %mul3A_456 : i32
        %add3A_458 = arith.constant 0 : i32
        %add3A_459 = arith.addi %mul3A_457, %add3A_458 : i32
        %swap3A_460 = arith.constant 1 : i32
        %swap3A_461 = arith.index_cast %swap3A_460 : i32 to index
        %swap3A_462 = arith.index_cast %add3A_459 : i32 to index
        %swap3A_463 = arith.constant 112 : index
        %swap3A_464 = tpu.vector_load %arg9[%swap3A_461, %swap3A_462, %swap3A_463] {strides = array<i32>} : memref<2x100x128xf32, #tpu.memory_space<vmem>>, vector<1x1x16xf32>,
        %swap3A_465 = vector.shape_cast %swap3A_464 : vector<1x1x16xf32> to vector<16xf32>
        %swap3A_466 = vector.shape_cast %add3A_455 : vector<16xf32> to vector<1x1x16xf32>
        tpu.vector_store %arg9[%swap3A_461, %swap3A_462, %swap3A_463], %swap3A_466 {strides = array<i32>} : memref<2x100x128xf32, #tpu.memory_space<vmem>>, vector<1x1x16xf32>,
        %mul3A_467 = arith.constant 8 : i32
        %mul3A_468 = arith.muli %add3A_212, %mul3A_467 : i32
        %add3A_469 = arith.constant 2 : i32
        %add3A_470 = arith.addi %mul3A_468, %add3A_469 : i32
        %get3A_471 = arith.constant 0 : i32
        %get3A_472 = arith.constant 0 : i32
        %get3A_473 = tpu.memref_slice %arg8[%scan3A_183, %get3A_471, %get3A_472] : memref<2x200x64xf32, #tpu.memory_space<vmem>> -> memref<1x200x64xf32, #tpu.memory_space<vmem>>
        %get3A_474 = tpu.memref_squeeze %get3A_473 : memref<1x200x64xf32, #tpu.memory_space<vmem>> -> memref<200x64xf32, #tpu.memory_space<vmem>>
        %get3A_475 = arith.index_cast %add3A_470 : i32 to index
        %get3A_476 = arith.constant 0 : index
        %get3A_477 = tpu.vector_load %get3A_474[%get3A_475, %get3A_476] {strides = array<i32>} : memref<200x64xf32, #tpu.memory_space<vmem>>, vector<1x16xf32>,
        %get3A_478 = vector.shape_cast %get3A_477 : vector<1x16xf32> to vector<16xf32>
        %mul3A_479 = arith.constant 8 : i32
        %mul3A_480 = arith.muli %add3A_212, %mul3A_479 : i32
        %add3A_481 = arith.constant 2 : i32
        %add3A_482 = arith.addi %mul3A_480, %add3A_481 : i32
        %get3A_483 = arith.index_cast %add3A_482 : i32 to index
        %get3A_484 = arith.constant 0 : index
        %get3A_485 = tpu.vector_load %arg7[%get3A_483, %get3A_484] {strides = array<i32>} : memref<200x64xf32, #tpu.memory_space<vmem>>, vector<1x16xf32>,
        %get3A_486 = vector.shape_cast %get3A_485 : vector<1x16xf32> to vector<16xf32>
        %add3A_487 = arith.addf %get3A_478, %get3A_486 : vector<16xf32>
        %mul3A_488 = arith.constant 4 : i32
        %mul3A_489 = arith.muli %add3A_212, %mul3A_488 : i32
        %add3A_490 = arith.constant 1 : i32
        %add3A_491 = arith.addi %mul3A_489, %add3A_490 : i32
        %swap3A_492 = arith.constant 1 : i32
        %swap3A_493 = arith.index_cast %swap3A_492 : i32 to index
        %swap3A_494 = arith.index_cast %add3A_491 : i32 to index
        %swap3A_495 = arith.constant 0 : index
        %swap3A_496 = tpu.vector_load %arg9[%swap3A_493, %swap3A_494, %swap3A_495] {strides = array<i32>} : memref<2x100x128xf32, #tpu.memory_space<vmem>>, vector<1x1x16xf32>,
        %swap3A_497 = vector.shape_cast %swap3A_496 : vector<1x1x16xf32> to vector<16xf32>
        %swap3A_498 = vector.shape_cast %add3A_487 : vector<16xf32> to vector<1x1x16xf32>
        tpu.vector_store %arg9[%swap3A_493, %swap3A_494, %swap3A_495], %swap3A_498 {strides = array<i32>} : memref<2x100x128xf32, #tpu.memory_space<vmem>>, vector<1x1x16xf32>,
        %mul3A_499 = arith.constant 8 : i32
        %mul3A_500 = arith.muli %add3A_212, %mul3A_499 : i32
        %add3A_501 = arith.constant 2 : i32
        %add3A_502 = arith.addi %mul3A_500, %add3A_501 : i32
        %get3A_503 = arith.constant 0 : i32
        %get3A_504 = arith.constant 0 : i32
        %get3A_505 = tpu.memref_slice %arg8[%scan3A_183, %get3A_503, %get3A_504] : memref<2x200x64xf32, #tpu.memory_space<vmem>> -> memref<1x200x64xf32, #tpu.memory_space<vmem>>
        %get3A_506 = tpu.memref_squeeze %get3A_505 : memref<1x200x64xf32, #tpu.memory_space<vmem>> -> memref<200x64xf32, #tpu.memory_space<vmem>>
        %get3A_507 = arith.index_cast %add3A_502 : i32 to index
        %get3A_508 = arith.constant 16 : index
        %get3A_509 = tpu.vector_load %get3A_506[%get3A_507, %get3A_508] {strides = array<i32>} : memref<200x64xf32, #tpu.memory_space<vmem>>, vector<1x16xf32>,
        %get3A_510 = vector.shape_cast %get3A_509 : vector<1x16xf32> to vector<16xf32>
        %mul3A_511 = arith.constant 8 : i32
        %mul3A_512 = arith.muli %add3A_212, %mul3A_511 : i32
        %add3A_513 = arith.constant 2 : i32
        %add3A_514 = arith.addi %mul3A_512, %add3A_513 : i32
        %get3A_515 = arith.index_cast %add3A_514 : i32 to index
        %get3A_516 = arith.constant 16 : index
        %get3A_517 = tpu.vector_load %arg7[%get3A_515, %get3A_516] {strides = array<i32>} : memref<200x64xf32, #tpu.memory_space<vmem>>, vector<1x16xf32>,
        %get3A_518 = vector.shape_cast %get3A_517 : vector<1x16xf32> to vector<16xf32>
        %add3A_519 = arith.addf %get3A_510, %get3A_518 : vector<16xf32>
        %mul3A_520 = arith.constant 4 : i32
        %mul3A_521 = arith.muli %add3A_212, %mul3A_520 : i32
        %add3A_522 = arith.constant 1 : i32
        %add3A_523 = arith.addi %mul3A_521, %add3A_522 : i32
        %swap3A_524 = arith.constant 1 : i32
        %swap3A_525 = arith.index_cast %swap3A_524 : i32 to index
        %swap3A_526 = arith.index_cast %add3A_523 : i32 to index
        %swap3A_527 = arith.constant 16 : index
        %swap3A_528 = tpu.vector_load %arg9[%swap3A_525, %swap3A_526, %swap3A_527] {strides = array<i32>} : memref<2x100x128xf32, #tpu.memory_space<vmem>>, vector<1x1x16xf32>,
        %swap3A_529 = vector.shape_cast %swap3A_528 : vector<1x1x16xf32> to vector<16xf32>
        %swap3A_530 = vector.shape_cast %add3A_519 : vector<16xf32> to vector<1x1x16xf32>
        tpu.vector_store %arg9[%swap3A_525, %swap3A_526, %swap3A_527], %swap3A_530 {strides = array<i32>} : memref<2x100x128xf32, #tpu.memory_space<vmem>>, vector<1x1x16xf32>,
        %mul3A_531 = arith.constant 8 : i32
        %mul3A_532 = arith.muli %add3A_212, %mul3A_531 : i32
        %add3A_533 = arith.constant 2 : i32
        %add3A_534 = arith.addi %mul3A_532, %add3A_533 : i32
        %get3A_535 = arith.constant 0 : i32
        %get3A_536 = arith.constant 0 : i32
        %get3A_537 = tpu.memref_slice %arg8[%scan3A_183, %get3A_535, %get3A_536] : memref<2x200x64xf32, #tpu.memory_space<vmem>> -> memref<1x200x64xf32, #tpu.memory_space<vmem>>
        %get3A_538 = tpu.memref_squeeze %get3A_537 : memref<1x200x64xf32, #tpu.memory_space<vmem>> -> memref<200x64xf32, #tpu.memory_space<vmem>>
        %get3A_539 = arith.index_cast %add3A_534 : i32 to index
        %get3A_540 = arith.constant 32 : index
        %get3A_541 = tpu.vector_load %get3A_538[%get3A_539, %get3A_540] {strides = array<i32>} : memref<200x64xf32, #tpu.memory_space<vmem>>, vector<1x16xf32>,
        %get3A_542 = vector.shape_cast %get3A_541 : vector<1x16xf32> to vector<16xf32>
        %mul3A_543 = arith.constant 8 : i32
        %mul3A_544 = arith.muli %add3A_212, %mul3A_543 : i32
        %add3A_545 = arith.constant 2 : i32
        %add3A_546 = arith.addi %mul3A_544, %add3A_545 : i32
        %get3A_547 = arith.index_cast %add3A_546 : i32 to index
        %get3A_548 = arith.constant 32 : index
        %get3A_549 = tpu.vector_load %arg7[%get3A_547, %get3A_548] {strides = array<i32>} : memref<200x64xf32, #tpu.memory_space<vmem>>, vector<1x16xf32>,
        %get3A_550 = vector.shape_cast %get3A_549 : vector<1x16xf32> to vector<16xf32>
        %add3A_551 = arith.addf %get3A_542, %get3A_550 : vector<16xf32>
        %mul3A_552 = arith.constant 4 : i32
        %mul3A_553 = arith.muli %add3A_212, %mul3A_552 : i32
        %add3A_554 = arith.constant 1 : i32
        %add3A_555 = arith.addi %mul3A_553, %add3A_554 : i32
        %swap3A_556 = arith.constant 1 : i32
        %swap3A_557 = arith.index_cast %swap3A_556 : i32 to index
        %swap3A_558 = arith.index_cast %add3A_555 : i32 to index
        %swap3A_559 = arith.constant 32 : index
        %swap3A_560 = tpu.vector_load %arg9[%swap3A_557, %swap3A_558, %swap3A_559] {strides = array<i32>} : memref<2x100x128xf32, #tpu.memory_space<vmem>>, vector<1x1x16xf32>,
        %swap3A_561 = vector.shape_cast %swap3A_560 : vector<1x1x16xf32> to vector<16xf32>
        %swap3A_562 = vector.shape_cast %add3A_551 : vector<16xf32> to vector<1x1x16xf32>
        tpu.vector_store %arg9[%swap3A_557, %swap3A_558, %swap3A_559], %swap3A_562 {strides = array<i32>} : memref<2x100x128xf32, #tpu.memory_space<vmem>>, vector<1x1x16xf32>,
        %mul3A_563 = arith.constant 8 : i32
        %mul3A_564 = arith.muli %add3A_212, %mul3A_563 : i32
        %add3A_565 = arith.constant 2 : i32
        %add3A_566 = arith.addi %mul3A_564, %add3A_565 : i32
        %get3A_567 = arith.constant 0 : i32
        %get3A_568 = arith.constant 0 : i32
        %get3A_569 = tpu.memref_slice %arg8[%scan3A_183, %get3A_567, %get3A_568] : memref<2x200x64xf32, #tpu.memory_space<vmem>> -> memref<1x200x64xf32, #tpu.memory_space<vmem>>
        %get3A_570 = tpu.memref_squeeze %get3A_569 : memref<1x200x64xf32, #tpu.memory_space<vmem>> -> memref<200x64xf32, #tpu.memory_space<vmem>>
        %get3A_571 = arith.index_cast %add3A_566 : i32 to index
        %get3A_572 = arith.constant 48 : index
        %get3A_573 = tpu.vector_load %get3A_570[%get3A_571, %get3A_572] {strides = array<i32>} : memref<200x64xf32, #tpu.memory_space<vmem>>, vector<1x16xf32>,
        %get3A_574 = vector.shape_cast %get3A_573 : vector<1x16xf32> to vector<16xf32>
        %mul3A_575 = arith.constant 8 : i32
        %mul3A_576 = arith.muli %add3A_212, %mul3A_575 : i32
        %add3A_577 = arith.constant 2 : i32
        %add3A_578 = arith.addi %mul3A_576, %add3A_577 : i32
        %get3A_579 = arith.index_cast %add3A_578 : i32 to index
        %get3A_580 = arith.constant 48 : index
        %get3A_581 = tpu.vector_load %arg7[%get3A_579, %get3A_580] {strides = array<i32>} : memref<200x64xf32, #tpu.memory_space<vmem>>, vector<1x16xf32>,
        %get3A_582 = vector.shape_cast %get3A_581 : vector<1x16xf32> to vector<16xf32>
        %add3A_583 = arith.addf %get3A_574, %get3A_582 : vector<16xf32>
        %mul3A_584 = arith.constant 4 : i32
        %mul3A_585 = arith.muli %add3A_212, %mul3A_584 : i32
        %add3A_586 = arith.constant 1 : i32
        %add3A_587 = arith.addi %mul3A_585, %add3A_586 : i32
        %swap3A_588 = arith.constant 1 : i32
        %swap3A_589 = arith.index_cast %swap3A_588 : i32 to index
        %swap3A_590 = arith.index_cast %add3A_587 : i32 to index
        %swap3A_591 = arith.constant 48 : index
        %swap3A_592 = tpu.vector_load %arg9[%swap3A_589, %swap3A_590, %swap3A_591] {strides = array<i32>} : memref<2x100x128xf32, #tpu.memory_space<vmem>>, vector<1x1x16xf32>,
        %swap3A_593 = vector.shape_cast %swap3A_592 : vector<1x1x16xf32> to vector<16xf32>
        %swap3A_594 = vector.shape_cast %add3A_583 : vector<16xf32> to vector<1x1x16xf32>
        tpu.vector_store %arg9[%swap3A_589, %swap3A_590, %swap3A_591], %swap3A_594 {strides = array<i32>} : memref<2x100x128xf32, #tpu.memory_space<vmem>>, vector<1x1x16xf32>,
        %mul3A_595 = arith.constant 8 : i32
        %mul3A_596 = arith.muli %add3A_212, %mul3A_595 : i32
        %add3A_597 = arith.constant 3 : i32
        %add3A_598 = arith.addi %mul3A_596, %add3A_597 : i32
        %get3A_599 = arith.constant 0 : i32
        %get3A_600 = arith.constant 0 : i32
        %get3A_601 = tpu.memref_slice %arg8[%scan3A_183, %get3A_599, %get3A_600] : memref<2x200x64xf32, #tpu.memory_space<vmem>> -> memref<1x200x64xf32, #tpu.memory_space<vmem>>
        %get3A_602 = tpu.memref_squeeze %get3A_601 : memref<1x200x64xf32, #tpu.memory_space<vmem>> -> memref<200x64xf32, #tpu.memory_space<vmem>>
        %get3A_603 = arith.index_cast %add3A_598 : i32 to index
        %get3A_604 = arith.constant 0 : index
        %get3A_605 = tpu.vector_load %get3A_602[%get3A_603, %get3A_604] {strides = array<i32>} : memref<200x64xf32, #tpu.memory_space<vmem>>, vector<1x16xf32>,
        %get3A_606 = vector.shape_cast %get3A_605 : vector<1x16xf32> to vector<16xf32>
        %mul3A_607 = arith.constant 8 : i32
        %mul3A_608 = arith.muli %add3A_212, %mul3A_607 : i32
        %add3A_609 = arith.constant 3 : i32
        %add3A_610 = arith.addi %mul3A_608, %add3A_609 : i32
        %get3A_611 = arith.index_cast %add3A_610 : i32 to index
        %get3A_612 = arith.constant 0 : index
        %get3A_613 = tpu.vector_load %arg7[%get3A_611, %get3A_612] {strides = array<i32>} : memref<200x64xf32, #tpu.memory_space<vmem>>, vector<1x16xf32>,
        %get3A_614 = vector.shape_cast %get3A_613 : vector<1x16xf32> to vector<16xf32>
        %add3A_615 = arith.addf %get3A_606, %get3A_614 : vector<16xf32>
        %mul3A_616 = arith.constant 4 : i32
        %mul3A_617 = arith.muli %add3A_212, %mul3A_616 : i32
        %add3A_618 = arith.constant 1 : i32
        %add3A_619 = arith.addi %mul3A_617, %add3A_618 : i32
        %swap3A_620 = arith.constant 1 : i32
        %swap3A_621 = arith.index_cast %swap3A_620 : i32 to index
        %swap3A_622 = arith.index_cast %add3A_619 : i32 to index
        %swap3A_623 = arith.constant 64 : index
        %swap3A_624 = tpu.vector_load %arg9[%swap3A_621, %swap3A_622, %swap3A_623] {strides = array<i32>} : memref<2x100x128xf32, #tpu.memory_space<vmem>>, vector<1x1x16xf32>,
        %swap3A_625 = vector.shape_cast %swap3A_624 : vector<1x1x16xf32> to vector<16xf32>
        %swap3A_626 = vector.shape_cast %add3A_615 : vector<16xf32> to vector<1x1x16xf32>
        tpu.vector_store %arg9[%swap3A_621, %swap3A_622, %swap3A_623], %swap3A_626 {strides = array<i32>} : memref<2x100x128xf32, #tpu.memory_space<vmem>>, vector<1x1x16xf32>,
        %mul3A_627 = arith.constant 8 : i32
        %mul3A_628 = arith.muli %add3A_212, %mul3A_627 : i32
        %add3A_629 = arith.constant 3 : i32
        %add3A_630 = arith.addi %mul3A_628, %add3A_629 : i32
        %get3A_631 = arith.constant 0 : i32
        %get3A_632 = arith.constant 0 : i32
        %get3A_633 = tpu.memref_slice %arg8[%scan3A_183, %get3A_631, %get3A_632] : memref<2x200x64xf32, #tpu.memory_space<vmem>> -> memref<1x200x64xf32, #tpu.memory_space<vmem>>
        %get3A_634 = tpu.memref_squeeze %get3A_633 : memref<1x200x64xf32, #tpu.memory_space<vmem>> -> memref<200x64xf32, #tpu.memory_space<vmem>>
        %get3A_635 = arith.index_cast %add3A_630 : i32 to index
        %get3A_636 = arith.constant 16 : index
        %get3A_637 = tpu.vector_load %get3A_634[%get3A_635, %get3A_636] {strides = array<i32>} : memref<200x64xf32, #tpu.memory_space<vmem>>, vector<1x16xf32>,
        %get3A_638 = vector.shape_cast %get3A_637 : vector<1x16xf32> to vector<16xf32>
        %mul3A_639 = arith.constant 8 : i32
        %mul3A_640 = arith.muli %add3A_212, %mul3A_639 : i32
        %add3A_641 = arith.constant 3 : i32
        %add3A_642 = arith.addi %mul3A_640, %add3A_641 : i32
        %get3A_643 = arith.index_cast %add3A_642 : i32 to index
        %get3A_644 = arith.constant 16 : index
        %get3A_645 = tpu.vector_load %arg7[%get3A_643, %get3A_644] {strides = array<i32>} : memref<200x64xf32, #tpu.memory_space<vmem>>, vector<1x16xf32>,
        %get3A_646 = vector.shape_cast %get3A_645 : vector<1x16xf32> to vector<16xf32>
        %add3A_647 = arith.addf %get3A_638, %get3A_646 : vector<16xf32>
        %mul3A_648 = arith.constant 4 : i32
        %mul3A_649 = arith.muli %add3A_212, %mul3A_648 : i32
        %add3A_650 = arith.constant 1 : i32
        %add3A_651 = arith.addi %mul3A_649, %add3A_650 : i32
        %swap3A_652 = arith.constant 1 : i32
        %swap3A_653 = arith.index_cast %swap3A_652 : i32 to index
        %swap3A_654 = arith.index_cast %add3A_651 : i32 to index
        %swap3A_655 = arith.constant 80 : index
        %swap3A_656 = tpu.vector_load %arg9[%swap3A_653, %swap3A_654, %swap3A_655] {strides = array<i32>} : memref<2x100x128xf32, #tpu.memory_space<vmem>>, vector<1x1x16xf32>,
        %swap3A_657 = vector.shape_cast %swap3A_656 : vector<1x1x16xf32> to vector<16xf32>
        %swap3A_658 = vector.shape_cast %add3A_647 : vector<16xf32> to vector<1x1x16xf32>
        tpu.vector_store %arg9[%swap3A_653, %swap3A_654, %swap3A_655], %swap3A_658 {strides = array<i32>} : memref<2x100x128xf32, #tpu.memory_space<vmem>>, vector<1x1x16xf32>,
        %mul3A_659 = arith.constant 8 : i32
        %mul3A_660 = arith.muli %add3A_212, %mul3A_659 : i32
        %add3A_661 = arith.constant 3 : i32
        %add3A_662 = arith.addi %mul3A_660, %add3A_661 : i32
        %get3A_663 = arith.constant 0 : i32
        %get3A_664 = arith.constant 0 : i32
        %get3A_665 = tpu.memref_slice %arg8[%scan3A_183, %get3A_663, %get3A_664] : memref<2x200x64xf32, #tpu.memory_space<vmem>> -> memref<1x200x64xf32, #tpu.memory_space<vmem>>
        %get3A_666 = tpu.memref_squeeze %get3A_665 : memref<1x200x64xf32, #tpu.memory_space<vmem>> -> memref<200x64xf32, #tpu.memory_space<vmem>>
        %get3A_667 = arith.index_cast %add3A_662 : i32 to index
        %get3A_668 = arith.constant 32 : index
        %get3A_669 = tpu.vector_load %get3A_666[%get3A_667, %get3A_668] {strides = array<i32>} : memref<200x64xf32, #tpu.memory_space<vmem>>, vector<1x16xf32>,
        %get3A_670 = vector.shape_cast %get3A_669 : vector<1x16xf32> to vector<16xf32>
        %mul3A_671 = arith.constant 8 : i32
        %mul3A_672 = arith.muli %add3A_212, %mul3A_671 : i32
        %add3A_673 = arith.constant 3 : i32
        %add3A_674 = arith.addi %mul3A_672, %add3A_673 : i32
        %get3A_675 = arith.index_cast %add3A_674 : i32 to index
        %get3A_676 = arith.constant 32 : index
        %get3A_677 = tpu.vector_load %arg7[%get3A_675, %get3A_676] {strides = array<i32>} : memref<200x64xf32, #tpu.memory_space<vmem>>, vector<1x16xf32>,
        %get3A_678 = vector.shape_cast %get3A_677 : vector<1x16xf32> to vector<16xf32>
        %add3A_679 = arith.addf %get3A_670, %get3A_678 : vector<16xf32>
        %mul3A_680 = arith.constant 4 : i32
        %mul3A_681 = arith.muli %add3A_212, %mul3A_680 : i32
        %add3A_682 = arith.constant 1 : i32
        %add3A_683 = arith.addi %mul3A_681, %add3A_682 : i32
        %swap3A_684 = arith.constant 1 : i32
        %swap3A_685 = arith.index_cast %swap3A_684 : i32 to index
        %swap3A_686 = arith.index_cast %add3A_683 : i32 to index
        %swap3A_687 = arith.constant 96 : index
        %swap3A_688 = tpu.vector_load %arg9[%swap3A_685, %swap3A_686, %swap3A_687] {strides = array<i32>} : memref<2x100x128xf32, #tpu.memory_space<vmem>>, vector<1x1x16xf32>,
        %swap3A_689 = vector.shape_cast %swap3A_688 : vector<1x1x16xf32> to vector<16xf32>
        %swap3A_690 = vector.shape_cast %add3A_679 : vector<16xf32> to vector<1x1x16xf32>
        tpu.vector_store %arg9[%swap3A_685, %swap3A_686, %swap3A_687], %swap3A_690 {strides = array<i32>} : memref<2x100x128xf32, #tpu.memory_space<vmem>>, vector<1x1x16xf32>,
        %mul3A_691 = arith.constant 8 : i32
        %mul3A_692 = arith.muli %add3A_212, %mul3A_691 : i32
        %add3A_693 = arith.constant 3 : i32
        %add3A_694 = arith.addi %mul3A_692, %add3A_693 : i32
        %get3A_695 = arith.constant 0 : i32
        %get3A_696 = arith.constant 0 : i32
        %get3A_697 = tpu.memref_slice %arg8[%scan3A_183, %get3A_695, %get3A_696] : memref<2x200x64xf32, #tpu.memory_space<vmem>> -> memref<1x200x64xf32, #tpu.memory_space<vmem>>
        %get3A_698 = tpu.memref_squeeze %get3A_697 : memref<1x200x64xf32, #tpu.memory_space<vmem>> -> memref<200x64xf32, #tpu.memory_space<vmem>>
        %get3A_699 = arith.index_cast %add3A_694 : i32 to index
        %get3A_700 = arith.constant 48 : index
        %get3A_701 = tpu.vector_load %get3A_698[%get3A_699, %get3A_700] {strides = array<i32>} : memref<200x64xf32, #tpu.memory_space<vmem>>, vector<1x16xf32>,
        %get3A_702 = vector.shape_cast %get3A_701 : vector<1x16xf32> to vector<16xf32>
        %mul3A_703 = arith.constant 8 : i32
        %mul3A_704 = arith.muli %add3A_212, %mul3A_703 : i32
        %add3A_705 = arith.constant 3 : i32
        %add3A_706 = arith.addi %mul3A_704, %add3A_705 : i32
        %get3A_707 = arith.index_cast %add3A_706 : i32 to index
        %get3A_708 = arith.constant 48 : index
        %get3A_709 = tpu.vector_load %arg7[%get3A_707, %get3A_708] {strides = array<i32>} : memref<200x64xf32, #tpu.memory_space<vmem>>, vector<1x16xf32>,
        %get3A_710 = vector.shape_cast %get3A_709 : vector<1x16xf32> to vector<16xf32>
        %add3A_711 = arith.addf %get3A_702, %get3A_710 : vector<16xf32>
        %mul3A_712 = arith.constant 4 : i32
        %mul3A_713 = arith.muli %add3A_212, %mul3A_712 : i32
        %add3A_714 = arith.constant 1 : i32
        %add3A_715 = arith.addi %mul3A_713, %add3A_714 : i32
        %swap3A_716 = arith.constant 1 : i32
        %swap3A_717 = arith.index_cast %swap3A_716 : i32 to index
        %swap3A_718 = arith.index_cast %add3A_715 : i32 to index
        %swap3A_719 = arith.constant 112 : index
        %swap3A_720 = tpu.vector_load %arg9[%swap3A_717, %swap3A_718, %swap3A_719] {strides = array<i32>} : memref<2x100x128xf32, #tpu.memory_space<vmem>>, vector<1x1x16xf32>,
        %swap3A_721 = vector.shape_cast %swap3A_720 : vector<1x1x16xf32> to vector<16xf32>
        %swap3A_722 = vector.shape_cast %add3A_711 : vector<16xf32> to vector<1x1x16xf32>
        tpu.vector_store %arg9[%swap3A_717, %swap3A_718, %swap3A_719], %swap3A_722 {strides = array<i32>} : memref<2x100x128xf32, #tpu.memory_space<vmem>>, vector<1x1x16xf32>,
        %mul3A_723 = arith.constant 8 : i32
        %mul3A_724 = arith.muli %add3A_212, %mul3A_723 : i32
        %add3A_725 = arith.constant 4 : i32
        %add3A_726 = arith.addi %mul3A_724, %add3A_725 : i32
        %get3A_727 = arith.constant 0 : i32
        %get3A_728 = arith.constant 0 : i32
        %get3A_729 = tpu.memref_slice %arg8[%scan3A_183, %get3A_727, %get3A_728] : memref<2x200x64xf32, #tpu.memory_space<vmem>> -> memref<1x200x64xf32, #tpu.memory_space<vmem>>
        %get3A_730 = tpu.memref_squeeze %get3A_729 : memref<1x200x64xf32, #tpu.memory_space<vmem>> -> memref<200x64xf32, #tpu.memory_space<vmem>>
        %get3A_731 = arith.index_cast %add3A_726 : i32 to index
        %get3A_732 = arith.constant 0 : index
        %get3A_733 = tpu.vector_load %get3A_730[%get3A_731, %get3A_732] {strides = array<i32>} : memref<200x64xf32, #tpu.memory_space<vmem>>, vector<1x16xf32>,
        %get3A_734 = vector.shape_cast %get3A_733 : vector<1x16xf32> to vector<16xf32>
        %mul3A_735 = arith.constant 8 : i32
        %mul3A_736 = arith.muli %add3A_212, %mul3A_735 : i32
        %add3A_737 = arith.constant 4 : i32
        %add3A_738 = arith.addi %mul3A_736, %add3A_737 : i32
        %get3A_739 = arith.index_cast %add3A_738 : i32 to index
        %get3A_740 = arith.constant 0 : index
        %get3A_741 = tpu.vector_load %arg7[%get3A_739, %get3A_740] {strides = array<i32>} : memref<200x64xf32, #tpu.memory_space<vmem>>, vector<1x16xf32>,
        %get3A_742 = vector.shape_cast %get3A_741 : vector<1x16xf32> to vector<16xf32>
        %add3A_743 = arith.addf %get3A_734, %get3A_742 : vector<16xf32>
        %mul3A_744 = arith.constant 4 : i32
        %mul3A_745 = arith.muli %add3A_212, %mul3A_744 : i32
        %add3A_746 = arith.constant 2 : i32
        %add3A_747 = arith.addi %mul3A_745, %add3A_746 : i32
        %swap3A_748 = arith.constant 1 : i32
        %swap3A_749 = arith.index_cast %swap3A_748 : i32 to index
        %swap3A_750 = arith.index_cast %add3A_747 : i32 to index
        %swap3A_751 = arith.constant 0 : index
        %swap3A_752 = tpu.vector_load %arg9[%swap3A_749, %swap3A_750, %swap3A_751] {strides = array<i32>} : memref<2x100x128xf32, #tpu.memory_space<vmem>>, vector<1x1x16xf32>,
        %swap3A_753 = vector.shape_cast %swap3A_752 : vector<1x1x16xf32> to vector<16xf32>
        %swap3A_754 = vector.shape_cast %add3A_743 : vector<16xf32> to vector<1x1x16xf32>
        tpu.vector_store %arg9[%swap3A_749, %swap3A_750, %swap3A_751], %swap3A_754 {strides = array<i32>} : memref<2x100x128xf32, #tpu.memory_space<vmem>>, vector<1x1x16xf32>,
        %mul3A_755 = arith.constant 8 : i32
        %mul3A_756 = arith.muli %add3A_212, %mul3A_755 : i32
        %add3A_757 = arith.constant 4 : i32
        %add3A_758 = arith.addi %mul3A_756, %add3A_757 : i32
        %get3A_759 = arith.constant 0 : i32
        %get3A_760 = arith.constant 0 : i32
        %get3A_761 = tpu.memref_slice %arg8[%scan3A_183, %get3A_759, %get3A_760] : memref<2x200x64xf32, #tpu.memory_space<vmem>> -> memref<1x200x64xf32, #tpu.memory_space<vmem>>
        %get3A_762 = tpu.memref_squeeze %get3A_761 : memref<1x200x64xf32, #tpu.memory_space<vmem>> -> memref<200x64xf32, #tpu.memory_space<vmem>>
        %get3A_763 = arith.index_cast %add3A_758 : i32 to index
        %get3A_764 = arith.constant 16 : index
        %get3A_765 = tpu.vector_load %get3A_762[%get3A_763, %get3A_764] {strides = array<i32>} : memref<200x64xf32, #tpu.memory_space<vmem>>, vector<1x16xf32>,
        %get3A_766 = vector.shape_cast %get3A_765 : vector<1x16xf32> to vector<16xf32>
        %mul3A_767 = arith.constant 8 : i32
        %mul3A_768 = arith.muli %add3A_212, %mul3A_767 : i32
        %add3A_769 = arith.constant 4 : i32
        %add3A_770 = arith.addi %mul3A_768, %add3A_769 : i32
        %get3A_771 = arith.index_cast %add3A_770 : i32 to index
        %get3A_772 = arith.constant 16 : index
        %get3A_773 = tpu.vector_load %arg7[%get3A_771, %get3A_772] {strides = array<i32>} : memref<200x64xf32, #tpu.memory_space<vmem>>, vector<1x16xf32>,
        %get3A_774 = vector.shape_cast %get3A_773 : vector<1x16xf32> to vector<16xf32>
        %add3A_775 = arith.addf %get3A_766, %get3A_774 : vector<16xf32>
        %mul3A_776 = arith.constant 4 : i32
        %mul3A_777 = arith.muli %add3A_212, %mul3A_776 : i32
        %add3A_778 = arith.constant 2 : i32
        %add3A_779 = arith.addi %mul3A_777, %add3A_778 : i32
        %swap3A_780 = arith.constant 1 : i32
        %swap3A_781 = arith.index_cast %swap3A_780 : i32 to index
        %swap3A_782 = arith.index_cast %add3A_779 : i32 to index
        %swap3A_783 = arith.constant 16 : index
        %swap3A_784 = tpu.vector_load %arg9[%swap3A_781, %swap3A_782, %swap3A_783] {strides = array<i32>} : memref<2x100x128xf32, #tpu.memory_space<vmem>>, vector<1x1x16xf32>,
        %swap3A_785 = vector.shape_cast %swap3A_784 : vector<1x1x16xf32> to vector<16xf32>
        %swap3A_786 = vector.shape_cast %add3A_775 : vector<16xf32> to vector<1x1x16xf32>
        tpu.vector_store %arg9[%swap3A_781, %swap3A_782, %swap3A_783], %swap3A_786 {strides = array<i32>} : memref<2x100x128xf32, #tpu.memory_space<vmem>>, vector<1x1x16xf32>,
        %mul3A_787 = arith.constant 8 : i32
        %mul3A_788 = arith.muli %add3A_212, %mul3A_787 : i32
        %add3A_789 = arith.constant 4 : i32
        %add3A_790 = arith.addi %mul3A_788, %add3A_789 : i32
        %get3A_791 = arith.constant 0 : i32
        %get3A_792 = arith.constant 0 : i32
        %get3A_793 = tpu.memref_slice %arg8[%scan3A_183, %get3A_791, %get3A_792] : memref<2x200x64xf32, #tpu.memory_space<vmem>> -> memref<1x200x64xf32, #tpu.memory_space<vmem>>
        %get3A_794 = tpu.memref_squeeze %get3A_793 : memref<1x200x64xf32, #tpu.memory_space<vmem>> -> memref<200x64xf32, #tpu.memory_space<vmem>>
        %get3A_795 = arith.index_cast %add3A_790 : i32 to index
        %get3A_796 = arith.constant 32 : index
        %get3A_797 = tpu.vector_load %get3A_794[%get3A_795, %get3A_796] {strides = array<i32>} : memref<200x64xf32, #tpu.memory_space<vmem>>, vector<1x16xf32>,
        %get3A_798 = vector.shape_cast %get3A_797 : vector<1x16xf32> to vector<16xf32>
        %mul3A_799 = arith.constant 8 : i32
        %mul3A_800 = arith.muli %add3A_212, %mul3A_799 : i32
        %add3A_801 = arith.constant 4 : i32
        %add3A_802 = arith.addi %mul3A_800, %add3A_801 : i32
        %get3A_803 = arith.index_cast %add3A_802 : i32 to index
        %get3A_804 = arith.constant 32 : index
        %get3A_805 = tpu.vector_load %arg7[%get3A_803, %get3A_804] {strides = array<i32>} : memref<200x64xf32, #tpu.memory_space<vmem>>, vector<1x16xf32>,
        %get3A_806 = vector.shape_cast %get3A_805 : vector<1x16xf32> to vector<16xf32>
        %add3A_807 = arith.addf %get3A_798, %get3A_806 : vector<16xf32>
        %mul3A_808 = arith.constant 4 : i32
        %mul3A_809 = arith.muli %add3A_212, %mul3A_808 : i32
        %add3A_810 = arith.constant 2 : i32
        %add3A_811 = arith.addi %mul3A_809, %add3A_810 : i32
        %swap3A_812 = arith.constant 1 : i32
        %swap3A_813 = arith.index_cast %swap3A_812 : i32 to index
        %swap3A_814 = arith.index_cast %add3A_811 : i32 to index
        %swap3A_815 = arith.constant 32 : index
        %swap3A_816 = tpu.vector_load %arg9[%swap3A_813, %swap3A_814, %swap3A_815] {strides = array<i32>} : memref<2x100x128xf32, #tpu.memory_space<vmem>>, vector<1x1x16xf32>,
        %swap3A_817 = vector.shape_cast %swap3A_816 : vector<1x1x16xf32> to vector<16xf32>
        %swap3A_818 = vector.shape_cast %add3A_807 : vector<16xf32> to vector<1x1x16xf32>
        tpu.vector_store %arg9[%swap3A_813, %swap3A_814, %swap3A_815], %swap3A_818 {strides = array<i32>} : memref<2x100x128xf32, #tpu.memory_space<vmem>>, vector<1x1x16xf32>,
        %mul3A_819 = arith.constant 8 : i32
        %mul3A_820 = arith.muli %add3A_212, %mul3A_819 : i32
        %add3A_821 = arith.constant 4 : i32
        %add3A_822 = arith.addi %mul3A_820, %add3A_821 : i32
        %get3A_823 = arith.constant 0 : i32
        %get3A_824 = arith.constant 0 : i32
        %get3A_825 = tpu.memref_slice %arg8[%scan3A_183, %get3A_823, %get3A_824] : memref<2x200x64xf32, #tpu.memory_space<vmem>> -> memref<1x200x64xf32, #tpu.memory_space<vmem>>
        %get3A_826 = tpu.memref_squeeze %get3A_825 : memref<1x200x64xf32, #tpu.memory_space<vmem>> -> memref<200x64xf32, #tpu.memory_space<vmem>>
        %get3A_827 = arith.index_cast %add3A_822 : i32 to index
        %get3A_828 = arith.constant 48 : index
        %get3A_829 = tpu.vector_load %get3A_826[%get3A_827, %get3A_828] {strides = array<i32>} : memref<200x64xf32, #tpu.memory_space<vmem>>, vector<1x16xf32>,
        %get3A_830 = vector.shape_cast %get3A_829 : vector<1x16xf32> to vector<16xf32>
        %mul3A_831 = arith.constant 8 : i32
        %mul3A_832 = arith.muli %add3A_212, %mul3A_831 : i32
        %add3A_833 = arith.constant 4 : i32
        %add3A_834 = arith.addi %mul3A_832, %add3A_833 : i32
        %get3A_835 = arith.index_cast %add3A_834 : i32 to index
        %get3A_836 = arith.constant 48 : index
        %get3A_837 = tpu.vector_load %arg7[%get3A_835, %get3A_836] {strides = array<i32>} : memref<200x64xf32, #tpu.memory_space<vmem>>, vector<1x16xf32>,
        %get3A_838 = vector.shape_cast %get3A_837 : vector<1x16xf32> to vector<16xf32>
        %add3A_839 = arith.addf %get3A_830, %get3A_838 : vector<16xf32>
        %mul3A_840 = arith.constant 4 : i32
        %mul3A_841 = arith.muli %add3A_212, %mul3A_840 : i32
        %add3A_842 = arith.constant 2 : i32
        %add3A_843 = arith.addi %mul3A_841, %add3A_842 : i32
        %swap3A_844 = arith.constant 1 : i32
        %swap3A_845 = arith.index_cast %swap3A_844 : i32 to index
        %swap3A_846 = arith.index_cast %add3A_843 : i32 to index
        %swap3A_847 = arith.constant 48 : index
        %swap3A_848 = tpu.vector_load %arg9[%swap3A_845, %swap3A_846, %swap3A_847] {strides = array<i32>} : memref<2x100x128xf32, #tpu.memory_space<vmem>>, vector<1x1x16xf32>,
        %swap3A_849 = vector.shape_cast %swap3A_848 : vector<1x1x16xf32> to vector<16xf32>
        %swap3A_850 = vector.shape_cast %add3A_839 : vector<16xf32> to vector<1x1x16xf32>
        tpu.vector_store %arg9[%swap3A_845, %swap3A_846, %swap3A_847], %swap3A_850 {strides = array<i32>} : memref<2x100x128xf32, #tpu.memory_space<vmem>>, vector<1x1x16xf32>,
        %mul3A_851 = arith.constant 8 : i32
        %mul3A_852 = arith.muli %add3A_212, %mul3A_851 : i32
        %add3A_853 = arith.constant 5 : i32
        %add3A_854 = arith.addi %mul3A_852, %add3A_853 : i32
        %get3A_855 = arith.constant 0 : i32
        %get3A_856 = arith.constant 0 : i32
        %get3A_857 = tpu.memref_slice %arg8[%scan3A_183, %get3A_855, %get3A_856] : memref<2x200x64xf32, #tpu.memory_space<vmem>> -> memref<1x200x64xf32, #tpu.memory_space<vmem>>
        %get3A_858 = tpu.memref_squeeze %get3A_857 : memref<1x200x64xf32, #tpu.memory_space<vmem>> -> memref<200x64xf32, #tpu.memory_space<vmem>>
        %get3A_859 = arith.index_cast %add3A_854 : i32 to index
        %get3A_860 = arith.constant 0 : index
        %get3A_861 = tpu.vector_load %get3A_858[%get3A_859, %get3A_860] {strides = array<i32>} : memref<200x64xf32, #tpu.memory_space<vmem>>, vector<1x16xf32>,
        %get3A_862 = vector.shape_cast %get3A_861 : vector<1x16xf32> to vector<16xf32>
        %mul3A_863 = arith.constant 8 : i32
        %mul3A_864 = arith.muli %add3A_212, %mul3A_863 : i32
        %add3A_865 = arith.constant 5 : i32
        %add3A_866 = arith.addi %mul3A_864, %add3A_865 : i32
        %get3A_867 = arith.index_cast %add3A_866 : i32 to index
        %get3A_868 = arith.constant 0 : index
        %get3A_869 = tpu.vector_load %arg7[%get3A_867, %get3A_868] {strides = array<i32>} : memref<200x64xf32, #tpu.memory_space<vmem>>, vector<1x16xf32>,
        %get3A_870 = vector.shape_cast %get3A_869 : vector<1x16xf32> to vector<16xf32>
        %add3A_871 = arith.addf %get3A_862, %get3A_870 : vector<16xf32>
        %mul3A_872 = arith.constant 4 : i32
        %mul3A_873 = arith.muli %add3A_212, %mul3A_872 : i32
        %add3A_874 = arith.constant 2 : i32
        %add3A_875 = arith.addi %mul3A_873, %add3A_874 : i32
        %swap3A_876 = arith.constant 1 : i32
        %swap3A_877 = arith.index_cast %swap3A_876 : i32 to index
        %swap3A_878 = arith.index_cast %add3A_875 : i32 to index
        %swap3A_879 = arith.constant 64 : index
        %swap3A_880 = tpu.vector_load %arg9[%swap3A_877, %swap3A_878, %swap3A_879] {strides = array<i32>} : memref<2x100x128xf32, #tpu.memory_space<vmem>>, vector<1x1x16xf32>,
        %swap3A_881 = vector.shape_cast %swap3A_880 : vector<1x1x16xf32> to vector<16xf32>
        %swap3A_882 = vector.shape_cast %add3A_871 : vector<16xf32> to vector<1x1x16xf32>
        tpu.vector_store %arg9[%swap3A_877, %swap3A_878, %swap3A_879], %swap3A_882 {strides = array<i32>} : memref<2x100x128xf32, #tpu.memory_space<vmem>>, vector<1x1x16xf32>,
        %mul3A_883 = arith.constant 8 : i32
        %mul3A_884 = arith.muli %add3A_212, %mul3A_883 : i32
        %add3A_885 = arith.constant 5 : i32
        %add3A_886 = arith.addi %mul3A_884, %add3A_885 : i32
        %get3A_887 = arith.constant 0 : i32
        %get3A_888 = arith.constant 0 : i32
        %get3A_889 = tpu.memref_slice %arg8[%scan3A_183, %get3A_887, %get3A_888] : memref<2x200x64xf32, #tpu.memory_space<vmem>> -> memref<1x200x64xf32, #tpu.memory_space<vmem>>
        %get3A_890 = tpu.memref_squeeze %get3A_889 : memref<1x200x64xf32, #tpu.memory_space<vmem>> -> memref<200x64xf32, #tpu.memory_space<vmem>>
        %get3A_891 = arith.index_cast %add3A_886 : i32 to index
        %get3A_892 = arith.constant 16 : index
        %get3A_893 = tpu.vector_load %get3A_890[%get3A_891, %get3A_892] {strides = array<i32>} : memref<200x64xf32, #tpu.memory_space<vmem>>, vector<1x16xf32>,
        %get3A_894 = vector.shape_cast %get3A_893 : vector<1x16xf32> to vector<16xf32>
        %mul3A_895 = arith.constant 8 : i32
        %mul3A_896 = arith.muli %add3A_212, %mul3A_895 : i32
        %add3A_897 = arith.constant 5 : i32
        %add3A_898 = arith.addi %mul3A_896, %add3A_897 : i32
        %get3A_899 = arith.index_cast %add3A_898 : i32 to index
        %get3A_900 = arith.constant 16 : index
        %get3A_901 = tpu.vector_load %arg7[%get3A_899, %get3A_900] {strides = array<i32>} : memref<200x64xf32, #tpu.memory_space<vmem>>, vector<1x16xf32>,
        %get3A_902 = vector.shape_cast %get3A_901 : vector<1x16xf32> to vector<16xf32>
        %add3A_903 = arith.addf %get3A_894, %get3A_902 : vector<16xf32>
        %mul3A_904 = arith.constant 4 : i32
        %mul3A_905 = arith.muli %add3A_212, %mul3A_904 : i32
        %add3A_906 = arith.constant 2 : i32
        %add3A_907 = arith.addi %mul3A_905, %add3A_906 : i32
        %swap3A_908 = arith.constant 1 : i32
        %swap3A_909 = arith.index_cast %swap3A_908 : i32 to index
        %swap3A_910 = arith.index_cast %add3A_907 : i32 to index
        %swap3A_911 = arith.constant 80 : index
        %swap3A_912 = tpu.vector_load %arg9[%swap3A_909, %swap3A_910, %swap3A_911] {strides = array<i32>} : memref<2x100x128xf32, #tpu.memory_space<vmem>>, vector<1x1x16xf32>,
        %swap3A_913 = vector.shape_cast %swap3A_912 : vector<1x1x16xf32> to vector<16xf32>
        %swap3A_914 = vector.shape_cast %add3A_903 : vector<16xf32> to vector<1x1x16xf32>
        tpu.vector_store %arg9[%swap3A_909, %swap3A_910, %swap3A_911], %swap3A_914 {strides = array<i32>} : memref<2x100x128xf32, #tpu.memory_space<vmem>>, vector<1x1x16xf32>,
        %mul3A_915 = arith.constant 8 : i32
        %mul3A_916 = arith.muli %add3A_212, %mul3A_915 : i32
        %add3A_917 = arith.constant 5 : i32
        %add3A_918 = arith.addi %mul3A_916, %add3A_917 : i32
        %get3A_919 = arith.constant 0 : i32
        %get3A_920 = arith.constant 0 : i32
        %get3A_921 = tpu.memref_slice %arg8[%scan3A_183, %get3A_919, %get3A_920] : memref<2x200x64xf32, #tpu.memory_space<vmem>> -> memref<1x200x64xf32, #tpu.memory_space<vmem>>
        %get3A_922 = tpu.memref_squeeze %get3A_921 : memref<1x200x64xf32, #tpu.memory_space<vmem>> -> memref<200x64xf32, #tpu.memory_space<vmem>>
        %get3A_923 = arith.index_cast %add3A_918 : i32 to index
        %get3A_924 = arith.constant 32 : index
        %get3A_925 = tpu.vector_load %get3A_922[%get3A_923, %get3A_924] {strides = array<i32>} : memref<200x64xf32, #tpu.memory_space<vmem>>, vector<1x16xf32>,
        %get3A_926 = vector.shape_cast %get3A_925 : vector<1x16xf32> to vector<16xf32>
        %mul3A_927 = arith.constant 8 : i32
        %mul3A_928 = arith.muli %add3A_212, %mul3A_927 : i32
        %add3A_929 = arith.constant 5 : i32
        %add3A_930 = arith.addi %mul3A_928, %add3A_929 : i32
        %get3A_931 = arith.index_cast %add3A_930 : i32 to index
        %get3A_932 = arith.constant 32 : index
        %get3A_933 = tpu.vector_load %arg7[%get3A_931, %get3A_932] {strides = array<i32>} : memref<200x64xf32, #tpu.memory_space<vmem>>, vector<1x16xf32>,
        %get3A_934 = vector.shape_cast %get3A_933 : vector<1x16xf32> to vector<16xf32>
        %add3A_935 = arith.addf %get3A_926, %get3A_934 : vector<16xf32>
        %mul3A_936 = arith.constant 4 : i32
        %mul3A_937 = arith.muli %add3A_212, %mul3A_936 : i32
        %add3A_938 = arith.constant 2 : i32
        %add3A_939 = arith.addi %mul3A_937, %add3A_938 : i32
        %swap3A_940 = arith.constant 1 : i32
        %swap3A_941 = arith.index_cast %swap3A_940 : i32 to index
        %swap3A_942 = arith.index_cast %add3A_939 : i32 to index
        %swap3A_943 = arith.constant 96 : index
        %swap3A_944 = tpu.vector_load %arg9[%swap3A_941, %swap3A_942, %swap3A_943] {strides = array<i32>} : memref<2x100x128xf32, #tpu.memory_space<vmem>>, vector<1x1x16xf32>,
        %swap3A_945 = vector.shape_cast %swap3A_944 : vector<1x1x16xf32> to vector<16xf32>
        %swap3A_946 = vector.shape_cast %add3A_935 : vector<16xf32> to vector<1x1x16xf32>
        tpu.vector_store %arg9[%swap3A_941, %swap3A_942, %swap3A_943], %swap3A_946 {strides = array<i32>} : memref<2x100x128xf32, #tpu.memory_space<vmem>>, vector<1x1x16xf32>,
        %mul3A_947 = arith.constant 8 : i32
        %mul3A_948 = arith.muli %add3A_212, %mul3A_947 : i32
        %add3A_949 = arith.constant 5 : i32
        %add3A_950 = arith.addi %mul3A_948, %add3A_949 : i32
        %get3A_951 = arith.constant 0 : i32
        %get3A_952 = arith.constant 0 : i32
        %get3A_953 = tpu.memref_slice %arg8[%scan3A_183, %get3A_951, %get3A_952] : memref<2x200x64xf32, #tpu.memory_space<vmem>> -> memref<1x200x64xf32, #tpu.memory_space<vmem>>
        %get3A_954 = tpu.memref_squeeze %get3A_953 : memref<1x200x64xf32, #tpu.memory_space<vmem>> -> memref<200x64xf32, #tpu.memory_space<vmem>>
        %get3A_955 = arith.index_cast %add3A_950 : i32 to index
        %get3A_956 = arith.constant 48 : index
        %get3A_957 = tpu.vector_load %get3A_954[%get3A_955, %get3A_956] {strides = array<i32>} : memref<200x64xf32, #tpu.memory_space<vmem>>, vector<1x16xf32>,
        %get3A_958 = vector.shape_cast %get3A_957 : vector<1x16xf32> to vector<16xf32>
        %mul3A_959 = arith.constant 8 : i32
        %mul3A_960 = arith.muli %add3A_212, %mul3A_959 : i32
        %add3A_961 = arith.constant 5 : i32
        %add3A_962 = arith.addi %mul3A_960, %add3A_961 : i32
        %get3A_963 = arith.index_cast %add3A_962 : i32 to index
        %get3A_964 = arith.constant 48 : index
        %get3A_965 = tpu.vector_load %arg7[%get3A_963, %get3A_964] {strides = array<i32>} : memref<200x64xf32, #tpu.memory_space<vmem>>, vector<1x16xf32>,
        %get3A_966 = vector.shape_cast %get3A_965 : vector<1x16xf32> to vector<16xf32>
        %add3A_967 = arith.addf %get3A_958, %get3A_966 : vector<16xf32>
        %mul3A_968 = arith.constant 4 : i32
        %mul3A_969 = arith.muli %add3A_212, %mul3A_968 : i32
        %add3A_970 = arith.constant 2 : i32
        %add3A_971 = arith.addi %mul3A_969, %add3A_970 : i32
        %swap3A_972 = arith.constant 1 : i32
        %swap3A_973 = arith.index_cast %swap3A_972 : i32 to index
        %swap3A_974 = arith.index_cast %add3A_971 : i32 to index
        %swap3A_975 = arith.constant 112 : index
        %swap3A_976 = tpu.vector_load %arg9[%swap3A_973, %swap3A_974, %swap3A_975] {strides = array<i32>} : memref<2x100x128xf32, #tpu.memory_space<vmem>>, vector<1x1x16xf32>,
        %swap3A_977 = vector.shape_cast %swap3A_976 : vector<1x1x16xf32> to vector<16xf32>
        %swap3A_978 = vector.shape_cast %add3A_967 : vector<16xf32> to vector<1x1x16xf32>
        tpu.vector_store %arg9[%swap3A_973, %swap3A_974, %swap3A_975], %swap3A_978 {strides = array<i32>} : memref<2x100x128xf32, #tpu.memory_space<vmem>>, vector<1x1x16xf32>,
        %mul3A_979 = arith.constant 8 : i32
        %mul3A_980 = arith.muli %add3A_212, %mul3A_979 : i32
        %add3A_981 = arith.constant 6 : i32
        %add3A_982 = arith.addi %mul3A_980, %add3A_981 : i32
        %get3A_983 = arith.constant 0 : i32
        %get3A_984 = arith.constant 0 : i32
        %get3A_985 = tpu.memref_slice %arg8[%scan3A_183, %get3A_983, %get3A_984] : memref<2x200x64xf32, #tpu.memory_space<vmem>> -> memref<1x200x64xf32, #tpu.memory_space<vmem>>
        %get3A_986 = tpu.memref_squeeze %get3A_985 : memref<1x200x64xf32, #tpu.memory_space<vmem>> -> memref<200x64xf32, #tpu.memory_space<vmem>>
        %get3A_987 = arith.index_cast %add3A_982 : i32 to index
        %get3A_988 = arith.constant 0 : index
        %get3A_989 = tpu.vector_load %get3A_986[%get3A_987, %get3A_988] {strides = array<i32>} : memref<200x64xf32, #tpu.memory_space<vmem>>, vector<1x16xf32>,
        %get3A_990 = vector.shape_cast %get3A_989 : vector<1x16xf32> to vector<16xf32>
        %mul3A_991 = arith.constant 8 : i32
        %mul3A_992 = arith.muli %add3A_212, %mul3A_991 : i32
        %add3A_993 = arith.constant 6 : i32
        %add3A_994 = arith.addi %mul3A_992, %add3A_993 : i32
        %get3A_995 = arith.index_cast %add3A_994 : i32 to index
        %get3A_996 = arith.constant 0 : index
        %get3A_997 = tpu.vector_load %arg7[%get3A_995, %get3A_996] {strides = array<i32>} : memref<200x64xf32, #tpu.memory_space<vmem>>, vector<1x16xf32>,
        %get3A_998 = vector.shape_cast %get3A_997 : vector<1x16xf32> to vector<16xf32>
        %add3A_999 = arith.addf %get3A_990, %get3A_998 : vector<16xf32>
        %mul3A_1000 = arith.constant 4 : i32
        %mul3A_1001 = arith.muli %add3A_212, %mul3A_1000 : i32
        %add3A_1002 = arith.constant 3 : i32
        %add3A_1003 = arith.addi %mul3A_1001, %add3A_1002 : i32
        %swap3A_1004 = arith.constant 1 : i32
        %swap3A_1005 = arith.index_cast %swap3A_1004 : i32 to index
        %swap3A_1006 = arith.index_cast %add3A_1003 : i32 to index
        %swap3A_1007 = arith.constant 0 : index
        %swap3A_1008 = tpu.vector_load %arg9[%swap3A_1005, %swap3A_1006, %swap3A_1007] {strides = array<i32>} : memref<2x100x128xf32, #tpu.memory_space<vmem>>, vector<1x1x16xf32>,
        %swap3A_1009 = vector.shape_cast %swap3A_1008 : vector<1x1x16xf32> to vector<16xf32>
        %swap3A_1010 = vector.shape_cast %add3A_999 : vector<16xf32> to vector<1x1x16xf32>
        tpu.vector_store %arg9[%swap3A_1005, %swap3A_1006, %swap3A_1007], %swap3A_1010 {strides = array<i32>} : memref<2x100x128xf32, #tpu.memory_space<vmem>>, vector<1x1x16xf32>,
        %mul3A_1011 = arith.constant 8 : i32
        %mul3A_1012 = arith.muli %add3A_212, %mul3A_1011 : i32
        %add3A_1013 = arith.constant 6 : i32
        %add3A_1014 = arith.addi %mul3A_1012, %add3A_1013 : i32
        %get3A_1015 = arith.constant 0 : i32
        %get3A_1016 = arith.constant 0 : i32
        %get3A_1017 = tpu.memref_slice %arg8[%scan3A_183, %get3A_1015, %get3A_1016] : memref<2x200x64xf32, #tpu.memory_space<vmem>> -> memref<1x200x64xf32, #tpu.memory_space<vmem>>
        %get3A_1018 = tpu.memref_squeeze %get3A_1017 : memref<1x200x64xf32, #tpu.memory_space<vmem>> -> memref<200x64xf32, #tpu.memory_space<vmem>>
        %get3A_1019 = arith.index_cast %add3A_1014 : i32 to index
        %get3A_1020 = arith.constant 16 : index
        %get3A_1021 = tpu.vector_load %get3A_1018[%get3A_1019, %get3A_1020] {strides = array<i32>} : memref<200x64xf32, #tpu.memory_space<vmem>>, vector<1x16xf32>,
        %get3A_1022 = vector.shape_cast %get3A_1021 : vector<1x16xf32> to vector<16xf32>
        %mul3A_1023 = arith.constant 8 : i32
        %mul3A_1024 = arith.muli %add3A_212, %mul3A_1023 : i32
        %add3A_1025 = arith.constant 6 : i32
        %add3A_1026 = arith.addi %mul3A_1024, %add3A_1025 : i32
        %get3A_1027 = arith.index_cast %add3A_1026 : i32 to index
        %get3A_1028 = arith.constant 16 : index
        %get3A_1029 = tpu.vector_load %arg7[%get3A_1027, %get3A_1028] {strides = array<i32>} : memref<200x64xf32, #tpu.memory_space<vmem>>, vector<1x16xf32>,
        %get3A_1030 = vector.shape_cast %get3A_1029 : vector<1x16xf32> to vector<16xf32>
        %add3A_1031 = arith.addf %get3A_1022, %get3A_1030 : vector<16xf32>
        %mul3A_1032 = arith.constant 4 : i32
        %mul3A_1033 = arith.muli %add3A_212, %mul3A_1032 : i32
        %add3A_1034 = arith.constant 3 : i32
        %add3A_1035 = arith.addi %mul3A_1033, %add3A_1034 : i32
        %swap3A_1036 = arith.constant 1 : i32
        %swap3A_1037 = arith.index_cast %swap3A_1036 : i32 to index
        %swap3A_1038 = arith.index_cast %add3A_1035 : i32 to index
        %swap3A_1039 = arith.constant 16 : index
        %swap3A_1040 = tpu.vector_load %arg9[%swap3A_1037, %swap3A_1038, %swap3A_1039] {strides = array<i32>} : memref<2x100x128xf32, #tpu.memory_space<vmem>>, vector<1x1x16xf32>,
        %swap3A_1041 = vector.shape_cast %swap3A_1040 : vector<1x1x16xf32> to vector<16xf32>
        %swap3A_1042 = vector.shape_cast %add3A_1031 : vector<16xf32> to vector<1x1x16xf32>
        tpu.vector_store %arg9[%swap3A_1037, %swap3A_1038, %swap3A_1039], %swap3A_1042 {strides = array<i32>} : memref<2x100x128xf32, #tpu.memory_space<vmem>>, vector<1x1x16xf32>,
        %mul3A_1043 = arith.constant 8 : i32
        %mul3A_1044 = arith.muli %add3A_212, %mul3A_1043 : i32
        %add3A_1045 = arith.constant 6 : i32
        %add3A_1046 = arith.addi %mul3A_1044, %add3A_1045 : i32
        %get3A_1047 = arith.constant 0 : i32
        %get3A_1048 = arith.constant 0 : i32
        %get3A_1049 = tpu.memref_slice %arg8[%scan3A_183, %get3A_1047, %get3A_1048] : memref<2x200x64xf32, #tpu.memory_space<vmem>> -> memref<1x200x64xf32, #tpu.memory_space<vmem>>
        %get3A_1050 = tpu.memref_squeeze %get3A_1049 : memref<1x200x64xf32, #tpu.memory_space<vmem>> -> memref<200x64xf32, #tpu.memory_space<vmem>>
        %get3A_1051 = arith.index_cast %add3A_1046 : i32 to index
        %get3A_1052 = arith.constant 32 : index
        %get3A_1053 = tpu.vector_load %get3A_1050[%get3A_1051, %get3A_1052] {strides = array<i32>} : memref<200x64xf32, #tpu.memory_space<vmem>>, vector<1x16xf32>,
        %get3A_1054 = vector.shape_cast %get3A_1053 : vector<1x16xf32> to vector<16xf32>
        %mul3A_1055 = arith.constant 8 : i32
        %mul3A_1056 = arith.muli %add3A_212, %mul3A_1055 : i32
        %add3A_1057 = arith.constant 6 : i32
        %add3A_1058 = arith.addi %mul3A_1056, %add3A_1057 : i32
        %get3A_1059 = arith.index_cast %add3A_1058 : i32 to index
        %get3A_1060 = arith.constant 32 : index
        %get3A_1061 = tpu.vector_load %arg7[%get3A_1059, %get3A_1060] {strides = array<i32>} : memref<200x64xf32, #tpu.memory_space<vmem>>, vector<1x16xf32>,
        %get3A_1062 = vector.shape_cast %get3A_1061 : vector<1x16xf32> to vector<16xf32>
        %add3A_1063 = arith.addf %get3A_1054, %get3A_1062 : vector<16xf32>
        %mul3A_1064 = arith.constant 4 : i32
        %mul3A_1065 = arith.muli %add3A_212, %mul3A_1064 : i32
        %add3A_1066 = arith.constant 3 : i32
        %add3A_1067 = arith.addi %mul3A_1065, %add3A_1066 : i32
        %swap3A_1068 = arith.constant 1 : i32
        %swap3A_1069 = arith.index_cast %swap3A_1068 : i32 to index
        %swap3A_1070 = arith.index_cast %add3A_1067 : i32 to index
        %swap3A_1071 = arith.constant 32 : index
        %swap3A_1072 = tpu.vector_load %arg9[%swap3A_1069, %swap3A_1070, %swap3A_1071] {strides = array<i32>} : memref<2x100x128xf32, #tpu.memory_space<vmem>>, vector<1x1x16xf32>,
        %swap3A_1073 = vector.shape_cast %swap3A_1072 : vector<1x1x16xf32> to vector<16xf32>
        %swap3A_1074 = vector.shape_cast %add3A_1063 : vector<16xf32> to vector<1x1x16xf32>
        tpu.vector_store %arg9[%swap3A_1069, %swap3A_1070, %swap3A_1071], %swap3A_1074 {strides = array<i32>} : memref<2x100x128xf32, #tpu.memory_space<vmem>>, vector<1x1x16xf32>,
        %mul3A_1075 = arith.constant 8 : i32
        %mul3A_1076 = arith.muli %add3A_212, %mul3A_1075 : i32
        %add3A_1077 = arith.constant 6 : i32
        %add3A_1078 = arith.addi %mul3A_1076, %add3A_1077 : i32
        %get3A_1079 = arith.constant 0 : i32
        %get3A_1080 = arith.constant 0 : i32
        %get3A_1081 = tpu.memref_slice %arg8[%scan3A_183, %get3A_1079, %get3A_1080] : memref<2x200x64xf32, #tpu.memory_space<vmem>> -> memref<1x200x64xf32, #tpu.memory_space<vmem>>
        %get3A_1082 = tpu.memref_squeeze %get3A_1081 : memref<1x200x64xf32, #tpu.memory_space<vmem>> -> memref<200x64xf32, #tpu.memory_space<vmem>>
        %get3A_1083 = arith.index_cast %add3A_1078 : i32 to index
        %get3A_1084 = arith.constant 48 : index
        %get3A_1085 = tpu.vector_load %get3A_1082[%get3A_1083, %get3A_1084] {strides = array<i32>} : memref<200x64xf32, #tpu.memory_space<vmem>>, vector<1x16xf32>,
        %get3A_1086 = vector.shape_cast %get3A_1085 : vector<1x16xf32> to vector<16xf32>
        %mul3A_1087 = arith.constant 8 : i32
        %mul3A_1088 = arith.muli %add3A_212, %mul3A_1087 : i32
        %add3A_1089 = arith.constant 6 : i32
        %add3A_1090 = arith.addi %mul3A_1088, %add3A_1089 : i32
        %get3A_1091 = arith.index_cast %add3A_1090 : i32 to index
        %get3A_1092 = arith.constant 48 : index
        %get3A_1093 = tpu.vector_load %arg7[%get3A_1091, %get3A_1092] {strides = array<i32>} : memref<200x64xf32, #tpu.memory_space<vmem>>, vector<1x16xf32>,
        %get3A_1094 = vector.shape_cast %get3A_1093 : vector<1x16xf32> to vector<16xf32>
        %add3A_1095 = arith.addf %get3A_1086, %get3A_1094 : vector<16xf32>
        %mul3A_1096 = arith.constant 4 : i32
        %mul3A_1097 = arith.muli %add3A_212, %mul3A_1096 : i32
        %add3A_1098 = arith.constant 3 : i32
        %add3A_1099 = arith.addi %mul3A_1097, %add3A_1098 : i32
        %swap3A_1100 = arith.constant 1 : i32
        %swap3A_1101 = arith.index_cast %swap3A_1100 : i32 to index
        %swap3A_1102 = arith.index_cast %add3A_1099 : i32 to index
        %swap3A_1103 = arith.constant 48 : index
        %swap3A_1104 = tpu.vector_load %arg9[%swap3A_1101, %swap3A_1102, %swap3A_1103] {strides = array<i32>} : memref<2x100x128xf32, #tpu.memory_space<vmem>>, vector<1x1x16xf32>,
        %swap3A_1105 = vector.shape_cast %swap3A_1104 : vector<1x1x16xf32> to vector<16xf32>
        %swap3A_1106 = vector.shape_cast %add3A_1095 : vector<16xf32> to vector<1x1x16xf32>
        tpu.vector_store %arg9[%swap3A_1101, %swap3A_1102, %swap3A_1103], %swap3A_1106 {strides = array<i32>} : memref<2x100x128xf32, #tpu.memory_space<vmem>>, vector<1x1x16xf32>,
        %mul3A_1107 = arith.constant 8 : i32
        %mul3A_1108 = arith.muli %add3A_212, %mul3A_1107 : i32
        %add3A_1109 = arith.constant 7 : i32
        %add3A_1110 = arith.addi %mul3A_1108, %add3A_1109 : i32
        %get3A_1111 = arith.constant 0 : i32
        %get3A_1112 = arith.constant 0 : i32
        %get3A_1113 = tpu.memref_slice %arg8[%scan3A_183, %get3A_1111, %get3A_1112] : memref<2x200x64xf32, #tpu.memory_space<vmem>> -> memref<1x200x64xf32, #tpu.memory_space<vmem>>
        %get3A_1114 = tpu.memref_squeeze %get3A_1113 : memref<1x200x64xf32, #tpu.memory_space<vmem>> -> memref<200x64xf32, #tpu.memory_space<vmem>>
        %get3A_1115 = arith.index_cast %add3A_1110 : i32 to index
        %get3A_1116 = arith.constant 0 : index
        %get3A_1117 = tpu.vector_load %get3A_1114[%get3A_1115, %get3A_1116] {strides = array<i32>} : memref<200x64xf32, #tpu.memory_space<vmem>>, vector<1x16xf32>,
        %get3A_1118 = vector.shape_cast %get3A_1117 : vector<1x16xf32> to vector<16xf32>
        %mul3A_1119 = arith.constant 8 : i32
        %mul3A_1120 = arith.muli %add3A_212, %mul3A_1119 : i32
        %add3A_1121 = arith.constant 7 : i32
        %add3A_1122 = arith.addi %mul3A_1120, %add3A_1121 : i32
        %get3A_1123 = arith.index_cast %add3A_1122 : i32 to index
        %get3A_1124 = arith.constant 0 : index
        %get3A_1125 = tpu.vector_load %arg7[%get3A_1123, %get3A_1124] {strides = array<i32>} : memref<200x64xf32, #tpu.memory_space<vmem>>, vector<1x16xf32>,
        %get3A_1126 = vector.shape_cast %get3A_1125 : vector<1x16xf32> to vector<16xf32>
        %add3A_1127 = arith.addf %get3A_1118, %get3A_1126 : vector<16xf32>
        %mul3A_1128 = arith.constant 4 : i32
        %mul3A_1129 = arith.muli %add3A_212, %mul3A_1128 : i32
        %add3A_1130 = arith.constant 3 : i32
        %add3A_1131 = arith.addi %mul3A_1129, %add3A_1130 : i32
        %swap3A_1132 = arith.constant 1 : i32
        %swap3A_1133 = arith.index_cast %swap3A_1132 : i32 to index
        %swap3A_1134 = arith.index_cast %add3A_1131 : i32 to index
        %swap3A_1135 = arith.constant 64 : index
        %swap3A_1136 = tpu.vector_load %arg9[%swap3A_1133, %swap3A_1134, %swap3A_1135] {strides = array<i32>} : memref<2x100x128xf32, #tpu.memory_space<vmem>>, vector<1x1x16xf32>,
        %swap3A_1137 = vector.shape_cast %swap3A_1136 : vector<1x1x16xf32> to vector<16xf32>
        %swap3A_1138 = vector.shape_cast %add3A_1127 : vector<16xf32> to vector<1x1x16xf32>
        tpu.vector_store %arg9[%swap3A_1133, %swap3A_1134, %swap3A_1135], %swap3A_1138 {strides = array<i32>} : memref<2x100x128xf32, #tpu.memory_space<vmem>>, vector<1x1x16xf32>,
        %mul3A_1139 = arith.constant 8 : i32
        %mul3A_1140 = arith.muli %add3A_212, %mul3A_1139 : i32
        %add3A_1141 = arith.constant 7 : i32
        %add3A_1142 = arith.addi %mul3A_1140, %add3A_1141 : i32
        %get3A_1143 = arith.constant 0 : i32
        %get3A_1144 = arith.constant 0 : i32
        %get3A_1145 = tpu.memref_slice %arg8[%scan3A_183, %get3A_1143, %get3A_1144] : memref<2x200x64xf32, #tpu.memory_space<vmem>> -> memref<1x200x64xf32, #tpu.memory_space<vmem>>
        %get3A_1146 = tpu.memref_squeeze %get3A_1145 : memref<1x200x64xf32, #tpu.memory_space<vmem>> -> memref<200x64xf32, #tpu.memory_space<vmem>>
        %get3A_1147 = arith.index_cast %add3A_1142 : i32 to index
        %get3A_1148 = arith.constant 16 : index
        %get3A_1149 = tpu.vector_load %get3A_1146[%get3A_1147, %get3A_1148] {strides = array<i32>} : memref<200x64xf32, #tpu.memory_space<vmem>>, vector<1x16xf32>,
        %get3A_1150 = vector.shape_cast %get3A_1149 : vector<1x16xf32> to vector<16xf32>
        %mul3A_1151 = arith.constant 8 : i32
        %mul3A_1152 = arith.muli %add3A_212, %mul3A_1151 : i32
        %add3A_1153 = arith.constant 7 : i32
        %add3A_1154 = arith.addi %mul3A_1152, %add3A_1153 : i32
        %get3A_1155 = arith.index_cast %add3A_1154 : i32 to index
        %get3A_1156 = arith.constant 16 : index
        %get3A_1157 = tpu.vector_load %arg7[%get3A_1155, %get3A_1156] {strides = array<i32>} : memref<200x64xf32, #tpu.memory_space<vmem>>, vector<1x16xf32>,
        %get3A_1158 = vector.shape_cast %get3A_1157 : vector<1x16xf32> to vector<16xf32>
        %add3A_1159 = arith.addf %get3A_1150, %get3A_1158 : vector<16xf32>
        %mul3A_1160 = arith.constant 4 : i32
        %mul3A_1161 = arith.muli %add3A_212, %mul3A_1160 : i32
        %add3A_1162 = arith.constant 3 : i32
        %add3A_1163 = arith.addi %mul3A_1161, %add3A_1162 : i32
        %swap3A_1164 = arith.constant 1 : i32
        %swap3A_1165 = arith.index_cast %swap3A_1164 : i32 to index
        %swap3A_1166 = arith.index_cast %add3A_1163 : i32 to index
        %swap3A_1167 = arith.constant 80 : index
        %swap3A_1168 = tpu.vector_load %arg9[%swap3A_1165, %swap3A_1166, %swap3A_1167] {strides = array<i32>} : memref<2x100x128xf32, #tpu.memory_space<vmem>>, vector<1x1x16xf32>,
        %swap3A_1169 = vector.shape_cast %swap3A_1168 : vector<1x1x16xf32> to vector<16xf32>
        %swap3A_1170 = vector.shape_cast %add3A_1159 : vector<16xf32> to vector<1x1x16xf32>
        tpu.vector_store %arg9[%swap3A_1165, %swap3A_1166, %swap3A_1167], %swap3A_1170 {strides = array<i32>} : memref<2x100x128xf32, #tpu.memory_space<vmem>>, vector<1x1x16xf32>,
        %mul3A_1171 = arith.constant 8 : i32
        %mul3A_1172 = arith.muli %add3A_212, %mul3A_1171 : i32
        %add3A_1173 = arith.constant 7 : i32
        %add3A_1174 = arith.addi %mul3A_1172, %add3A_1173 : i32
        %get3A_1175 = arith.constant 0 : i32
        %get3A_1176 = arith.constant 0 : i32
        %get3A_1177 = tpu.memref_slice %arg8[%scan3A_183, %get3A_1175, %get3A_1176] : memref<2x200x64xf32, #tpu.memory_space<vmem>> -> memref<1x200x64xf32, #tpu.memory_space<vmem>>
        %get3A_1178 = tpu.memref_squeeze %get3A_1177 : memref<1x200x64xf32, #tpu.memory_space<vmem>> -> memref<200x64xf32, #tpu.memory_space<vmem>>
        %get3A_1179 = arith.index_cast %add3A_1174 : i32 to index
        %get3A_1180 = arith.constant 32 : index
        %get3A_1181 = tpu.vector_load %get3A_1178[%get3A_1179, %get3A_1180] {strides = array<i32>} : memref<200x64xf32, #tpu.memory_space<vmem>>, vector<1x16xf32>,
        %get3A_1182 = vector.shape_cast %get3A_1181 : vector<1x16xf32> to vector<16xf32>
        %mul3A_1183 = arith.constant 8 : i32
        %mul3A_1184 = arith.muli %add3A_212, %mul3A_1183 : i32
        %add3A_1185 = arith.constant 7 : i32
        %add3A_1186 = arith.addi %mul3A_1184, %add3A_1185 : i32
        %get3A_1187 = arith.index_cast %add3A_1186 : i32 to index
        %get3A_1188 = arith.constant 32 : index
        %get3A_1189 = tpu.vector_load %arg7[%get3A_1187, %get3A_1188] {strides = array<i32>} : memref<200x64xf32, #tpu.memory_space<vmem>>, vector<1x16xf32>,
        %get3A_1190 = vector.shape_cast %get3A_1189 : vector<1x16xf32> to vector<16xf32>
        %add3A_1191 = arith.addf %get3A_1182, %get3A_1190 : vector<16xf32>
        %mul3A_1192 = arith.constant 4 : i32
        %mul3A_1193 = arith.muli %add3A_212, %mul3A_1192 : i32
        %add3A_1194 = arith.constant 3 : i32
        %add3A_1195 = arith.addi %mul3A_1193, %add3A_1194 : i32
        %swap3A_1196 = arith.constant 1 : i32
        %swap3A_1197 = arith.index_cast %swap3A_1196 : i32 to index
        %swap3A_1198 = arith.index_cast %add3A_1195 : i32 to index
        %swap3A_1199 = arith.constant 96 : index
        %swap3A_1200 = tpu.vector_load %arg9[%swap3A_1197, %swap3A_1198, %swap3A_1199] {strides = array<i32>} : memref<2x100x128xf32, #tpu.memory_space<vmem>>, vector<1x1x16xf32>,
        %swap3A_1201 = vector.shape_cast %swap3A_1200 : vector<1x1x16xf32> to vector<16xf32>
        %swap3A_1202 = vector.shape_cast %add3A_1191 : vector<16xf32> to vector<1x1x16xf32>
        tpu.vector_store %arg9[%swap3A_1197, %swap3A_1198, %swap3A_1199], %swap3A_1202 {strides = array<i32>} : memref<2x100x128xf32, #tpu.memory_space<vmem>>, vector<1x1x16xf32>,
        %mul3A_1203 = arith.constant 8 : i32
        %mul3A_1204 = arith.muli %add3A_212, %mul3A_1203 : i32
        %add3A_1205 = arith.constant 7 : i32
        %add3A_1206 = arith.addi %mul3A_1204, %add3A_1205 : i32
        %get3A_1207 = arith.constant 0 : i32
        %get3A_1208 = arith.constant 0 : i32
        %get3A_1209 = tpu.memref_slice %arg8[%scan3A_183, %get3A_1207, %get3A_1208] : memref<2x200x64xf32, #tpu.memory_space<vmem>> -> memref<1x200x64xf32, #tpu.memory_space<vmem>>
        %get3A_1210 = tpu.memref_squeeze %get3A_1209 : memref<1x200x64xf32, #tpu.memory_space<vmem>> -> memref<200x64xf32, #tpu.memory_space<vmem>>
        %get3A_1211 = arith.index_cast %add3A_1206 : i32 to index
        %get3A_1212 = arith.constant 48 : index
        %get3A_1213 = tpu.vector_load %get3A_1210[%get3A_1211, %get3A_1212] {strides = array<i32>} : memref<200x64xf32, #tpu.memory_space<vmem>>, vector<1x16xf32>,
        %get3A_1214 = vector.shape_cast %get3A_1213 : vector<1x16xf32> to vector<16xf32>
        %mul3A_1215 = arith.constant 8 : i32
        %mul3A_1216 = arith.muli %add3A_212, %mul3A_1215 : i32
        %add3A_1217 = arith.constant 7 : i32
        %add3A_1218 = arith.addi %mul3A_1216, %add3A_1217 : i32
        %get3A_1219 = arith.index_cast %add3A_1218 : i32 to index
        %get3A_1220 = arith.constant 48 : index
        %get3A_1221 = tpu.vector_load %arg7[%get3A_1219, %get3A_1220] {strides = array<i32>} : memref<200x64xf32, #tpu.memory_space<vmem>>, vector<1x16xf32>,
        %get3A_1222 = vector.shape_cast %get3A_1221 : vector<1x16xf32> to vector<16xf32>
        %add3A_1223 = arith.addf %get3A_1214, %get3A_1222 : vector<16xf32>
        %mul3A_1224 = arith.constant 4 : i32
        %mul3A_1225 = arith.muli %add3A_212, %mul3A_1224 : i32
        %add3A_1226 = arith.constant 3 : i32
        %add3A_1227 = arith.addi %mul3A_1225, %add3A_1226 : i32
        %swap3A_1228 = arith.constant 1 : i32
        %swap3A_1229 = arith.index_cast %swap3A_1228 : i32 to index
        %swap3A_1230 = arith.index_cast %add3A_1227 : i32 to index
        %swap3A_1231 = arith.constant 112 : index
        %swap3A_1232 = tpu.vector_load %arg9[%swap3A_1229, %swap3A_1230, %swap3A_1231] {strides = array<i32>} : memref<2x100x128xf32, #tpu.memory_space<vmem>>, vector<1x1x16xf32>,
        %swap3A_1233 = vector.shape_cast %swap3A_1232 : vector<1x1x16xf32> to vector<16xf32>
        %swap3A_1234 = vector.shape_cast %add3A_1223 : vector<16xf32> to vector<1x1x16xf32>
        tpu.vector_store %arg9[%swap3A_1229, %swap3A_1230, %swap3A_1231], %swap3A_1234 {strides = array<i32>} : memref<2x100x128xf32, #tpu.memory_space<vmem>>, vector<1x1x16xf32>,
      }
      %scan3A_188 = arith.constant 25 : i32
      %add3A_189 = arith.addi %mul3A_2, %add3A_145 : i32
      %mul3A_190 = arith.constant 100 : i32
      %mul3A_191 = arith.muli %add3A_189, %mul3A_190 : i32
      %dma_start3A_192 = arith.constant 1 : i32
      %dma_start3A_193 = arith.constant 1 : i32
      %dma_start3A_194 = arith.constant 0 : i32
      %dma_start3A_195 = arith.constant 0 : i32
      %dma_start3A_196 = tpu.memref_slice %arg9[%dma_start3A_192, %dma_start3A_194, %dma_start3A_195] : memref<2x100x128xf32, #tpu.memory_space<vmem>> -> memref<1x100x128xf32, #tpu.memory_space<vmem>>
      %dma_start3A_197 = tpu.memref_squeeze %dma_start3A_196 : memref<1x100x128xf32, #tpu.memory_space<vmem>> -> memref<100x128xf32, #tpu.memory_space<vmem>>
      %dma_start3A_198 = arith.constant 0 : i32
      %dma_start3A_199 = tpu.memref_slice %arg5[%mul3A_191, %dma_start3A_198] : memref<409600x128xf32, #tpu.memory_space<hbm>> -> memref<100x128xf32, #tpu.memory_space<hbm>>
      %dma_start3A_200 = tpu.memref_slice %arg12[%dma_start3A_193] : memref<2x!tpu.dma_semaphore, #tpu.memory_space<semaphore_mem>> -> memref<1x!tpu.dma_semaphore, #tpu.memory_space<semaphore_mem>>
      %dma_start3A_201 = tpu.memref_squeeze %dma_start3A_200 : memref<1x!tpu.dma_semaphore, #tpu.memory_space<semaphore_mem>> -> memref<!tpu.dma_semaphore, #tpu.memory_space<semaphore_mem>>
      %dma_start3A_202 = arith.constant 0 : i32
      %dma_start3A_203 = tpu.memref_slice %arg5[%mul3A_191, %dma_start3A_202] : memref<409600x128xf32, #tpu.memory_space<hbm>> -> memref<100x128xf32, #tpu.memory_space<hbm>>
      %dma_start3A_204 = arith.constant 0 : i32
      %dma_start3A_205 = arith.constant 0 : i32
      %dma_start3A_206 = tpu.memref_slice %arg9[%dma_start3A_192, %dma_start3A_204, %dma_start3A_205] : memref<2x100x128xf32, #tpu.memory_space<vmem>> -> memref<1x100x128xf32, #tpu.memory_space<vmem>>
      %dma_start3A_207 = tpu.memref_squeeze %dma_start3A_206 : memref<1x100x128xf32, #tpu.memory_space<vmem>> -> memref<100x128xf32, #tpu.memory_space<vmem>>
      tpu.enqueue_dma source(%dma_start3A_207 : memref<100x128xf32, #tpu.memory_space<vmem>>) target(%dma_start3A_203 : memref<100x128xf32, #tpu.memory_space<hbm>>) target_semaphore(%dma_start3A_201 : memref<!tpu.dma_semaphore, #tpu.memory_space<semaphore_mem>>)
    }
    %scan3A_35 = arith.constant 64 : i32
    %add3A_36 = arith.constant 126 : i32
    %add3A_37 = arith.addi %mul3A_2, %add3A_36 : i32
    %mul3A_38 = arith.constant 100 : i32
    %mul3A_39 = arith.muli %add3A_37, %mul3A_38 : i32
    %dma_wait3A = arith.constant 0 : i32
    %dma_wait3A_40 = arith.constant 0 : i32
    %dma_wait3A_41 = arith.constant 0 : i32
    %dma_wait3A_42 = arith.constant 0 : i32
    %dma_wait3A_43 = tpu.memref_slice %arg9[%dma_wait3A, %dma_wait3A_41, %dma_wait3A_42] : memref<2x100x128xf32, #tpu.memory_space<vmem>> -> memref<1x100x128xf32, #tpu.memory_space<vmem>>
    %dma_wait3A_44 = tpu.memref_squeeze %dma_wait3A_43 : memref<1x100x128xf32, #tpu.memory_space<vmem>> -> memref<100x128xf32, #tpu.memory_space<vmem>>
    %dma_wait3A_45 = arith.constant 0 : i32
    %dma_wait3A_46 = tpu.memref_slice %arg5[%mul3A_39, %dma_wait3A_45] : memref<409600x128xf32, #tpu.memory_space<hbm>> -> memref<100x128xf32, #tpu.memory_space<hbm>>
    %dma_wait3A_47 = tpu.memref_slice %arg12[%dma_wait3A_40] : memref<2x!tpu.dma_semaphore, #tpu.memory_space<semaphore_mem>> -> memref<1x!tpu.dma_semaphore, #tpu.memory_space<semaphore_mem>>
    %dma_wait3A_48 = tpu.memref_squeeze %dma_wait3A_47 : memref<1x!tpu.dma_semaphore, #tpu.memory_space<semaphore_mem>> -> memref<!tpu.dma_semaphore, #tpu.memory_space<semaphore_mem>>
    %dma_wait3A_49 = arith.constant 0 : i32
    %dma_wait3A_50 = tpu.memref_slice %arg5[%mul3A_39, %dma_wait3A_49] : memref<409600x128xf32, #tpu.memory_space<hbm>> -> memref<100x128xf32, #tpu.memory_space<hbm>>
    %dma_wait3A_51 = arith.constant 0 : i32
    %dma_wait3A_52 = arith.constant 0 : i32
    %dma_wait3A_53 = tpu.memref_slice %arg9[%dma_wait3A, %dma_wait3A_51, %dma_wait3A_52] : memref<2x100x128xf32, #tpu.memory_space<vmem>> -> memref<1x100x128xf32, #tpu.memory_space<vmem>>
    %dma_wait3A_54 = tpu.memref_squeeze %dma_wait3A_53 : memref<1x100x128xf32, #tpu.memory_space<vmem>> -> memref<100x128xf32, #tpu.memory_space<vmem>>
    tpu.wait_dma2 semaphore(%dma_wait3A_48 : memref<!tpu.dma_semaphore, #tpu.memory_space<semaphore_mem>>) src(%dma_wait3A_54 : memref<100x128xf32, #tpu.memory_space<vmem>>) dst(%dma_wait3A_50 : memref<100x128xf32, #tpu.memory_space<hbm>>)
    %add3A_55 = arith.constant 127 : i32
    %add3A_56 = arith.addi %mul3A_2, %add3A_55 : i32
    %mul3A_57 = arith.constant 100 : i32
    %mul3A_58 = arith.muli %add3A_56, %mul3A_57 : i32
    %dma_wait3A_59 = arith.constant 1 : i32
    %dma_wait3A_60 = arith.constant 1 : i32
    %dma_wait3A_61 = arith.constant 0 : i32
    %dma_wait3A_62 = arith.constant 0 : i32
    %dma_wait3A_63 = tpu.memref_slice %arg9[%dma_wait3A_59, %dma_wait3A_61, %dma_wait3A_62] : memref<2x100x128xf32, #tpu.memory_space<vmem>> -> memref<1x100x128xf32, #tpu.memory_space<vmem>>
    %dma_wait3A_64 = tpu.memref_squeeze %dma_wait3A_63 : memref<1x100x128xf32, #tpu.memory_space<vmem>> -> memref<100x128xf32, #tpu.memory_space<vmem>>
    %dma_wait3A_65 = arith.constant 0 : i32
    %dma_wait3A_66 = tpu.memref_slice %arg5[%mul3A_58, %dma_wait3A_65] : memref<409600x128xf32, #tpu.memory_space<hbm>> -> memref<100x128xf32, #tpu.memory_space<hbm>>
    %dma_wait3A_67 = tpu.memref_slice %arg12[%dma_wait3A_60] : memref<2x!tpu.dma_semaphore, #tpu.memory_space<semaphore_mem>> -> memref<1x!tpu.dma_semaphore, #tpu.memory_space<semaphore_mem>>
    %dma_wait3A_68 = tpu.memref_squeeze %dma_wait3A_67 : memref<1x!tpu.dma_semaphore, #tpu.memory_space<semaphore_mem>> -> memref<!tpu.dma_semaphore, #tpu.memory_space<semaphore_mem>>
    %dma_wait3A_69 = arith.constant 0 : i32
    %dma_wait3A_70 = tpu.memref_slice %arg5[%mul3A_58, %dma_wait3A_69] : memref<409600x128xf32, #tpu.memory_space<hbm>> -> memref<100x128xf32, #tpu.memory_space<hbm>>
    %dma_wait3A_71 = arith.constant 0 : i32
    %dma_wait3A_72 = arith.constant 0 : i32
    %dma_wait3A_73 = tpu.memref_slice %arg9[%dma_wait3A_59, %dma_wait3A_71, %dma_wait3A_72] : memref<2x100x128xf32, #tpu.memory_space<vmem>> -> memref<1x100x128xf32, #tpu.memory_space<vmem>>
    %dma_wait3A_74 = tpu.memref_squeeze %dma_wait3A_73 : memref<1x100x128xf32, #tpu.memory_space<vmem>> -> memref<100x128xf32, #tpu.memory_space<vmem>>
    tpu.wait_dma2 semaphore(%dma_wait3A_68 : memref<!tpu.dma_semaphore, #tpu.memory_space<semaphore_mem>>) src(%dma_wait3A_74 : memref<100x128xf32, #tpu.memory_space<vmem>>) dst(%dma_wait3A_70 : memref<100x128xf32, #tpu.memory_space<hbm>>)
    return
  }
}

</mosaic_0001>

<sc_bundles>
// kernel: kernel.3.cloned.1.call-start
scs
__scs_entry_jumppad:
0x0: {  	(pc) =	sbr.rel $0x88, $3  }
0x1: {  	(tag) =	ssettag $0x0;
	lr =	simm.s32 $0x1  }
0x2: {  	[smem:$0x3F9E] =	sst lr;
	_ =	strace $0xD0000000  }
0x3: {  	_ = 	snop  }
0x4: {  	_ = 	snop  }
0x5: {  	_ = 	snop  }
0x6: {  	_ = 	snop  }
0x7: {  	_ = 	snop  }
__scs_overlays_trampoline_lowered:
0x8: {  	[smem:$0x3FAD] =	sst s0  }
0x9: {  	[smem:$0x3FAE] =	sst s1  }
0xa: {  	[smem:$0x3FAF] =	sst s2  }
0xb: {  	[smem:$0x3FB0] =	sst s3  }
0xc: {  	[smem:$0x3FB1] =	sst s4  }
0xd: {  	[smem:$0x3FB2] =	sst s5  }
0xe: {  	[smem:$0x3FB3] =	sst s6  }
0xf: {  	[smem:$0x3FB4] =	sst s7  }
0x10: {  	[smem:$0x3FB5] =	sst s8  }
0x11: {  	[smem:$0x3FB6] =	sst s9;
	s0 =	simm.s32 @!p0 $0x0  }
0x12: {  	s1 =	sld [smem:$0x3F9C];
	s0 =	simm.s32 @p0 $0x1  }
0x13: {  	[smem:$0x3FB7] =	sst s0;
	s0 =	simm.s32 @!p1 $0x0  }
0x14: {  	s2 =	sld [smem:$0x3F9B];
	s0 =	simm.s32 @p1 $0x1  }
0x15: {  	[smem:$0x3FB8] =	sst s0;
	s0 =	simm.s32 @!p2 $0x0  }
0x16: {  	s3 =	sld [smem:$0x3FDB];
	s0 =	simm.s32 @p2 $0x1  }
0x17: {  	s4 =	simm.s32 $0x1BF5;
	[smem:$0x3FBA] =	sst s0  }
0x18: {  	s0 =	sld [smem:$0x3F9D];
	_ =	swait.ge [sflag:s4], $0x0  }
0x19: {  	s7 =	sld [smem:$0x3F9E]  }
0x1a: {  	s8 =	sadd.s32 $0xFFFFE003, lr  }
0x1b: {  	s9 =	sadd.s32 $0xFFFFFEF7, lr;
	s5 =	simm.s32 $0xFFFFFFFF;
	p2 =	slt.u32 s8, $0xFFFFF086  }
0x1c: {  	p1 =	slt.u32 s9, $0xF7A;
	s5 =	simm.s32 @!p2 $0x0  }
0x1d: {  	s5 =	simm.s32 @p1 $0x1;
	p0 =	seq.s32 s7, s2  }
0x1e: {  	s7 =	smul.u32 @!p0 $0xF7A, s2;
	p2 =	seq.s32 @!p0 s5, $0x0  }
0x1f: {  	s9 =	smul.u32 $0xF7A, s1;
	s8 =	simm.s32 @!p0 $0x1BF5;
	p2 =	por !p2, p0  }
0x20: {  	[sflag:s8] =	ssyncset.s32 @!p0 $0xFFFFF086;
	s6 =	sadd.s32 @!p0 s3, s7;
	s7 =	simm.s32 @!p0 $0x108  }
0x21: {  	s3 =	sadd.s32 s3, s9;
	s6 =	sadd.s32 @!p0 $0x88, s6;
	s7 =	simm.s32 @p2 $0x1082  }
0x22: {  	[simem:s7], [sflag:s8] =	dma.local @!p0 [hbm:s6], $0xF7A  }
0x23: {  	s9 =	sor.u32 $0xD0000000, s2;
	s6 =	simm.s32 $0x108;
	_ =	swait.ge @!p0 [sflag:s8], $0x0  }
0x24: {  	s3 =	sadd.s32 $0x88, s3;
	s6 =	simm.s32 @!p1 $0x1082;
	[sflag:s4] =	ssyncset.s32 $0xFFFFF086  }
0x25: {  	[simem:s6], [sflag:s4] =	dma.local [hbm:s3], $0xF7A  }
0x26: {  	[smem:$0x3F9E] =	sst s1;
	(tag) =	ssettag s2;
	_ =	strace s9  }
0x27: {  	s1 =	sld [smem:$0x3FAE]  }
0x28: {  	s2 =	sld [smem:$0x3FAF]  }
0x29: {  	s4 =	sld [smem:$0x3FB1]  }
0x2a: {  	p0 =	seq.s32 s5, $0x0;
	s5 =	sld [smem:$0x3FB2]  }
0x2b: {  	s6 =	sld [smem:$0x3FB3]  }
0x2c: {  	s7 =	sld [smem:$0x3FB4]  }
0x2d: {  	s3 =	simm.s32 $0x108;
	s8 =	sld [smem:$0x3FB5]  }
0x2e: {  	s3 =	simm.s32 @!p0 $0x1082;
	s9 =	sld [smem:$0x3FB6]  }
0x2f: {  	lr =	sadd.s32 s0, s3;
	s0 =	sld [smem:$0x3FAD]  }
0x30: {  	s3 =	sld [smem:$0x3FB0]  }
0x31: {  	[smem:$0x3FB9] =	sst s10  }
0x32: {  	s10 =	sld [smem:$0x3FB7];
	_ =	sdelay $0x3  }
0x33: {  	p0 =	seq.s32 s10, $0x1;
	s10 =	sld [smem:$0x3FB9];
	_ =	sdelay $0x3  }
0x34: {  	[smem:$0x3FB9] =	sst s10  }
0x35: {  	s10 =	sld [smem:$0x3FB8];
	_ =	sdelay $0x3  }
0x36: {  	p1 =	seq.s32 s10, $0x1;
	s10 =	sld [smem:$0x3FB9];
	_ =	sdelay $0x3  }
0x37: {  	[smem:$0x3FB9] =	sst s10  }
0x38: {  	s10 =	sld [smem:$0x3FBA]  }
0x39: {  	_ = 	snop;
	(pc) =	sbr.ind lr, $3  }
0x3a: {  	_ = 	snop  }
0x3b: {  	_ = 	snop  }
0x3c: {  	p2 =	seq.s32 s10, $0x1;
	s10 =	sld [smem:$0x3FB9]  }
0x3d: {  	_ =	shalt  }
0x3e: {  	_ =	shalt  }
0x3f: {  	_ =	shalt  }
0x40: {  	_ =	shalt  }
0x41: {  	_ =	shalt  }
0x42: {  	_ =	shalt  }
0x43: {  	_ =	shalt  }
0x44: {  	_ =	shalt  }
0x45: {  	_ =	shalt  }
0x46: {  	_ =	shalt  }
0x47: {  	_ =	shalt  }
0x48: {  	_ =	shalt  }
0x49: {  	_ =	shalt  }
0x4a: {  	_ =	shalt  }
0x4b: {  	_ =	shalt  }
0x4c: {  	_ =	shalt  }
0x4d: {  	_ =	shalt  }
0x4e: {  	_ =	shalt  }
0x4f: {  	_ =	shalt  }
0x50: {  	_ =	shalt  }
0x51: {  	_ =	shalt  }
0x52: {  	_ =	shalt  }
0x53: {  	_ =	shalt  }
0x54: {  	_ =	shalt  }
0x55: {  	_ =	shalt  }
0x56: {  	_ =	shalt  }
0x57: {  	_ =	shalt  }
0x58: {  	_ =	shalt  }
0x59: {  	_ =	shalt  }
0x5a: {  	_ =	shalt  }
0x5b: {  	_ =	shalt  }
0x5c: {  	_ =	shalt  }
0x5d: {  	_ =	shalt  }
0x5e: {  	_ =	shalt  }
0x5f: {  	_ =	shalt  }
0x60: {  	_ =	shalt  }
0x61: {  	_ =	shalt  }
0x62: {  	_ =	shalt  }
0x63: {  	_ =	shalt  }
0x64: {  	_ =	shalt  }
0x65: {  	_ =	shalt  }
0x66: {  	_ =	shalt  }
0x67: {  	_ =	shalt  }
0x68: {  	_ =	shalt  }
0x69: {  	_ =	shalt  }
0x6a: {  	_ =	shalt  }
0x6b: {  	_ =	shalt  }
0x6c: {  	_ =	shalt  }
0x6d: {  	_ =	shalt  }
0x6e: {  	_ =	shalt  }
0x6f: {  	_ =	shalt  }
0x70: {  	_ =	shalt  }
0x71: {  	_ =	shalt  }
0x72: {  	_ =	shalt  }
0x73: {  	_ =	shalt  }
0x74: {  	_ =	shalt  }
0x75: {  	_ =	shalt  }
0x76: {  	_ =	shalt  }
0x77: {  	_ =	shalt  }
0x78: {  	_ =	shalt  }
0x79: {  	_ =	shalt  }
0x7a: {  	_ =	shalt  }
0x7b: {  	_ =	shalt  }
0x7c: {  	_ =	shalt  }
0x7d: {  	_ =	shalt  }
0x7e: {  	_ =	shalt  }
0x7f: {  	_ =	shalt  }
0x80: {  	_ =	shalt  }
0x81: {  	_ =	shalt  }
0x82: {  	_ =	shalt  }
0x83: {  	_ =	shalt  }
0x84: {  	_ =	shalt  }
0x85: {  	_ =	shalt  }
0x86: {  	_ =	shalt  }
0x87: {  	_ =	shalt  }
.Lfunc_end0:
.L_simem_size_0:
called_computation.1_lowered:
.L_overlay_start_0:
0x88: {  	s2 =	sld [smem:$0x3FD9]  }
0x89: {  	s3 =	sld [smem:$0x3FFE];
	_ =	sdelay $0x1  }
0x8a: {  	s1 =	srdreg.scid  }
0x8b: {  	s0 =	sand.u32 $0x1, s1  }
0x8c: {  	s17 =	sshll.u32 s0, $0xA;
	s2 =	sadd.s32 s3, s2  }
0x8d: {  	s2 =	sadd.s32 s2, s17  }
0x8e: {  	[smem:$0x3FC5] =	sst s2  }
0x8f: {  	_ = 	snop  }
0x90: {  	s2 =	sld [smem:$0x3FD0];
	(tm) =	ssettm $0x1  }
0x91: {  	s18 =	sld [smem:$0x3FFB];
	_ =	sdelay $0x3  }
0x92: {  	_ =	strace s18  }
0x93: {  	s3 =	sld [smem:$0x3FFC];
	_ =	sdelay $0x3  }
0x94: {  	_ =	strace s3  }
0x95: {  	s3 =	sld [smem:$0x3FFD];
	_ =	sdelay $0x3  }
0x96: {  	_ =	strace s3  }
0x97: {  	_ =	strace $0x8FFFFFFF  }
0x98: {  	s19 =	sld [smem:$0x3FDB];
	_ =	sdelay $0x1  }
0x99: {  	s4 =	simm.s32 $_scs_section_size  }
0x9a: {  	s5 =	simm.s32 $_size__tile_overlayer_lowered;
	s6 =	simm.s32 $_tile_overlayer_lowered  }
0x9b: {  	s22 =	simm.s32 $0x1BFF;
	s21 =	sshll.u32 s6, $0x1;
	s3 =	sadd.s32 s4, s19  }
0x9c: {  	s7 =	simm.s32 $0x0;
	s20 =	sshll.u32 s5, $0x1;
	s5 =	sadd.s32 s21, s3  }
0x9d: {  	[timem:s7], [sflag:s22] =	dma.local [hbm:s5], s20  }
0x9e: {  	_ =	swait.ge [sflag:s22], s20  }
0x9f: {  	s4 =	ssub.s32 $0x0, s20;
	[sflag:s22] =	ssyncset.done $0x0  }
0xa0: {  	[sflag:s22] =	ssyncadd.s32 s4;
	_ =	sdelay $0x1  }
0xa1: {  	s23 =	simm.s32 $0x1B8B  }
0xa2: {  	_ =	swait.ge [sflag:s23], $0x1  }
0xa3: {  	[sflag:s23] =	ssyncset.done $0x0  }
0xa4: {  	s25 =	simm.s32 $0x1B8E;
	s24 =	sld [smem:$0x3FFE];
	[sflag:s23] =	ssyncadd.s32 $0xFFFFFFFF  }
0xa5: {  	s26 =	simm.s32 $execute0_lowered;
	[smem:$0x3FD2] =	sst s25  }
0xa6: {  	s5 =	sshll.u32 s26, $0x1;
	_ =	strace $0x80000046;
	[dreg:$0x1] =	wrdreg $0xFFFFFFFF  }
0xa7: {  	s28 =	simm.s32 $_size_execute0_lowered;
	s3 =	sadd.s32 s3, s5;
	[dreg:$0x0] =	wrdreg $0x0  }
0xa8: {  	s5 =	sshll.u32 s28, $0x1;
	[dreg:$0x2] =	wrdreg s3  }
0xa9: {  	[dreg:$0x3] =	wrdreg s5  }
0xaa: {  	[dreg:$0x4] =	wrdreg $0xC0  }
0xab: {  	_ =	task [dreg:s7], $0x5FFFF  }
0xac: {  	[dreg:$0x1] =	wrdreg $0xFFFFFFFF  }
0xad: {  	[dreg:$0x0] =	wrdreg $0x60  }
0xae: {  	[dreg:$0x2] =	wrdreg s24  }
0xaf: {  	[dreg:$0x3] =	wrdreg s2  }
0xb0: {  	[dreg:$0x4] =	wrdreg $0x9  }
0xb1: {  	_ =	task.clear_ibuf [dreg:s7], $0x5FFFF;
	_ =	strace $0x90000046  }
0xb2: {  	s29 =	simm.s32 $0x9;
	_ =	strace $0x80000048  }
0xb3: {  	_ =	swait.ge [sflag:s29], $0x1  }
0xb4: {  	[sflag:s29] =	ssyncadd.s32 $0xFFFFFFFF  }
0xb5: {  	_ =	strace $0x90000048  }
0xb6: {  	_ =	sfence  }
0xb7: {  	s30 =	sld [smem:$0x0];
	_ =	sdelay $0x2  }
0xb8: {  	s31 =	sshll.u32 s1, $0xD;
	s1 =	sshrl.u32 s1, $0x2  }
0xb9: {  	s3 =	sand.u32 $0x4000, s31;
	s1 =	sadd.s32 s1, s30  }
0xba: {  	s0 =	sor.u32 s3, s0;
	s1 =	sshll.u32 s1, $0x11  }
0xbb: {  	s0 =	sor.u32 s1, s0  }
0xbc: {  	s0 =	sadd.s32 $0x8F2B, s0  }
0xbd: {  	[sflag:s0] =	ssyncadd.remote.s32 $0x1  }
0xbe: {  	_ =	sfence.sel $0xFFFF  }
0xbf: {  	[dreg:$0x0] =	wrdreg $0xFFFFFFFF;
	(pc) =	sbr.abs _section_cstart, $3  }
0xc0: {  	[dreg:$0x1] =	wrdreg $0xFFFFFFFF  }
0xc1: {  	_ =	task.clear_ibuf [dreg:s7], $0x2FFFF;
	_ =	strace $0x9FFFFFFF  }
0xc2: {  	(tm) =	ssettm $0x7FFFFFFF  }
0xc3: {  	_ =	shalt  }
tec
execute0_lowered:
.L_overlay_start_1:
0x0: {  	(tag) =	ssettag $0x1  }
0x1: {  	s1 =	srdreg.scid;
	s6 =	rddreg [dreg:$0x0]  }
0x2: {  	s0 =	stileid.u32;
	s2 =	rddreg [dreg:$0x1]  }
0x3: {  	s3 =	simm.s32 $0x0;
	s9 =	simm.s32 $0x7;
	s10 =	simm.s32 $0x6400  }
0x4: {  	s11 =	simm.s32 $0x80;
	s12 =	simm.s32 $0x9600;
	s13 =	simm.s32 $0x48  }
0x5: {  	s14 =	simm.s32 $0xB600;
	s15 =	simm.s32 $0xC800;
	s16 =	simm.s32 $0xE800  }
0x6: {  	s17 =	simm.s32 $0x1;
	s18 =	simm.s32 $0x3;
	s19 =	simm.s32 $0xFA00  }
0x7: {  	s20 =	simm.s32 $0x2;
	s21 =	simm.s32 $0x4;
	s1 =	sand.u32 $0x1, s1  }
0x8: {  	s22 =	simm.s32 $0x12C00;
	s4 =	sshll.u32 s0, $0x8;
	s5 =	sshll.u32 s1, $0x7  }
0x9: {  	s23 =	simm.s32 $0x5;
	s1 =	ssub.s32 $0x2, s1;
	s4 =	sor.u32 s5, s4  }
0xa: {  	s24 =	simm.s32 $0x6;
	s8 =	sshrl.u32 s1, $0x1;
	s5 =	smul.u32 $0x19, s4  }
0xb: {  	s25 =	simm.s32 $0x0;
	[smem:$0x7FF] =	sst s3;
	s1 =	ssub.s32 s1, s8  }
0xc: {  	_ =	strace $0x80000047;
	s8 =	smax.u32 s1, $0x1;
	s7 =	sadd.s32 s5, s6  }
0xd: {  	s5 =	sadd.s32 $0xF43000, s6;
	s6 =	sadd.s32 $0x19C00, s6;
	s7 =	sadd.s32 $0xC00, s7  }
.LBB2_1:
0xe: {  	[tilespmem:s3], [sflag:$0x7] =	stream.linear.gather [hbm4b:s7+s3], $0x6400, $0x38;
	[tilespmem:$0x15E00] =	vst v63  }
0xf: {  	_ =	swait.ge [sflag:s9], $0x6400  }
0x10: {  	[sflag:s9] =	ssyncset.done $0x0  }
0x11: {  	[sflag:s9] =	ssyncadd.s32 $0xFFFF9C00  }
0x12: {  	[tilespmem:s10], [sflag:$0x7] =	stream.linear.gather [hbm4b:s6+s3], $0x3200, $0x38;
	[tilespmem:$0x15E00] =	vst v63  }
0x13: {  	_ =	swait.ge [sflag:s9], $0x3200  }
0x14: {  	[sflag:s9] =	ssyncset.done $0x0  }
0x15: {  	[sflag:s9] =	ssyncadd.s32 $0xFFFFCE00  }
0x16: {  	[tilespmem:s12], [sflag:$0x1] =	stream.indirect.gather [hbm4b:s5+s11], $0x40, s3, s11, $0xb8;
	[tilespmem:$0x15E00] =	vst v63  }
0x17: {  	s26 =	simm.s32 $0x0  }
0x18: {  	[tilespmem:s14], [sflag:$0x3] =	stream.indirect.gather [hbm4b:s5+s13], $0x40, s11, s13, $0xb8;
	[tilespmem:$0x15E00] =	vst v63  }
.LBB2_2:
0x19: {  	p0 =	seq.s32 s26, $0x0  }
0x1a: {  	s28 =	sshllo.u32 s26, $0x1;
	s1 =	simm.s32 @!p0 $0x6  }
0x1b: {  	s29 =	smul.u32 $0x320, s28;
	_ =	swait.ge @!p0 [sflag:s1], $0x3200  }
0x1c: {  	[sflag:s1] =	ssyncset.done @!p0 $0x0  }
0x1d: {  	[sflag:s1] =	ssyncadd.s32 @!p0 $0xFFFFCE00;
	s1 =	sshra.s32 s29, $0x2  }
0x1e: {  	[tilespmem:s15], [sflag:$0x2] =	stream.indirect.gather [hbm4b:s5+s11], $0x40, s1, s11, $0xb8;
	[tilespmem:$0x15E00] =	vst v63  }
0x1f: {  	s1 =	sadd.s32 $0x80, s1  }
0x20: {  	[tilespmem:s16], [sflag:$0x4] =	stream.indirect.gather [hbm4b:s5+s13], $0x40, s1, s13, $0xb8;
	[tilespmem:$0x15E00] =	vst v63  }
0x21: {  	_ =	swait.ge [sflag:s17], $0x2000  }
0x22: {  	[sflag:s17] =	ssyncset.done $0x0  }
0x23: {  	[sflag:s17] =	ssyncadd.s32 $0xFFFFE000  }
0x24: {  	_ =	swait.ge [sflag:s18], $0x1200  }
0x25: {  	[sflag:s18] =	ssyncset.done $0x0  }
0x26: {  	s29 =	simm.s32 $0x0;
	[sflag:s18] =	ssyncadd.s32 $0xFFFFEE00  }
0x27: {  	v0 =	vld [tilespmem:s29+$0x97F0]  }
0x28: {  	v1 =	vld [tilespmem:s29+$0x65F0]  }
0x29: {  	v2 =	vld [tilespmem:s29+$0x9600]  }
0x2a: {  	v3 =	vld [tilespmem:s29+$0x6400]  }
0x2b: {  	v4 =	vld [tilespmem:s29+$0x9610]  }
0x2c: {  	v5 =	vld [tilespmem:s29+$0x6410]  }
0x2d: {  	v6 =	vld [tilespmem:s29+$0x9620]  }
0x2e: {  	v7 =	vld [tilespmem:s29+$0x9630];
	v0 =	vadd.f32 v1, v0  }
0x2f: {  	v1 =	vld [tilespmem:s29+$0x6420]  }
0x30: {  	v2 =	vadd.f32 v3, v2;
	[tilespmem:s29+$0xFBF0] =	vst v0;
	v0 =	vld [tilespmem:s29+$0x6430]  }
0x31: {  	v3 =	vld [tilespmem:s29+$0x9640]  }
0x32: {  	[tilespmem:s29+$0xFA00] =	vst v2;
	v2 =	vadd.f32 v5, v4;
	v4 =	vld [tilespmem:s29+$0x6440]  }
0x33: {  	v5 =	vld [tilespmem:s29+$0x6450]  }
0x34: {  	[tilespmem:s29+$0xFA10] =	vst v2;
	v2 =	vld [tilespmem:s29+$0x9650];
	v1 =	vadd.f32 v1, v6  }
0x35: {  	v6 =	vld [tilespmem:s29+$0x6460];
	v0 =	vadd.f32 v0, v7  }
0x36: {  	[tilespmem:s29+$0xFA20] =	vst v1;
	v1 =	vld [tilespmem:s29+$0x9660]  }
0x37: {  	[tilespmem:s29+$0xFA30] =	vst v0;
	v0 =	vadd.f32 v4, v3;
	v3 =	vld [tilespmem:s29+$0x9670]  }
0x38: {  	v4 =	vld [tilespmem:s29+$0x6470]  }
0x39: {  	[tilespmem:s29+$0xFA40] =	vst v0;
	v0 =	vadd.f32 v5, v2;
	v2 =	vld [tilespmem:s29+$0x9680]  }
0x3a: {  	v5 =	vld [tilespmem:s29+$0x6480]  }
0x3b: {  	[tilespmem:s29+$0xFA50] =	vst v0;
	v0 =	vadd.f32 v6, v1;
	v1 =	vld [tilespmem:s29+$0x9690]  }
0x3c: {  	v6 =	vld [tilespmem:s29+$0x6490]  }
0x3d: {  	[tilespmem:s29+$0xFA60] =	vst v0;
	v0 =	vadd.f32 v4, v3;
	v3 =	vld [tilespmem:s29+$0x96A0]  }
0x3e: {  	v4 =	vld [tilespmem:s29+$0x64A0]  }
0x3f: {  	[tilespmem:s29+$0xFA70] =	vst v0;
	v0 =	vadd.f32 v5, v2;
	v2 =	vld [tilespmem:s29+$0x96B0]  }
0x40: {  	v5 =	vld [tilespmem:s29+$0x64B0]  }
0x41: {  	[tilespmem:s29+$0xFA80] =	vst v0;
	v0 =	vadd.f32 v6, v1;
	v1 =	vld [tilespmem:s29+$0x96C0]  }
0x42: {  	v6 =	vld [tilespmem:s29+$0x64C0]  }
0x43: {  	[tilespmem:s29+$0xFA90] =	vst v0;
	v0 =	vadd.f32 v4, v3;
	v3 =	vld [tilespmem:s29+$0x96D0]  }
0x44: {  	v4 =	vld [tilespmem:s29+$0x64D0]  }
0x45: {  	[tilespmem:s29+$0xFAA0] =	vst v0;
	v0 =	vadd.f32 v5, v2;
	v2 =	vld [tilespmem:s29+$0x96E0]  }
0x46: {  	v5 =	vld [tilespmem:s29+$0x64E0]  }
0x47: {  	[tilespmem:s29+$0xFAB0] =	vst v0;
	v0 =	vadd.f32 v6, v1;
	v1 =	vld [tilespmem:s29+$0x96F0]  }
0x48: {  	v6 =	vld [tilespmem:s29+$0x64F0]  }
0x49: {  	[tilespmem:s29+$0xFAC0] =	vst v0;
	v0 =	vadd.f32 v4, v3;
	v3 =	vld [tilespmem:s29+$0x9700]  }
0x4a: {  	v4 =	vld [tilespmem:s29+$0x6500]  }
0x4b: {  	[tilespmem:s29+$0xFAD0] =	vst v0;
	v0 =	vadd.f32 v5, v2;
	v2 =	vld [tilespmem:s29+$0x9710]  }
0x4c: {  	v5 =	vld [tilespmem:s29+$0x6510]  }
0x4d: {  	[tilespmem:s29+$0xFAE0] =	vst v0;
	v0 =	vadd.f32 v6, v1;
	v1 =	vld [tilespmem:s29+$0x9720]  }
0x4e: {  	v6 =	vld [tilespmem:s29+$0x6520]  }
0x4f: {  	[tilespmem:s29+$0xFAF0] =	vst v0;
	v0 =	vadd.f32 v4, v3;
	v3 =	vld [tilespmem:s29+$0x9730]  }
0x50: {  	v4 =	vld [tilespmem:s29+$0x6530]  }
0x51: {  	[tilespmem:s29+$0xFB00] =	vst v0;
	v0 =	vadd.f32 v5, v2;
	v2 =	vld [tilespmem:s29+$0x9740]  }
0x52: {  	v5 =	vld [tilespmem:s29+$0x6540]  }
0x53: {  	[tilespmem:s29+$0xFB10] =	vst v0;
	v0 =	vadd.f32 v6, v1;
	v1 =	vld [tilespmem:s29+$0x9750]  }
0x54: {  	v6 =	vld [tilespmem:s29+$0x6550]  }
0x55: {  	[tilespmem:s29+$0xFB20] =	vst v0;
	v0 =	vadd.f32 v4, v3;
	v3 =	vld [tilespmem:s29+$0x9760]  }
0x56: {  	v4 =	vld [tilespmem:s29+$0x6560]  }
0x57: {  	[tilespmem:s29+$0xFB30] =	vst v0;
	v0 =	vadd.f32 v5, v2;
	v2 =	vld [tilespmem:s29+$0x9770]  }
0x58: {  	v5 =	vld [tilespmem:s29+$0x6570]  }
0x59: {  	[tilespmem:s29+$0xFB40] =	vst v0;
	v0 =	vadd.f32 v6, v1;
	v1 =	vld [tilespmem:s29+$0x9780]  }
0x5a: {  	v6 =	vld [tilespmem:s29+$0x6580]  }
0x5b: {  	[tilespmem:s29+$0xFB50] =	vst v0;
	v0 =	vadd.f32 v4, v3;
	v3 =	vld [tilespmem:s29+$0x9790]  }
0x5c: {  	v4 =	vld [tilespmem:s29+$0x6590]  }
0x5d: {  	[tilespmem:s29+$0xFB60] =	vst v0;
	v0 =	vadd.f32 v5, v2;
	v2 =	vld [tilespmem:s29+$0x97A0]  }
0x5e: {  	v5 =	vld [tilespmem:s29+$0x65A0]  }
0x5f: {  	[tilespmem:s29+$0xFB70] =	vst v0;
	v0 =	vadd.f32 v6, v1;
	v1 =	vld [tilespmem:s29+$0x97B0]  }
0x60: {  	v6 =	vld [tilespmem:s29+$0x65B0]  }
0x61: {  	v8 =	vld [tilespmem:s29+$0x65C0]  }
0x62: {  	v7 =	vld [tilespmem:s29+$0x97C0];
	[tilespmem:s29+$0xFB80] =	vst v0;
	v0 =	vadd.f32 v4, v3  }
0x63: {  	v3 =	vld [tilespmem:s29+$0x65D0]  }
0x64: {  	[tilespmem:s29+$0xFB90] =	vst v0;
	v0 =	vadd.f32 v5, v2;
	v2 =	vld [tilespmem:s29+$0x97D0]  }
0x65: {  	v4 =	vld [tilespmem:s29+$0x65E0];
	v5 =	vadd.f32 v6, v1  }
0x66: {  	s1 =	simm.s32 $0x200;
	[tilespmem:s29+$0xFBA0] =	vst v0;
	v0 =	vld [tilespmem:s29+$0x97E0]  }
0x67: {  	s30 =	sshll.u32 s26, $0x1;
	s31 =	simm.s32 $0x1000;
	v1 =	vld [tilespmem:s1+$0x97F0];
	[tilespmem:s29+$0xFBB0] =	vst v5;
	v5 =	vadd.f32 v8, v7  }
.LBB2_3:
0x68: {  	p0 =	sne.s32 s31, $0xC000;
	v6 =	vld [tilespmem:s1+$0x65F0]  }
0x69: {  	v7 =	vld [tilespmem:s1+$0x9600];
	[tilespmem:s29+$0xFBC0] =	vst v5;
	v2 =	vadd.f32 v3, v2  }
0x6a: {  	v3 =	vld [tilespmem:s1+$0x6400]  }
0x6b: {  	v5 =	vld [tilespmem:s1+$0x9610];
	[tilespmem:s29+$0xFBD0] =	vst v2;
	v0 =	vadd.f32 v4, v0  }
0x6c: {  	v2 =	vld [tilespmem:s1+$0x6410]  }
0x6d: {  	v4 =	vld [tilespmem:s1+$0x9620];
	v1 =	vadd.f32 v6, v1;
	[tilespmem:s29+$0xFBE0] =	vst v0;
	s29 =	smov.u32 s1  }
0x6e: {  	v0 =	vld [tilespmem:s29+$0x6420]  }
0x6f: {  	v3 =	vadd.f32 v3, v7;
	v6 =	vld [tilespmem:s29+$0x9630];
	[tilespmem:s29+$0xFBF0] =	vst v1  }
0x70: {  	v1 =	vld [tilespmem:s29+$0x6430]  }
0x71: {  	[tilespmem:s29+$0xFA00] =	vst v3;
	v2 =	vadd.f32 v2, v5;
	v3 =	vld [tilespmem:s29+$0x9640]  }
0x72: {  	v5 =	vld [tilespmem:s29+$0x6440]  }
0x73: {  	[tilespmem:s29+$0xFA10] =	vst v2;
	v0 =	vadd.f32 v0, v4;
	v2 =	vld [tilespmem:s29+$0x9650]  }
0x74: {  	v4 =	vld [tilespmem:s29+$0x6450]  }
0x75: {  	[tilespmem:s29+$0xFA20] =	vst v0;
	v0 =	vadd.f32 v1, v6;
	v1 =	vld [tilespmem:s29+$0x9660]  }
0x76: {  	v6 =	vld [tilespmem:s29+$0x6460]  }
0x77: {  	[tilespmem:s29+$0xFA30] =	vst v0;
	v0 =	vadd.f32 v5, v3;
	v3 =	vld [tilespmem:s29+$0x9670]  }
0x78: {  	v5 =	vld [tilespmem:s29+$0x6470]  }
0x79: {  	[tilespmem:s29+$0xFA40] =	vst v0;
	v0 =	vadd.f32 v4, v2;
	v2 =	vld [tilespmem:s29+$0x9680]  }
0x7a: {  	v4 =	vld [tilespmem:s29+$0x6480]  }
0x7b: {  	[tilespmem:s29+$0xFA50] =	vst v0;
	v0 =	vadd.f32 v6, v1;
	v1 =	vld [tilespmem:s29+$0x9690]  }
0x7c: {  	v6 =	vld [tilespmem:s29+$0x6490]  }
0x7d: {  	[tilespmem:s29+$0xFA60] =	vst v0;
	v0 =	vadd.f32 v5, v3;
	v3 =	vld [tilespmem:s29+$0x96A0]  }
0x7e: {  	v5 =	vld [tilespmem:s29+$0x64A0]  }
0x7f: {  	[tilespmem:s29+$0xFA70] =	vst v0;
	v0 =	vadd.f32 v4, v2;
	v2 =	vld [tilespmem:s29+$0x96B0]  }
0x80: {  	v4 =	vld [tilespmem:s29+$0x64B0]  }
0x81: {  	[tilespmem:s29+$0xFA80] =	vst v0;
	v0 =	vadd.f32 v6, v1;
	v1 =	vld [tilespmem:s29+$0x96C0]  }
0x82: {  	v6 =	vld [tilespmem:s29+$0x64C0]  }
0x83: {  	[tilespmem:s29+$0xFA90] =	vst v0;
	v0 =	vadd.f32 v5, v3;
	v3 =	vld [tilespmem:s29+$0x96D0]  }
0x84: {  	v5 =	vld [tilespmem:s29+$0x64D0]  }
0x85: {  	[tilespmem:s29+$0xFAA0] =	vst v0;
	v0 =	vadd.f32 v4, v2;
	v2 =	vld [tilespmem:s29+$0x96E0]  }
0x86: {  	v4 =	vld [tilespmem:s29+$0x64E0]  }
0x87: {  	[tilespmem:s29+$0xFAB0] =	vst v0;
	v0 =	vadd.f32 v6, v1;
	v1 =	vld [tilespmem:s29+$0x96F0]  }
0x88: {  	v6 =	vld [tilespmem:s29+$0x64F0]  }
0x89: {  	[tilespmem:s29+$0xFAC0] =	vst v0;
	v0 =	vadd.f32 v5, v3;
	v3 =	vld [tilespmem:s29+$0x9700]  }
0x8a: {  	v5 =	vld [tilespmem:s29+$0x6500]  }
0x8b: {  	[tilespmem:s29+$0xFAD0] =	vst v0;
	v0 =	vadd.f32 v4, v2;
	v2 =	vld [tilespmem:s29+$0x9710]  }
0x8c: {  	v4 =	vld [tilespmem:s29+$0x6510]  }
0x8d: {  	[tilespmem:s29+$0xFAE0] =	vst v0;
	v0 =	vadd.f32 v6, v1;
	v1 =	vld [tilespmem:s29+$0x9720]  }
0x8e: {  	v6 =	vld [tilespmem:s29+$0x6520]  }
0x8f: {  	[tilespmem:s29+$0xFAF0] =	vst v0;
	v0 =	vadd.f32 v5, v3;
	v3 =	vld [tilespmem:s29+$0x9730]  }
0x90: {  	v5 =	vld [tilespmem:s29+$0x6530]  }
0x91: {  	[tilespmem:s29+$0xFB00] =	vst v0;
	v0 =	vadd.f32 v4, v2;
	v2 =	vld [tilespmem:s29+$0x9740]  }
0x92: {  	v4 =	vld [tilespmem:s29+$0x6540]  }
0x93: {  	[tilespmem:s29+$0xFB10] =	vst v0;
	v0 =	vadd.f32 v6, v1;
	v1 =	vld [tilespmem:s29+$0x9750]  }
0x94: {  	v6 =	vld [tilespmem:s29+$0x6550]  }
0x95: {  	[tilespmem:s29+$0xFB20] =	vst v0;
	v0 =	vadd.f32 v5, v3;
	v3 =	vld [tilespmem:s29+$0x9760]  }
0x96: {  	v5 =	vld [tilespmem:s29+$0x6560]  }
0x97: {  	[tilespmem:s29+$0xFB30] =	vst v0;
	v0 =	vadd.f32 v4, v2;
	v2 =	vld [tilespmem:s29+$0x9770]  }
0x98: {  	v4 =	vld [tilespmem:s29+$0x6570]  }
0x99: {  	[tilespmem:s29+$0xFB40] =	vst v0;
	v0 =	vadd.f32 v6, v1;
	v1 =	vld [tilespmem:s29+$0x9780]  }
0x9a: {  	v6 =	vld [tilespmem:s29+$0x6580]  }
0x9b: {  	[tilespmem:s29+$0xFB50] =	vst v0;
	v0 =	vadd.f32 v5, v3;
	v3 =	vld [tilespmem:s29+$0x9790]  }
0x9c: {  	v5 =	vld [tilespmem:s29+$0x6590]  }
0x9d: {  	[tilespmem:s29+$0xFB60] =	vst v0;
	v0 =	vadd.f32 v4, v2;
	v2 =	vld [tilespmem:s29+$0x97A0]  }
0x9e: {  	v4 =	vld [tilespmem:s29+$0x65A0]  }
0x9f: {  	[tilespmem:s29+$0xFB70] =	vst v0;
	v0 =	vadd.f32 v6, v1;
	v1 =	vld [tilespmem:s29+$0x97B0]  }
0xa0: {  	v6 =	vld [tilespmem:s29+$0x65B0]  }
0xa1: {  	[tilespmem:s29+$0xFB80] =	vst v0;
	v0 =	vadd.f32 v5, v3;
	v5 =	vld [tilespmem:s29+$0x97C0]  }
0xa2: {  	v7 =	vld [tilespmem:s29+$0x65C0]  }
.Ltmp0:
0xa3: {  	[tilespmem:s29+$0xFB90] =	vst v0;
	v0 =	vadd.f32 v4, v2;
	v2 =	vld [tilespmem:s29+$0x97D0];
	(pc) =	sbr.rel @p0 .LBB2_3-.Ltmp0, $4  }
0xa4: {  	v3 =	vld [tilespmem:s29+$0x65D0]  }
0xa5: {  	[tilespmem:s29+$0xFBA0] =	vst v0;
	v6 =	vadd.f32 v6, v1;
	v0 =	vld [tilespmem:s29+$0x97E0]  }
0xa6: {  	s1 =	sshra.s32 s31, $0x2;
	v4 =	vld [tilespmem:s29+$0x65E0]  }
0xa7: {  	s31 =	sadd.s32 $0x800, s31;
	v1 =	vld [tilespmem:s1+$0x97F0];
	[tilespmem:s29+$0xFBB0] =	vst v6;
	v5 =	vadd.f32 v7, v5  }
0xa8: {  	v6 =	vld [tilespmem:s1+$0x65F0]  }
0xa9: {  	v7 =	vld [tilespmem:s1+$0x9600];
	[tilespmem:s29+$0xFBC0] =	vst v5;
	v2 =	vadd.f32 v3, v2  }
0xaa: {  	v3 =	vld [tilespmem:s1+$0x6400]  }
0xab: {  	v5 =	vld [tilespmem:s1+$0x9610];
	[tilespmem:s29+$0xFBD0] =	vst v2;
	v0 =	vadd.f32 v4, v0  }
0xac: {  	v2 =	vld [tilespmem:s1+$0x6410]  }
0xad: {  	v4 =	vld [tilespmem:s1+$0x9620];
	[tilespmem:s29+$0xFBE0] =	vst v0  }
0xae: {  	v0 =	vadd.f32 v6, v1;
	v1 =	vld [tilespmem:s1+$0x6420]  }
0xaf: {  	v6 =	vld [tilespmem:s1+$0x9630]  }
0xb0: {  	v3 =	vadd.f32 v3, v7;
	[tilespmem:s1+$0xFBF0] =	vst v0;
	v0 =	vld [tilespmem:s1+$0x6430]  }
0xb1: {  	v7 =	vld [tilespmem:s1+$0x65E0]  }
0xb2: {  	[tilespmem:s1+$0xFA00] =	vst v3;
	v2 =	vadd.f32 v2, v5;
	v3 =	vld [tilespmem:s1+$0x9640]  }
0xb3: {  	v5 =	vld [tilespmem:s1+$0x6440]  }
0xb4: {  	[tilespmem:s1+$0xFA10] =	vst v2;
	v2 =	vld [tilespmem:s1+$0x9650]  }
0xb5: {  	v1 =	vadd.f32 v1, v4;
	v4 =	vld [tilespmem:s1+$0x6450]  }
0xb6: {  	v0 =	vadd.f32 v0, v6;
	v6 =	vld [tilespmem:s1+$0x6460]  }
0xb7: {  	[tilespmem:s1+$0xFA20] =	vst v1;
	v1 =	vld [tilespmem:s1+$0x9660]  }
0xb8: {  	[tilespmem:s1+$0xFA30] =	vst v0;
	v0 =	vadd.f32 v5, v3;
	v3 =	vld [tilespmem:s1+$0x9670]  }
0xb9: {  	v5 =	vld [tilespmem:s1+$0x6470]  }
0xba: {  	[tilespmem:s1+$0xFA40] =	vst v0;
	v0 =	vadd.f32 v4, v2;
	v2 =	vld [tilespmem:s1+$0x9680]  }
0xbb: {  	v4 =	vld [tilespmem:s1+$0x6480]  }
0xbc: {  	[tilespmem:s1+$0xFA50] =	vst v0;
	v0 =	vadd.f32 v6, v1;
	v1 =	vld [tilespmem:s1+$0x9690]  }
0xbd: {  	v6 =	vld [tilespmem:s1+$0x6490]  }
0xbe: {  	[tilespmem:s1+$0xFA60] =	vst v0;
	v0 =	vadd.f32 v5, v3;
	v3 =	vld [tilespmem:s1+$0x96A0]  }
0xbf: {  	v5 =	vld [tilespmem:s1+$0x64A0]  }
0xc0: {  	[tilespmem:s1+$0xFA70] =	vst v0;
	v0 =	vadd.f32 v4, v2;
	v2 =	vld [tilespmem:s1+$0x96B0]  }
0xc1: {  	v4 =	vld [tilespmem:s1+$0x64B0]  }
0xc2: {  	[tilespmem:s1+$0xFA80] =	vst v0;
	v0 =	vadd.f32 v6, v1;
	v1 =	vld [tilespmem:s1+$0x96C0]  }
0xc3: {  	v6 =	vld [tilespmem:s1+$0x64C0]  }
0xc4: {  	[tilespmem:s1+$0xFA90] =	vst v0;
	v0 =	vadd.f32 v5, v3;
	v3 =	vld [tilespmem:s1+$0x96D0]  }
0xc5: {  	v5 =	vld [tilespmem:s1+$0x64D0]  }
0xc6: {  	[tilespmem:s1+$0xFAA0] =	vst v0;
	v0 =	vadd.f32 v4, v2;
	v2 =	vld [tilespmem:s1+$0x96E0]  }
0xc7: {  	v4 =	vld [tilespmem:s1+$0x64E0]  }
0xc8: {  	[tilespmem:s1+$0xFAB0] =	vst v0;
	v0 =	vadd.f32 v6, v1;
	v1 =	vld [tilespmem:s1+$0x96F0]  }
0xc9: {  	v6 =	vld [tilespmem:s1+$0x64F0]  }
0xca: {  	[tilespmem:s1+$0xFAC0] =	vst v0;
	v0 =	vadd.f32 v5, v3;
	v3 =	vld [tilespmem:s1+$0x9700]  }
0xcb: {  	v5 =	vld [tilespmem:s1+$0x6500]  }
0xcc: {  	[tilespmem:s1+$0xFAD0] =	vst v0;
	v0 =	vadd.f32 v4, v2;
	v2 =	vld [tilespmem:s1+$0x9710]  }
0xcd: {  	v4 =	vld [tilespmem:s1+$0x6510]  }
0xce: {  	[tilespmem:s1+$0xFAE0] =	vst v0;
	v0 =	vadd.f32 v6, v1;
	v1 =	vld [tilespmem:s1+$0x9720]  }
0xcf: {  	v6 =	vld [tilespmem:s1+$0x6520]  }
0xd0: {  	[tilespmem:s1+$0xFAF0] =	vst v0;
	v0 =	vadd.f32 v5, v3;
	v3 =	vld [tilespmem:s1+$0x9730]  }
0xd1: {  	v5 =	vld [tilespmem:s1+$0x6530]  }
0xd2: {  	[tilespmem:s1+$0xFB00] =	vst v0;
	v0 =	vadd.f32 v4, v2;
	v2 =	vld [tilespmem:s1+$0x9740]  }
0xd3: {  	v4 =	vld [tilespmem:s1+$0x6540]  }
0xd4: {  	[tilespmem:s1+$0xFB10] =	vst v0;
	v0 =	vadd.f32 v6, v1;
	v1 =	vld [tilespmem:s1+$0x9750]  }
0xd5: {  	v6 =	vld [tilespmem:s1+$0x6550]  }
0xd6: {  	[tilespmem:s1+$0xFB20] =	vst v0;
	v0 =	vadd.f32 v5, v3;
	v3 =	vld [tilespmem:s1+$0x9760]  }
0xd7: {  	v5 =	vld [tilespmem:s1+$0x6560]  }
0xd8: {  	[tilespmem:s1+$0xFB30] =	vst v0;
	v0 =	vadd.f32 v4, v2;
	v2 =	vld [tilespmem:s1+$0x9770]  }
0xd9: {  	v4 =	vld [tilespmem:s1+$0x6570]  }
0xda: {  	[tilespmem:s1+$0xFB40] =	vst v0;
	v0 =	vadd.f32 v6, v1;
	v1 =	vld [tilespmem:s1+$0x9780]  }
0xdb: {  	v6 =	vld [tilespmem:s1+$0x6580]  }
0xdc: {  	[tilespmem:s1+$0xFB50] =	vst v0;
	v0 =	vadd.f32 v5, v3;
	v3 =	vld [tilespmem:s1+$0x9790]  }
0xdd: {  	v5 =	vld [tilespmem:s1+$0x6590]  }
0xde: {  	[tilespmem:s1+$0xFB60] =	vst v0;
	v0 =	vadd.f32 v4, v2;
	v2 =	vld [tilespmem:s1+$0x97A0]  }
0xdf: {  	v4 =	vld [tilespmem:s1+$0x65A0]  }
0xe0: {  	[tilespmem:s1+$0xFB70] =	vst v0;
	v0 =	vadd.f32 v6, v1;
	v1 =	vld [tilespmem:s1+$0x97B0]  }
0xe1: {  	v6 =	vld [tilespmem:s1+$0x65B0]  }
0xe2: {  	[tilespmem:s1+$0xFB80] =	vst v0;
	v0 =	vadd.f32 v5, v3;
	v3 =	vld [tilespmem:s1+$0x97C0]  }
0xe3: {  	v5 =	vld [tilespmem:s1+$0x65C0]  }
0xe4: {  	[tilespmem:s1+$0xFB90] =	vst v0;
	v0 =	vadd.f32 v4, v2;
	v2 =	vld [tilespmem:s1+$0x97D0]  }
0xe5: {  	v4 =	vld [tilespmem:s1+$0x65D0]  }
0xe6: {  	[tilespmem:s1+$0xFBA0] =	vst v0;
	v0 =	vld [tilespmem:s1+$0x97E0];
	_ =	sdelay $0x1  }
0xe7: {  	v1 =	vadd.f32 v6, v1  }
0xe8: {  	v3 =	vadd.f32 v5, v3  }
0xe9: {  	s29 =	sadd.s32 s4, s30;
	[tilespmem:s1+$0xFBB0] =	vst v1;
	v1 =	vadd.f32 v4, v2  }
0xea: {  	s29 =	smul.u32 $0x640, s29;
	[tilespmem:s1+$0xFBC0] =	vst v3;
	v0 =	vadd.f32 v7, v0  }
0xeb: {  	p0 =	seq.s32 s26, $0x3F;
	[tilespmem:s1+$0xFBD0] =	vst v1  }
0xec: {  	s31 =	sadd.s32 s2, s29;
	[tilespmem:s1+$0xFBE0] =	vst v0;
	s1 =	simm.s32 @!p0 $0x5  }
0xed: {  	[hbm4b:s31+s3] =	stream.linear.scatter [tilespmem:s19], [sflag:$0x5], $0x3200, $0x38;
	[tilespmem:$0x15E00] =	vst v63  }
0xee: {  	s29 =	smul.u32 @!p0 $0x640, s26;
	_ =	swait.ge @!p0 [sflag:s1], $0x3200  }
0xef: {  	[sflag:s1] =	ssyncset.done @!p0 $0x0  }
0xf0: {  	[sflag:s1] =	ssyncadd.s32 @!p0 $0xFFFFCE00;
	s1 =	sshra.s32 @!p0 s29, $0x2  }
0xf1: {  	s30 =	simm.s32 @!p0 $0x80;
	s31 =	simm.s32 @!p0 $0x9600;
	s29 =	sadd.s32 @!p0 $0x190, s1  }
0xf2: {  	[tilespmem:s31], [sflag:$0x1] =	stream.indirect.gather @!p0 [hbm4b:s5+s30], $0x40, s29, s30, $0xb8;
	[tilespmem:$0x15E00] =	vst v63  }
0xf3: {  	s1 =	sadd.s32 @!p0 $0x210, s1;
	s29 =	simm.s32 @!p0 $0x48;
	s30 =	simm.s32 @!p0 $0xB600  }
0xf4: {  	[tilespmem:s30], [sflag:$0x3] =	stream.indirect.gather @!p0 [hbm4b:s5+s29], $0x40, s1, s29, $0xb8;
	[tilespmem:$0x15E00] =	vst v63  }
0xf5: {  	_ =	swait.ge [sflag:s20], $0x2000  }
0xf6: {  	[sflag:s20] =	ssyncset.done $0x0  }
0xf7: {  	[sflag:s20] =	ssyncadd.s32 $0xFFFFE000  }
0xf8: {  	_ =	swait.ge [sflag:s21], $0x1200  }
0xf9: {  	[sflag:s21] =	ssyncset.done $0x0  }
0xfa: {  	s29 =	simm.s32 $0x0;
	[sflag:s21] =	ssyncadd.s32 $0xFFFFEE00  }
0xfb: {  	v0 =	vld [tilespmem:s29+$0xC9F0]  }
0xfc: {  	v1 =	vld [tilespmem:s29+$0x65F0]  }
0xfd: {  	v2 =	vld [tilespmem:s29+$0xC800]  }
0xfe: {  	v3 =	vld [tilespmem:s29+$0x6400]  }
0xff: {  	v4 =	vld [tilespmem:s29+$0xC810]  }
0x100: {  	v5 =	vld [tilespmem:s29+$0x6410]  }
0x101: {  	v6 =	vld [tilespmem:s29+$0xC820]  }
0x102: {  	v7 =	vld [tilespmem:s29+$0xC830];
	v0 =	vadd.f32 v1, v0  }
0x103: {  	v1 =	vld [tilespmem:s29+$0x6420]  }
0x104: {  	v2 =	vadd.f32 v3, v2;
	[tilespmem:s29+$0x12DF0] =	vst v0;
	v0 =	vld [tilespmem:s29+$0x6430]  }
0x105: {  	v3 =	vld [tilespmem:s29+$0xC840]  }
0x106: {  	[tilespmem:s29+$0x12C00] =	vst v2;
	v2 =	vadd.f32 v5, v4;
	v4 =	vld [tilespmem:s29+$0x6440]  }
0x107: {  	v5 =	vld [tilespmem:s29+$0x6450]  }
0x108: {  	[tilespmem:s29+$0x12C10] =	vst v2;
	v2 =	vld [tilespmem:s29+$0xC850];
	v1 =	vadd.f32 v1, v6  }
0x109: {  	v6 =	vld [tilespmem:s29+$0x6460];
	v0 =	vadd.f32 v0, v7  }
0x10a: {  	[tilespmem:s29+$0x12C20] =	vst v1;
	v1 =	vld [tilespmem:s29+$0xC860]  }
0x10b: {  	[tilespmem:s29+$0x12C30] =	vst v0;
	v0 =	vadd.f32 v4, v3;
	v3 =	vld [tilespmem:s29+$0xC870]  }
0x10c: {  	v4 =	vld [tilespmem:s29+$0x6470]  }
0x10d: {  	[tilespmem:s29+$0x12C40] =	vst v0;
	v0 =	vadd.f32 v5, v2;
	v2 =	vld [tilespmem:s29+$0xC880]  }
0x10e: {  	v5 =	vld [tilespmem:s29+$0x6480]  }
0x10f: {  	[tilespmem:s29+$0x12C50] =	vst v0;
	v0 =	vadd.f32 v6, v1;
	v1 =	vld [tilespmem:s29+$0xC890]  }
0x110: {  	v6 =	vld [tilespmem:s29+$0x6490]  }
0x111: {  	[tilespmem:s29+$0x12C60] =	vst v0;
	v0 =	vadd.f32 v4, v3;
	v3 =	vld [tilespmem:s29+$0xC8A0]  }
0x112: {  	v4 =	vld [tilespmem:s29+$0x64A0]  }
0x113: {  	[tilespmem:s29+$0x12C70] =	vst v0;
	v0 =	vadd.f32 v5, v2;
	v2 =	vld [tilespmem:s29+$0xC8B0]  }
0x114: {  	v5 =	vld [tilespmem:s29+$0x64B0]  }
0x115: {  	[tilespmem:s29+$0x12C80] =	vst v0;
	v0 =	vadd.f32 v6, v1;
	v1 =	vld [tilespmem:s29+$0xC8C0]  }
0x116: {  	v6 =	vld [tilespmem:s29+$0x64C0]  }
0x117: {  	[tilespmem:s29+$0x12C90] =	vst v0;
	v0 =	vadd.f32 v4, v3;
	v3 =	vld [tilespmem:s29+$0xC8D0]  }
0x118: {  	v4 =	vld [tilespmem:s29+$0x64D0]  }
0x119: {  	[tilespmem:s29+$0x12CA0] =	vst v0;
	v0 =	vadd.f32 v5, v2;
	v2 =	vld [tilespmem:s29+$0xC8E0]  }
0x11a: {  	v5 =	vld [tilespmem:s29+$0x64E0]  }
0x11b: {  	[tilespmem:s29+$0x12CB0] =	vst v0;
	v0 =	vadd.f32 v6, v1;
	v1 =	vld [tilespmem:s29+$0xC8F0]  }
0x11c: {  	v6 =	vld [tilespmem:s29+$0x64F0]  }
0x11d: {  	[tilespmem:s29+$0x12CC0] =	vst v0;
	v0 =	vadd.f32 v4, v3;
	v3 =	vld [tilespmem:s29+$0xC900]  }
0x11e: {  	v4 =	vld [tilespmem:s29+$0x6500]  }
0x11f: {  	[tilespmem:s29+$0x12CD0] =	vst v0;
	v0 =	vadd.f32 v5, v2;
	v2 =	vld [tilespmem:s29+$0xC910]  }
0x120: {  	v5 =	vld [tilespmem:s29+$0x6510]  }
0x121: {  	[tilespmem:s29+$0x12CE0] =	vst v0;
	v0 =	vadd.f32 v6, v1;
	v1 =	vld [tilespmem:s29+$0xC920]  }
0x122: {  	v6 =	vld [tilespmem:s29+$0x6520]  }
0x123: {  	[tilespmem:s29+$0x12CF0] =	vst v0;
	v0 =	vadd.f32 v4, v3;
	v3 =	vld [tilespmem:s29+$0xC930]  }
0x124: {  	v4 =	vld [tilespmem:s29+$0x6530]  }
0x125: {  	[tilespmem:s29+$0x12D00] =	vst v0;
	v0 =	vadd.f32 v5, v2;
	v2 =	vld [tilespmem:s29+$0xC940]  }
0x126: {  	v5 =	vld [tilespmem:s29+$0x6540]  }
0x127: {  	[tilespmem:s29+$0x12D10] =	vst v0;
	v0 =	vadd.f32 v6, v1;
	v1 =	vld [tilespmem:s29+$0xC950]  }
0x128: {  	v6 =	vld [tilespmem:s29+$0x6550]  }
0x129: {  	[tilespmem:s29+$0x12D20] =	vst v0;
	v0 =	vadd.f32 v4, v3;
	v3 =	vld [tilespmem:s29+$0xC960]  }
0x12a: {  	v4 =	vld [tilespmem:s29+$0x6560]  }
0x12b: {  	[tilespmem:s29+$0x12D30] =	vst v0;
	v0 =	vadd.f32 v5, v2;
	v2 =	vld [tilespmem:s29+$0xC970]  }
0x12c: {  	v5 =	vld [tilespmem:s29+$0x6570]  }
0x12d: {  	[tilespmem:s29+$0x12D40] =	vst v0;
	v0 =	vadd.f32 v6, v1;
	v1 =	vld [tilespmem:s29+$0xC980]  }
0x12e: {  	v6 =	vld [tilespmem:s29+$0x6580]  }
0x12f: {  	[tilespmem:s29+$0x12D50] =	vst v0;
	v0 =	vadd.f32 v4, v3;
	v3 =	vld [tilespmem:s29+$0xC990]  }
0x130: {  	v4 =	vld [tilespmem:s29+$0x6590]  }
0x131: {  	[tilespmem:s29+$0x12D60] =	vst v0;
	v0 =	vadd.f32 v5, v2;
	v2 =	vld [tilespmem:s29+$0xC9A0]  }
0x132: {  	v5 =	vld [tilespmem:s29+$0x65A0]  }
0x133: {  	[tilespmem:s29+$0x12D70] =	vst v0;
	v0 =	vadd.f32 v6, v1;
	v1 =	vld [tilespmem:s29+$0xC9B0]  }
0x134: {  	v6 =	vld [tilespmem:s29+$0x65B0]  }
0x135: {  	v8 =	vld [tilespmem:s29+$0x65C0]  }
0x136: {  	v7 =	vld [tilespmem:s29+$0xC9C0];
	[tilespmem:s29+$0x12D80] =	vst v0;
	v0 =	vadd.f32 v4, v3  }
0x137: {  	v3 =	vld [tilespmem:s29+$0x65D0]  }
0x138: {  	[tilespmem:s29+$0x12D90] =	vst v0;
	v0 =	vadd.f32 v5, v2;
	v2 =	vld [tilespmem:s29+$0xC9D0]  }
0x139: {  	v4 =	vld [tilespmem:s29+$0x65E0];
	v5 =	vadd.f32 v6, v1  }
0x13a: {  	s1 =	simm.s32 $0x200;
	[tilespmem:s29+$0x12DA0] =	vst v0;
	v0 =	vld [tilespmem:s29+$0xC9E0]  }
0x13b: {  	s30 =	simm.s32 $0x1000;
	v1 =	vld [tilespmem:s1+$0xC9F0];
	[tilespmem:s29+$0x12DB0] =	vst v5;
	v5 =	vadd.f32 v8, v7  }
.LBB2_5:
0x13c: {  	p0 =	sne.s32 s30, $0xC000;
	v6 =	vld [tilespmem:s1+$0x65F0]  }
0x13d: {  	v7 =	vld [tilespmem:s1+$0xC800];
	[tilespmem:s29+$0x12DC0] =	vst v5;
	v2 =	vadd.f32 v3, v2  }
0x13e: {  	v3 =	vld [tilespmem:s1+$0x6400]  }
0x13f: {  	v5 =	vld [tilespmem:s1+$0xC810];
	[tilespmem:s29+$0x12DD0] =	vst v2;
	v0 =	vadd.f32 v4, v0  }
0x140: {  	v2 =	vld [tilespmem:s1+$0x6410]  }
0x141: {  	v4 =	vld [tilespmem:s1+$0xC820];
	v1 =	vadd.f32 v6, v1;
	[tilespmem:s29+$0x12DE0] =	vst v0;
	s29 =	smov.u32 s1  }
0x142: {  	v0 =	vld [tilespmem:s29+$0x6420]  }
0x143: {  	v3 =	vadd.f32 v3, v7;
	v6 =	vld [tilespmem:s29+$0xC830];
	[tilespmem:s29+$0x12DF0] =	vst v1  }
0x144: {  	v1 =	vld [tilespmem:s29+$0x6430]  }
0x145: {  	[tilespmem:s29+$0x12C00] =	vst v3;
	v2 =	vadd.f32 v2, v5;
	v3 =	vld [tilespmem:s29+$0xC840]  }
0x146: {  	v5 =	vld [tilespmem:s29+$0x6440]  }
0x147: {  	[tilespmem:s29+$0x12C10] =	vst v2;
	v0 =	vadd.f32 v0, v4;
	v2 =	vld [tilespmem:s29+$0xC850]  }
0x148: {  	v4 =	vld [tilespmem:s29+$0x6450]  }
0x149: {  	[tilespmem:s29+$0x12C20] =	vst v0;
	v0 =	vadd.f32 v1, v6;
	v1 =	vld [tilespmem:s29+$0xC860]  }
0x14a: {  	v6 =	vld [tilespmem:s29+$0x6460]  }
0x14b: {  	[tilespmem:s29+$0x12C30] =	vst v0;
	v0 =	vadd.f32 v5, v3;
	v3 =	vld [tilespmem:s29+$0xC870]  }
0x14c: {  	v5 =	vld [tilespmem:s29+$0x6470]  }
0x14d: {  	[tilespmem:s29+$0x12C40] =	vst v0;
	v0 =	vadd.f32 v4, v2;
	v2 =	vld [tilespmem:s29+$0xC880]  }
0x14e: {  	v4 =	vld [tilespmem:s29+$0x6480]  }
0x14f: {  	[tilespmem:s29+$0x12C50] =	vst v0;
	v0 =	vadd.f32 v6, v1;
	v1 =	vld [tilespmem:s29+$0xC890]  }
0x150: {  	v6 =	vld [tilespmem:s29+$0x6490]  }
0x151: {  	[tilespmem:s29+$0x12C60] =	vst v0;
	v0 =	vadd.f32 v5, v3;
	v3 =	vld [tilespmem:s29+$0xC8A0]  }
0x152: {  	v5 =	vld [tilespmem:s29+$0x64A0]  }
0x153: {  	[tilespmem:s29+$0x12C70] =	vst v0;
	v0 =	vadd.f32 v4, v2;
	v2 =	vld [tilespmem:s29+$0xC8B0]  }
0x154: {  	v4 =	vld [tilespmem:s29+$0x64B0]  }
0x155: {  	[tilespmem:s29+$0x12C80] =	vst v0;
	v0 =	vadd.f32 v6, v1;
	v1 =	vld [tilespmem:s29+$0xC8C0]  }
0x156: {  	v6 =	vld [tilespmem:s29+$0x64C0]  }
0x157: {  	[tilespmem:s29+$0x12C90] =	vst v0;
	v0 =	vadd.f32 v5, v3;
	v3 =	vld [tilespmem:s29+$0xC8D0]  }
0x158: {  	v5 =	vld [tilespmem:s29+$0x64D0]  }
0x159: {  	[tilespmem:s29+$0x12CA0] =	vst v0;
	v0 =	vadd.f32 v4, v2;
	v2 =	vld [tilespmem:s29+$0xC8E0]  }
0x15a: {  	v4 =	vld [tilespmem:s29+$0x64E0]  }
0x15b: {  	[tilespmem:s29+$0x12CB0] =	vst v0;
	v0 =	vadd.f32 v6, v1;
	v1 =	vld [tilespmem:s29+$0xC8F0]  }
0x15c: {  	v6 =	vld [tilespmem:s29+$0x64F0]  }
0x15d: {  	[tilespmem:s29+$0x12CC0] =	vst v0;
	v0 =	vadd.f32 v5, v3;
	v3 =	vld [tilespmem:s29+$0xC900]  }
0x15e: {  	v5 =	vld [tilespmem:s29+$0x6500]  }
0x15f: {  	[tilespmem:s29+$0x12CD0] =	vst v0;
	v0 =	vadd.f32 v4, v2;
	v2 =	vld [tilespmem:s29+$0xC910]  }
0x160: {  	v4 =	vld [tilespmem:s29+$0x6510]  }
0x161: {  	[tilespmem:s29+$0x12CE0] =	vst v0;
	v0 =	vadd.f32 v6, v1;
	v1 =	vld [tilespmem:s29+$0xC920]  }
0x162: {  	v6 =	vld [tilespmem:s29+$0x6520]  }
0x163: {  	[tilespmem:s29+$0x12CF0] =	vst v0;
	v0 =	vadd.f32 v5, v3;
	v3 =	vld [tilespmem:s29+$0xC930]  }
0x164: {  	v5 =	vld [tilespmem:s29+$0x6530]  }
0x165: {  	[tilespmem:s29+$0x12D00] =	vst v0;
	v0 =	vadd.f32 v4, v2;
	v2 =	vld [tilespmem:s29+$0xC940]  }
0x166: {  	v4 =	vld [tilespmem:s29+$0x6540]  }
0x167: {  	[tilespmem:s29+$0x12D10] =	vst v0;
	v0 =	vadd.f32 v6, v1;
	v1 =	vld [tilespmem:s29+$0xC950]  }
0x168: {  	v6 =	vld [tilespmem:s29+$0x6550]  }
0x169: {  	[tilespmem:s29+$0x12D20] =	vst v0;
	v0 =	vadd.f32 v5, v3;
	v3 =	vld [tilespmem:s29+$0xC960]  }
0x16a: {  	v5 =	vld [tilespmem:s29+$0x6560]  }
0x16b: {  	[tilespmem:s29+$0x12D30] =	vst v0;
	v0 =	vadd.f32 v4, v2;
	v2 =	vld [tilespmem:s29+$0xC970]  }
0x16c: {  	v4 =	vld [tilespmem:s29+$0x6570]  }
0x16d: {  	[tilespmem:s29+$0x12D40] =	vst v0;
	v0 =	vadd.f32 v6, v1;
	v1 =	vld [tilespmem:s29+$0xC980]  }
0x16e: {  	v6 =	vld [tilespmem:s29+$0x6580]  }
0x16f: {  	[tilespmem:s29+$0x12D50] =	vst v0;
	v0 =	vadd.f32 v5, v3;
	v3 =	vld [tilespmem:s29+$0xC990]  }
0x170: {  	v5 =	vld [tilespmem:s29+$0x6590]  }
0x171: {  	[tilespmem:s29+$0x12D60] =	vst v0;
	v0 =	vadd.f32 v4, v2;
	v2 =	vld [tilespmem:s29+$0xC9A0]  }
0x172: {  	v4 =	vld [tilespmem:s29+$0x65A0]  }
0x173: {  	[tilespmem:s29+$0x12D70] =	vst v0;
	v0 =	vadd.f32 v6, v1;
	v1 =	vld [tilespmem:s29+$0xC9B0]  }
0x174: {  	v6 =	vld [tilespmem:s29+$0x65B0]  }
0x175: {  	[tilespmem:s29+$0x12D80] =	vst v0;
	v0 =	vadd.f32 v5, v3;
	v5 =	vld [tilespmem:s29+$0xC9C0]  }
0x176: {  	v7 =	vld [tilespmem:s29+$0x65C0]  }
.Ltmp1:
0x177: {  	[tilespmem:s29+$0x12D90] =	vst v0;
	v0 =	vadd.f32 v4, v2;
	v2 =	vld [tilespmem:s29+$0xC9D0];
	(pc) =	sbr.rel @p0 .LBB2_5-.Ltmp1, $4  }
0x178: {  	v3 =	vld [tilespmem:s29+$0x65D0]  }
0x179: {  	[tilespmem:s29+$0x12DA0] =	vst v0;
	v6 =	vadd.f32 v6, v1;
	v0 =	vld [tilespmem:s29+$0xC9E0]  }
0x17a: {  	s1 =	sshra.s32 s30, $0x2;
	v4 =	vld [tilespmem:s29+$0x65E0]  }
0x17b: {  	s30 =	sadd.s32 $0x800, s30;
	v1 =	vld [tilespmem:s1+$0xC9F0];
	[tilespmem:s29+$0x12DB0] =	vst v6;
	v5 =	vadd.f32 v7, v5  }
0x17c: {  	v6 =	vld [tilespmem:s1+$0x65F0]  }
0x17d: {  	v7 =	vld [tilespmem:s1+$0xC800];
	[tilespmem:s29+$0x12DC0] =	vst v5;
	v2 =	vadd.f32 v3, v2  }
0x17e: {  	v35 =	vld [tilespmem:s1+$0x6400]  }
0x17f: {  	v5 =	vld [tilespmem:s1+$0xC810];
	[tilespmem:s29+$0x12DD0] =	vst v2;
	v0 =	vadd.f32 v4, v0  }
0x180: {  	v2 =	vld [tilespmem:s1+$0x6410]  }
0x181: {  	v36 =	vld [tilespmem:s1+$0xC820];
	[tilespmem:s29+$0x12DE0] =	vst v0  }
0x182: {  	v38 =	vld [tilespmem:s1+$0x6420]  }
0x183: {  	v39 =	vld [tilespmem:s1+$0xC830]  }
0x184: {  	v40 =	vld [tilespmem:s1+$0x6430]  }
0x185: {  	v41 =	vld [tilespmem:s1+$0xC840]  }
0x186: {  	v42 =	vld [tilespmem:s1+$0x6440]  }
0x187: {  	v43 =	vld [tilespmem:s1+$0xC850]  }
0x188: {  	v44 =	vld [tilespmem:s1+$0x6450]  }
0x189: {  	v45 =	vld [tilespmem:s1+$0xC860]  }
0x18a: {  	v46 =	vld [tilespmem:s1+$0x6460]  }
0x18b: {  	v48 =	vld [tilespmem:s1+$0xC870]  }
0x18c: {  	v49 =	vld [tilespmem:s1+$0x6470]  }
0x18d: {  	v51 =	vld [tilespmem:s1+$0xC880]  }
0x18e: {  	v52 =	vld [tilespmem:s1+$0x6480]  }
0x18f: {  	v54 =	vld [tilespmem:s1+$0xC890]  }
0x190: {  	v55 =	vld [tilespmem:s1+$0x6490]  }
0x191: {  	v57 =	vld [tilespmem:s1+$0xC8A0]  }
0x192: {  	v58 =	vld [tilespmem:s1+$0x64A0]  }
0x193: {  	v60 =	vld [tilespmem:s1+$0xC8B0]  }
0x194: {  	v61 =	vld [tilespmem:s1+$0x64B0]  }
0x195: {  	v63 =	vld [tilespmem:s1+$0xC8C0]  }
0x196: {  	v9 =	vld [tilespmem:s1+$0x64C0]  }
0x197: {  	v11 =	vld [tilespmem:s1+$0xC8D0]  }
0x198: {  	v12 =	vld [tilespmem:s1+$0x64D0]  }
0x199: {  	v14 =	vld [tilespmem:s1+$0xC8E0]  }
0x19a: {  	v15 =	vld [tilespmem:s1+$0x64E0]  }
0x19b: {  	v17 =	vld [tilespmem:s1+$0xC8F0]  }
0x19c: {  	v18 =	vld [tilespmem:s1+$0x64F0]  }
0x19d: {  	v20 =	vld [tilespmem:s1+$0xC900]  }
0x19e: {  	v21 =	vld [tilespmem:s1+$0x6500]  }
0x19f: {  	v23 =	vld [tilespmem:s1+$0xC910]  }
0x1a0: {  	v37 =	vadd.f32 v6, v1;
	v24 =	vld [tilespmem:s1+$0x6510]  }
0x1a1: {  	v26 =	vld [tilespmem:s1+$0xC920];
	v3 =	vadd.f32 v35, v7  }
0x1a2: {  	v27 =	vld [tilespmem:s1+$0x6520];
	[tilespmem:s1+$0x12DF0] =	vst v37;
	v2 =	vadd.f32 v2, v5  }
0x1a3: {  	v29 =	vld [tilespmem:s1+$0xC930];
	[tilespmem:s1+$0x12C00] =	vst v3;
	v1 =	vadd.f32 v38, v36  }
0x1a4: {  	v30 =	vld [tilespmem:s1+$0x6530];
	[tilespmem:s1+$0x12C10] =	vst v2;
	v0 =	vadd.f32 v40, v39  }
0x1a5: {  	v32 =	vld [tilespmem:s1+$0xC940];
	v47 =	vadd.f32 v42, v41;
	[tilespmem:s1+$0x12C20] =	vst v1  }
0x1a6: {  	v33 =	vld [tilespmem:s1+$0x6540];
	v50 =	vadd.f32 v44, v43;
	[tilespmem:s1+$0x12C30] =	vst v0  }
0x1a7: {  	v35 =	vld [tilespmem:s1+$0xC950];
	v53 =	vadd.f32 v46, v45;
	[tilespmem:s1+$0x12C40] =	vst v47  }
0x1a8: {  	v56 =	vadd.f32 v49, v48;
	v36 =	vld [tilespmem:s1+$0x6550];
	[tilespmem:s1+$0x12C50] =	vst v50  }
0x1a9: {  	v59 =	vadd.f32 v52, v51;
	v38 =	vld [tilespmem:s1+$0xC960];
	[tilespmem:s1+$0x12C60] =	vst v53  }
0x1aa: {  	v62 =	vadd.f32 v55, v54;
	v39 =	vld [tilespmem:s1+$0x6560];
	[tilespmem:s1+$0x12C70] =	vst v56  }
0x1ab: {  	v10 =	vadd.f32 v58, v57;
	v41 =	vld [tilespmem:s1+$0xC970];
	[tilespmem:s1+$0x12C80] =	vst v59  }
0x1ac: {  	v13 =	vadd.f32 v61, v60;
	v42 =	vld [tilespmem:s1+$0x6570];
	[tilespmem:s1+$0x12C90] =	vst v62  }
0x1ad: {  	v16 =	vadd.f32 v9, v63;
	v44 =	vld [tilespmem:s1+$0xC980];
	[tilespmem:s1+$0x12CA0] =	vst v10  }
0x1ae: {  	v19 =	vadd.f32 v12, v11;
	v45 =	vld [tilespmem:s1+$0x6580];
	[tilespmem:s1+$0x12CB0] =	vst v13  }
0x1af: {  	v22 =	vadd.f32 v15, v14;
	v48 =	vld [tilespmem:s1+$0x6590];
	[tilespmem:s1+$0x12CC0] =	vst v16  }
0x1b0: {  	v25 =	vadd.f32 v18, v17;
	v51 =	vld [tilespmem:s1+$0x65A0];
	[tilespmem:s1+$0x12CD0] =	vst v19  }
0x1b1: {  	v28 =	vadd.f32 v21, v20;
	v54 =	vld [tilespmem:s1+$0x65B0];
	[tilespmem:s1+$0x12CE0] =	vst v22  }
0x1b2: {  	v31 =	vadd.f32 v24, v23;
	v57 =	vld [tilespmem:s1+$0x65C0];
	[tilespmem:s1+$0x12CF0] =	vst v25  }
0x1b3: {  	v34 =	vadd.f32 v27, v26;
	v60 =	vld [tilespmem:s1+$0x65D0];
	[tilespmem:s1+$0x12D00] =	vst v28  }
0x1b4: {  	v37 =	vadd.f32 v30, v29;
	v61 =	vld [tilespmem:s1+$0xC9E0];
	[tilespmem:s1+$0x12D10] =	vst v31  }
0x1b5: {  	v40 =	vadd.f32 v33, v32;
	[tilespmem:s1+$0x12D20] =	vst v34;
	v47 =	vld [tilespmem:s1+$0xC990]  }
0x1b6: {  	[tilespmem:s1+$0x12D30] =	vst v37;
	v50 =	vld [tilespmem:s1+$0xC9A0];
	v43 =	vadd.f32 v36, v35  }
0x1b7: {  	[tilespmem:s1+$0x12D40] =	vst v40;
	v53 =	vld [tilespmem:s1+$0xC9B0];
	v46 =	vadd.f32 v39, v38  }
0x1b8: {  	v56 =	vld [tilespmem:s1+$0xC9C0];
	v49 =	vadd.f32 v42, v41;
	[tilespmem:s1+$0x12D50] =	vst v43  }
0x1b9: {  	v59 =	vld [tilespmem:s1+$0xC9D0];
	v52 =	vadd.f32 v45, v44;
	[tilespmem:s1+$0x12D60] =	vst v46  }
0x1ba: {  	v62 =	vld [tilespmem:s1+$0x65E0];
	[tilespmem:s1+$0x12D70] =	vst v49;
	v55 =	vadd.f32 v48, v47  }
0x1bb: {  	[tilespmem:s1+$0x12D80] =	vst v52;
	v58 =	vadd.f32 v51, v50  }
0x1bc: {  	s26 =	sadd.s32 $0x1, s26;
	v1 =	vadd.f32 v54, v53;
	[tilespmem:s1+$0x12D90] =	vst v55  }
0x1bd: {  	p0 =	sne.s32 s26, $0x40;
	v3 =	vadd.f32 v57, v56;
	[tilespmem:s1+$0x12DA0] =	vst v58  }
.Ltmp2:
0x1be: {  	s28 =	sadd.s32 s4, s28;
	v63 =	vadd.f32 v60, v59;
	[tilespmem:s1+$0x12DB0] =	vst v1;
	(pc) =	sbr.rel @p0 .LBB2_2-.Ltmp2, $4  }
0x1bf: {  	s28 =	smul.u32 $0x640, s28;
	v0 =	vadd.f32 v62, v61;
	[tilespmem:s1+$0x12DC0] =	vst v3  }
0x1c0: {  	[tilespmem:s1+$0x12DD0] =	vst v63  }
0x1c1: {  	s31 =	sadd.s32 s2, s28;
	[tilespmem:s1+$0x12DE0] =	vst v0  }
0x1c2: {  	[hbm4b:s31+s3] =	stream.linear.scatter [tilespmem:s22], [sflag:$0x6], $0x3200, $0x38;
	[tilespmem:$0x15E00] =	vst v63  }
0x1c3: {  	s25 =	sadd.s32 $0x1, s25  }
0x1c4: {  	_ =	swait.ge [sflag:s23], $0x3200;
	p0 =	sne.s32 s25, s8  }
.Ltmp3:
0x1c5: {  	[sflag:s23] =	ssyncset.done $0x0;
	(pc) =	sbr.rel @p0 .LBB2_1-.Ltmp3, $4  }
0x1c6: {  	[sflag:s23] =	ssyncadd.s32 $0xFFFFCE00  }
0x1c7: {  	_ =	swait.ge [sflag:s24], $0x3200  }
0x1c8: {  	[sflag:s24] =	ssyncset.done $0x0  }
0x1c9: {  	[sflag:s24] =	ssyncadd.s32 $0xFFFFCE00  }
0x1ca: {  	_ =	sfence.sel $0x180000  }
0x1cb: {  	[bflag:$0x0] =	sbarrier.arrive $0xFFFF  }
0x1cc: {  	_ =	strace $0x90000047  }
0x1cd: {  	[bflag:$0x2] =	sbarrier.arrive $0xFFFF  }
0x1ce: {  	p0 =	sne.s32 s0, $0x0;
	s0 =	rddreg [dreg:$0x2]  }
0x1cf: {  	s0 =	sadd.s32 @!p0 $0x100000, s0  }
0x1d0: {  	[sflag:s0] =	ssyncadd.tile.s32 @!p0 $0x1;
	_ =	shalt  }
.Lfunc_end2:
_tile_overlayer_lowered:
.L_overlay_start_2:
0x1d1: {  	(tag) =	ssettag $0x2  }
0x1d2: {  	s0 =	rddreg [dreg:$0x0];
	s2 =	stileid.u32  }
0x1d3: {  	s1 =	rddreg [dreg:$0x1];
	p0 =	sne.s32 s2, $0x0  }
0x1d4: {  	s3 =	rddreg [dreg:$0x2];
	[bflag:$0x3] =	sbarrier.arrive $0xFFFF;
	s2 =	simm.s32 @!p0 $0x1C07  }
0x1d5: {  	[timem:s3], [sflag:s2] =	dma.local @!p0 [hbm:s0], s1  }
0x1d6: {  	s0 =	simm.s32 @!p0 $0x7  }
0x1d7: {  	_ =	swait.ge @!p0 [sflag:s0], s1  }
0x1d8: {  	s1 =	ssub.s32 @!p0 $0x0, s1;
	[sflag:s0] =	ssyncset.done @!p0 $0x0  }
0x1d9: {  	[sflag:s0] =	ssyncadd.s32 @!p0 s1  }
0x1da: {  	[bflag:$0x3] =	sbarrier.arrive $0xFFFF  }
0x1db: {  	_ =	shalt  }

// kernel: sparse-core-data-format-call.cloned.1.call-start
scs
called_computation_lowered:
.L_overlay_start_0:
0x0: {  	s2 =	sld [smem:$0x3FD9]  }
0x1: {  	s3 =	sld [smem:$0x3FFE];
	_ =	sdelay $0x1  }
0x2: {  	s1 =	srdreg.scid  }
0x3: {  	s0 =	sand.u32 $0x1, s1  }
0x4: {  	s18 =	sshll.u32 s0, $0xA;
	s2 =	sadd.s32 s3, s2  }
0x5: {  	s2 =	sadd.s32 s2, s18  }
0x6: {  	[smem:$0x3FC5] =	sst s2  }
0x7: {  	_ = 	snop  }
0x8: {  	s2 =	sld [smem:$0x3FD0];
	(tm) =	ssettm $0x1  }
0x9: {  	s19 =	sld [smem:$0x3FFB];
	_ =	sdelay $0x3  }
0xa: {  	_ =	strace s19  }
0xb: {  	s3 =	sld [smem:$0x3FFC];
	_ =	sdelay $0x3  }
0xc: {  	_ =	strace s3  }
0xd: {  	s3 =	sld [smem:$0x3FFD];
	_ =	sdelay $0x3  }
0xe: {  	_ =	strace s3  }
0xf: {  	_ =	strace $0x8FFFFFFF  }
0x10: {  	s20 =	sld [smem:$0x3FDB];
	_ =	sdelay $0x1  }
0x11: {  	s4 =	simm.s32 $_scs_section_size  }
0x12: {  	s5 =	simm.s32 $_size__tile_overlayer_lowered;
	s6 =	simm.s32 $_tile_overlayer_lowered  }
0x13: {  	s23 =	simm.s32 $0x1BFF;
	s22 =	sshll.u32 s6, $0x1;
	s3 =	sadd.s32 s4, s20  }
0x14: {  	s7 =	simm.s32 $0x0;
	s21 =	sshll.u32 s5, $0x1;
	s5 =	sadd.s32 s22, s3  }
0x15: {  	[timem:s7], [sflag:s23] =	dma.local [hbm:s5], s21  }
0x16: {  	_ =	swait.ge [sflag:s23], s21  }
0x17: {  	s4 =	ssub.s32 $0x0, s21;
	[sflag:s23] =	ssyncset.done $0x0  }
0x18: {  	[sflag:s23] =	ssyncadd.s32 s4;
	_ =	sdelay $0x1  }
0x19: {  	s24 =	simm.s32 $0x1B8B  }
0x1a: {  	_ =	swait.ge [sflag:s24], $0x1  }
0x1b: {  	[sflag:s24] =	ssyncset.done $0x0  }
0x1c: {  	s26 =	simm.s32 $0x1B8E;
	s25 =	sld [smem:$0x3FFE];
	[sflag:s24] =	ssyncadd.s32 $0xFFFFFFFF  }
0x1d: {  	s27 =	simm.s32 $execute0_lowered;
	[smem:$0x3FD2] =	sst s26  }
0x1e: {  	s5 =	sshll.u32 s27, $0x1;
	_ =	strace $0x80000049;
	[dreg:$0x1] =	wrdreg $0xFFFFFFFF  }
0x1f: {  	s28 =	simm.s32 $_size_execute0_lowered;
	s3 =	sadd.s32 s3, s5;
	[dreg:$0x0] =	wrdreg $0x0  }
0x20: {  	s5 =	sshll.u32 s28, $0x1;
	[dreg:$0x2] =	wrdreg s3  }
0x21: {  	[dreg:$0x3] =	wrdreg s5  }
0x22: {  	[dreg:$0x4] =	wrdreg $0xC0  }
0x23: {  	_ =	task [dreg:s7], $0x5FFFF  }
0x24: {  	[dreg:$0x1] =	wrdreg $0xFFFFFFFF  }
0x25: {  	[dreg:$0x0] =	wrdreg $0x60  }
0x26: {  	[dreg:$0x2] =	wrdreg s25  }
0x27: {  	[dreg:$0x3] =	wrdreg s2  }
0x28: {  	[dreg:$0x4] =	wrdreg $0x9  }
0x29: {  	_ =	task.clear_ibuf [dreg:s7], $0x5FFFF;
	_ =	strace $0x90000049  }
0x2a: {  	s29 =	simm.s32 $0x9;
	_ =	strace $0x8000004B  }
0x2b: {  	_ =	swait.ge [sflag:s29], $0x1  }
0x2c: {  	[sflag:s29] =	ssyncadd.s32 $0xFFFFFFFF  }
0x2d: {  	_ =	strace $0x9000004B  }
0x2e: {  	_ =	sfence  }
0x2f: {  	s30 =	sld [smem:$0x0];
	_ =	sdelay $0x2  }
0x30: {  	s31 =	sshll.u32 s1, $0xD;
	s1 =	sshrl.u32 s1, $0x2  }
0x31: {  	s3 =	sand.u32 $0x4000, s31;
	s1 =	sadd.s32 s1, s30  }
0x32: {  	s0 =	sor.u32 s3, s0;
	s1 =	sshll.u32 s1, $0x11  }
0x33: {  	s0 =	sor.u32 s1, s0  }
0x34: {  	s0 =	sadd.s32 $0x8F2B, s0  }
0x35: {  	[sflag:s0] =	ssyncadd.remote.s32 $0x1  }
0x36: {  	_ =	sfence.sel $0xFFFF  }
0x37: {  	[dreg:$0x0] =	wrdreg $0xFFFFFFFF;
	(pc) =	sbr.abs _section_cstart, $3  }
0x38: {  	[dreg:$0x1] =	wrdreg $0xFFFFFFFF  }
0x39: {  	_ =	task.clear_ibuf [dreg:s7], $0x2FFFF;
	_ =	strace $0x9FFFFFFF  }
0x3a: {  	(tm) =	ssettm $0x7FFFFFFF  }
0x3b: {  	_ =	shalt  }
tec
execute0_lowered:
.L_overlay_start_1:
0x0: {  	(tag) =	ssettag $0x1  }
0x1: {  	s0 =	srdreg.scid  }
0x2: {  	s1 =	sshll.u32 s0, $0x4  }
0x3: {  	s0 =	stileid.u32;
	s1 =	sand.u32 $0x10, s1  }
0x4: {  	s1 =	sor.u32 s0, s1  }
0x5: {  	s6 =	rddreg [dreg:$0x0];
	s4 =	simm.s32 $0x1;
	s2 =	sshll.u32 s1, $0x7  }
0x6: {  	s7 =	simm.s32 $0x2;
	s12 =	simm.s32 $0x0;
	s1 =	ssub.s32 $0x1000, s2  }
0x7: {  	s8 =	simm.s32 $0x8000;
	s13 =	simm.s32 $0x0;
	s3 =	sand.u32 $0xF80, s1  }
0x8: {  	s9 =	simm.s32 $0x0;
	s5 =	sshrl.u32 s1, $0xC;
	p0 =	sne.s32 s3, $0x0  }
.Ltmp0:
0x9: {  	s1 =	rddreg [dreg:$0x2];
	s4 =	simm.s32 @!p0 $0x0;
	(pc) =	sbr.rel .LBB1_1-.Ltmp0, $4  }
0xa: {  	s11 =	simm.s32 $0x0;
	s3 =	rddreg [dreg:$0x1];
	s5 =	sadd.s32 s4, s5  }
0xb: {  	_ =	strace $0x8000004A;
	s4 =	simm.s32 $0x1;
	s5 =	smul.u32 $0xC8, s5  }
0xc: {  	s6 =	sadd.s32 $0xC00, s6;
	s10 =	smov.u32 s2;
	[sflag:s4] =	ssyncpa.u1 $0x0  }
0xd: {  	p0 =	por $0x0, $0x0;
	[sflag:s7] =	ssyncpa.u1 $0x0;
	s7 =	sor.u32 $0x1, s5  }
.LBB1_4:
0xe: {  	s16 =	sshll.u32 s13, $0x3;
	s17 =	sand.u32 $0x78, s13  }
0xf: {  	s30 =	sand.u32 $0x7E00, s13;
	s12 =	sshll.u32 s12, $0xF;
	s16 =	sand.u32 $0xC00, s16  }
0x10: {  	[tilespmem:s15+$0x810 ss:$0x81] =	vst.msk $0xffff, v2;
	s31 =	sand.u32 $0x7, s13;
	s16 =	sor.u32 s17, s16;
	s17 =	sadd.s32 s3, s30  }
0x11: {  	[tilespmem:s15+$0x1020 ss:$0x81] =	vst.msk $0xffff, v0;
	s13 =	sshll.u32 s31, $0x12;
	s12 =	sadd.s32 s12, s17;
	s16 =	sshrl.u32 s16, $0x3  }
0x12: {  	[tilespmem:s15+$0x0 ss:$0x81] =	vst.msk $0xffff, v1;
	s13 =	sor.u32 $0x400, s13;
	s12 =	sadd.s32 s16, s12  }
0x13: {  	[hbm4b:s12+s13] =	stream.strided.scatter [tilespmem:s14], [sflag:$0x2], $0x2000, s8, s13, $0x20;
	[tilespmem:$0x8080] =	vst v63  }
.LBB1_5:
0x14: {  	s14 =	sadd.s32 $0x1, s9  }
0x15: {  	s12 =	sadd.s32 $0x1000, s10;
	s16 =	smov.u32 s10;
	p2 =	sgt.s32 s14, $0xC7  }
0x16: {  	s16 =	smov.u32 @p2 s12  }
0x17: {  	s14 =	simm.s32 @p2 $0x0;
	p2 =	sgt.s32 s16, $0xFFF  }
0x18: {  	s16 =	smov.u32 @p2 s2;
	p2 =	sne.s32 s11, s7  }
.Ltmp1:
0x19: {  	p1 =	slt.u32 s11, $0x2;
	(pc) =	sbr.rel @!p2 .LBB1_6-.Ltmp1, $4  }
0x1a: {  	s15 =	simm.s32 @!p1 $0x2  }
0x1b: {  	s13 =	smov.u32 s10;
	p0 =	por !p0, !p0;
	_ =	swait.ge @!p1 [sflag:s15], $0x2000  }
0x1c: {  	s12 =	smov.u32 s9;
	[sflag:s15] =	ssyncset.done @!p1 $0x0;
	s9 =	smov.u32 s14  }
0x1d: {  	s11 =	sadd.s32 $0x1, s11;
	[sflag:s15] =	ssyncadd.s32 @!p1 $0xFFFFE000;
	s10 =	smov.u32 s16  }
.LBB1_1:
0x1e: {  	p1 =	sge.u32 s11, s5  }
0x1f: {  	s14 =	sand.u32 @!p1 $0x1FFFFFF, s9  }
0x20: {  	s15 =	smulhi.u32 @!p1 $0x147AE15, s14;
	_ =	sdelay $0x1  }
0x21: {  	s15 =	smul.u32 @!p1 $0xC8, s15  }
0x22: {  	s16 =	sxor.u32 @!p1 $0xFFFFFFFF, s11;
	s17 =	smul.u32 @!p1 $0xC80, s10  }
0x23: {  	s31 =	sadd.s32 $0xFFFFFFFF, s11;
	s16 =	sshll.u32 @!p1 s16, $0xD;
	s14 =	ssub.s32 @!p1 s14, s15  }
0x24: {  	s15 =	sand.u32 @!p1 $0x2000, s16;
	s16 =	sadd.s32 @!p1 s6, s17;
	s14 =	sshll.u32 @!p1 s14, $0x4  }
0x25: {  	s17 =	simm.s32 @!p1 $0x6400;
	s14 =	sadd.s32 @!p1 s14, s16;
	s16 =	simm.s32 @!p1 $0x40  }
0x26: {  	[tilespmem:s15], [sflag:$0x1] =	stream.strided.gather @!p1 [hbm4b:s14+s16], $0x2000, s17, s16, $0x38;
	[tilespmem:$0x8080] =	vst v63  }
0x27: {  	p1 =	sge.u32 s31, s5  }
.Ltmp2:
0x28: {  	_ = 	snop;
	(pc) =	sbr.rel @p1 .LBB1_5-.Ltmp2, $1  }
0x29: {  	_ =	sdelay $0x3  }
0x2a: {  	s14 =	simm.s32 $0x1  }
0x2b: {  	_ =	swait.ge [sflag:s4], $0x2000;
	s14 =	simm.s32 @!p0 $0x0  }
0x2c: {  	[sflag:s4] =	ssyncset.done $0x0;
	s15 =	sshll.u32 s14, $0xD  }
0x2d: {  	[sflag:s4] =	ssyncadd.s32 $0xFFFFE000;
	s18 =	sor.u32 $0x20, s15  }
0x2e: {  	s14 =	smul.u32 $0x8100, s14;
	v3 =	vld [tilespmem:s18+$0x10]  }
0x2f: {  	s30 =	sand.u32 $0x1, s11;
	v2 =	vld [tilespmem:s18+$0xFFFFFFF0]  }
0x30: {  	s15 =	smul.u32 $0x8100, s30;
	s14 =	sshrl.u32 s14, $0x2;
	v0 =	vld [tilespmem:s18+$0x0]  }
0x31: {  	v1 =	vld [tilespmem:s18+$0xFFFFFFE0];
	s16 =	sor.u32 $0x4000, s14  }
0x32: {  	s31 =	sshrl.u32 s15, $0x2;
	s15 =	sadd.s32 $0x0, s16  }
0x33: {  	s17 =	simm.s32 $0x4;
	s18 =	sadd.s32 $0x40, s18;
	s14 =	sor.u32 $0x4000, s31;
	[tilespmem:s15+$0x1830 ss:$0x81] =	vst.msk $0xffff, v3  }
.LBB1_3:
0x34: {  	v3 =	vld [tilespmem:s18+$0x10];
	p1 =	sne.s32 s17, $0x1FC;
	[tilespmem:s15+$0x810 ss:$0x81] =	vst.msk $0xffff, v2;
	s19 =	smov.u32 s17;
	s17 =	sadd.s32 $0x4, s17  }
.Ltmp3:
0x35: {  	v2 =	vld [tilespmem:s18+$0xFFFFFFF0];
	[tilespmem:s15+$0x1020 ss:$0x81] =	vst.msk $0xffff, v0;
	(pc) =	sbr.rel @p1 .LBB1_3-.Ltmp3, $4  }
0x36: {  	v0 =	vld [tilespmem:s18+$0x0];
	[tilespmem:s15+$0x0 ss:$0x81] =	vst.msk $0xffff, v1  }
0x37: {  	s15 =	sshra.s32 s19, $0x2;
	v1 =	vld [tilespmem:s18+$0xFFFFFFE0]  }
0x38: {  	s15 =	sadd.s32 s15, s16  }
0x39: {  	s18 =	sadd.s32 $0x40, s18;
	[tilespmem:s15+$0x1830 ss:$0x81] =	vst.msk $0xffff, v3  }
.Ltmp4:
0x3a: {  	_ = 	snop;
	(pc) =	sbr.rel .LBB1_4-.Ltmp4, $1  }
0x3b: {  	_ =	sdelay $0x3  }
.LBB1_6:
0x3c: {  	_ =	sfence.sel $0x180000  }
0x3d: {  	s2 =	simm.s32 $0x1;
	[bflag:$0x0] =	sbarrier.arrive $0xFFFF  }
0x3e: {  	s31 =	simm.s32 $0x2;
	[sflag:s2] =	ssyncpa.u1 $0x1  }
0x3f: {  	[sflag:s31] =	ssyncpa.u1 $0x1  }
0x40: {  	p0 =	sne.s32 s0, $0x0;
	_ =	strace $0x9000004A  }
0x41: {  	s0 =	sadd.s32 @!p0 $0x100000, s1;
	[bflag:$0x2] =	sbarrier.arrive $0xFFFF  }
0x42: {  	[sflag:s0] =	ssyncadd.tile.s32 @!p0 $0x1;
	_ =	shalt  }
.Lfunc_end1:
_tile_overlayer_lowered:
.L_overlay_start_2:
0x43: {  	(tag) =	ssettag $0x2  }
0x44: {  	s0 =	rddreg [dreg:$0x0];
	s2 =	stileid.u32  }
0x45: {  	s1 =	rddreg [dreg:$0x1];
	p0 =	sne.s32 s2, $0x0  }
0x46: {  	s3 =	rddreg [dreg:$0x2];
	[bflag:$0x3] =	sbarrier.arrive $0xFFFF;
	s2 =	simm.s32 @!p0 $0x1C01  }
0x47: {  	[timem:s3], [sflag:s2] =	dma.local @!p0 [hbm:s0], s1  }
0x48: {  	s0 =	simm.s32 @!p0 $0x1  }
0x49: {  	_ =	swait.ge @!p0 [sflag:s0], s1  }
0x4a: {  	s1 =	ssub.s32 @!p0 $0x0, s1;
	[sflag:s0] =	ssyncset.done @!p0 $0x0  }
0x4b: {  	[sflag:s0] =	ssyncadd.s32 @!p0 s1  }
0x4c: {  	[bflag:$0x3] =	sbarrier.arrive $0xFFFF  }
0x4d: {  	_ =	shalt  }

</sc_bundles>
